<compile_context>
chip_gen: v7x
topology: tpu7x:2x2x1
jax: 0.10.2.dev20260603
libtpu: 0.0.44.dev20260713+nightly
codegen_flags: <defaults>
</compile_context>

<pallas_src>
import jax
import jax.numpy as jnp
from jax import lax
from jax.experimental import pallas as pl
from jax.experimental.pallas import tpu as pltpu
from jax.experimental.pallas import tpu_sc as plsc

_KEEP = 0.9
_INV_KEEP = 1.0 / _KEEP
_NNZ = 4294967

_M32 = 0xFFFFFFFF
_ROTS = ((13, 15, 26, 6), (17, 29, 16, 24))


def _fold_key():
    def rotl(x, d):
        return ((x << d) | (x >> (32 - d))) & _M32

    ks = (0, 0, 0x1BD11BDA)
    inj = ((1, 2), (2, 0), (0, 1), (1, 2), (2, 0))
    x0, x1 = 0, 1
    for g in range(5):
        for r in _ROTS[g % 2]:
            x0 = (x0 + x1) & _M32
            x1 = rotl(x1, r) ^ x0
        a, b = inj[g]
        x0 = (x0 + ks[a]) & _M32
        x1 = (x1 + ks[b] + g + 1) & _M32
    return x0, x1


_K0, _K1 = _fold_key()
_KS2 = _K0 ^ _K1 ^ 0x1BD11BDA
_INJ = (
    (_K1, (_KS2 + 1) & _M32),
    (_KS2, (_K0 + 2) & _M32),
    (_K0, (_K1 + 3) & _M32),
    (_K1, (_KS2 + 4) & _M32),
    (_KS2, (_K0 + 5) & _M32),
)
_BITS_THRESH = 0x19999A00


def _keep_mask(idx_u32):
    x0 = jnp.full(idx_u32.shape, _K0, jnp.uint32)
    x1 = idx_u32 + jnp.uint32(_K1)
    for g in range(5):
        for r in _ROTS[g % 2]:
            x0 = x0 + x1
            x1 = (
                lax.shift_left(x1, jnp.uint32(r))
                | lax.shift_right_logical(x1, jnp.uint32(32 - r))
            ) ^ x0
        a, b = _INJ[g]
        x0 = x0 + jnp.uint32(a)
        x1 = x1 + jnp.uint32(b)
    return (x0 ^ x1) >= jnp.uint32(_BITS_THRESH)


_T = 16384
_NTF = _NNZ // _T
_TS = 224
_S = _TS * _T
_TAIL_OFF = _NTF * _T
_TAIL = _NNZ - _TAIL_OFF
_TAIL_NV = -(-_TAIL // 16)
_NW = 32


def _sc_body(vals, out, vbuf):
    wid = lax.axis_index("s") * 2 + lax.axis_index("c")

    def do_tile(base, n_valid, nv):
        pltpu.sync_copy(vals.at[pl.ds(base, n_valid)], vbuf.at[pl.ds(0, n_valid)])
        lane = lax.broadcasted_iota(jnp.int32, (16,), 0)

        def one(off):
            idx = (base + off + lane).astype(jnp.uint32)
            keep = _keep_mask(idx)
            v16 = vbuf[pl.ds(off, 16)]
            vbuf[pl.ds(off, 16)] = jnp.where(
                keep, v16 * jnp.float32(_INV_KEEP), jnp.float32(0.0)
            )

        def vstep(v, carry):
            off = v * 32
            one(off)
            one(off + 16)
            return carry

        lax.fori_loop(0, nv // 2, vstep, None)
        pltpu.sync_copy(
            vbuf.at[pl.ds(0, n_valid)], out.at[pl.ds(base - _S, n_valid)]
        )

    nt = (jnp.int32(_NTF - _TS + _NW - 1) - wid) // _NW

    def tile_step(k, carry):
        do_tile((_TS + wid + k * _NW) * _T, _T, _T // 16)
        return carry

    lax.fori_loop(0, nt, tile_step, None)

    @pl.when(wid == (_NTF - _TS) % _NW)
    def _tail():
        do_tile(jnp.int32(_TAIL_OFF), _TAIL, _TAIL_NV)


_sc_tail = pl.kernel(
    _sc_body,
    out_type=jax.ShapeDtypeStruct((_NNZ - _S,), jnp.float32),
    mesh=plsc.VectorSubcoreMesh(core_axis_name="c", subcore_axis_name="s"),
    scratch_types=[pltpu.VMEM((_T,), jnp.float32)],
)

_BLK = 524288
_SUB = _BLK // 128
_NB = _S // _BLK
_IBLK = 613632


def _tc_body(vals_ref, ind_ref, out_ref, ind_out_ref):
    b = pl.program_id(0)
    x = vals_ref[...].reshape(_SUB, 128)
    idx = (
        b * _BLK
        + lax.broadcasted_iota(jnp.int32, (_SUB, 128), 0) * 128
        + lax.broadcasted_iota(jnp.int32, (_SUB, 128), 1)
    ).astype(jnp.uint32)
    keep = _keep_mask(idx)
    y = jnp.where(keep, x * jnp.float32(_INV_KEEP), jnp.float32(0.0))
    out_ref[...] = y.reshape(_BLK)
    ind_out_ref[...] = ind_ref[...]


def _tc_head(vals, indices):
    return pl.pallas_call(
        _tc_body,
        grid=(_NB,),
        in_specs=[
            pl.BlockSpec((_BLK,), lambda b: (b,)),
            pl.BlockSpec((2, _IBLK), lambda b: (0, b)),
        ],
        out_specs=[
            pl.BlockSpec((_BLK,), lambda b: (b,)),
            pl.BlockSpec((2, _IBLK), lambda b: (0, b)),
        ],
        out_shape=[
            jax.ShapeDtypeStruct((_NNZ,), jnp.float32),
            jax.ShapeDtypeStruct((2, _NNZ), jnp.int32),
        ],
    )(vals, indices)


def kernel(x_indices, x_values):
    tail = _sc_tail(x_values)
    head, ind_out = _tc_head(x_values, x_indices)
    out = lax.dynamic_update_slice(head, tail, (_S,))
    return ind_out, out

# --- scband reference (transcript-rebuilt; emitter-appended) ---
"""Pipeline reference for scband-dropout-sparse-62062277427480 (READ-ONLY COPY).

The authoritative reference and input builder live on the scoring server;
editing this copy changes nothing except your own understanding.
"""

import jax, jax.numpy as jnp
import numpy as np

KEEP_PROB = 0.9
NNZ = 4294967
N = 65536


def setup_inputs(seed: int = 0) -> dict:
    key = jax.random.key(seed)
    k1, k2 = jax.random.split(key)
    x_indices = jax.random.randint(k1, (2, NNZ), 0, N, dtype=jnp.int32)
    x_values = jax.random.normal(k2, (NNZ,), dtype=jnp.float32)
    return {"x_indices": x_indices, "x_values": x_values}


def reference(x_indices, x_values):
    # Faithful sparse dropout: random_tensor = keep_prob + U[0,1); floor -> bool mask.
    # Torch version compresses (filters) the kept nnz entries, producing a
    # dynamically-shaped sparse tensor. In JAX we keep static shapes by zeroing
    # the dropped values instead (mathematically identical sparse matrix, with
    # explicit zeros retained). Indices pass through unchanged.
    mask_key = jax.random.fold_in(jax.random.key(0), 1)
    random_tensor = KEEP_PROB + jax.random.uniform(mask_key, (NNZ,), dtype=jnp.float32)
    dropout_mask = jnp.floor(random_tensor).astype(bool)
    out_values = jnp.where(dropout_mask, x_values * (1.0 / KEEP_PROB), jnp.zeros_like(x_values))
    return x_indices, out_values

if __name__ == "__main__":
    import jax
    _d = setup_inputs()
    print(jax.jit(kernel)(*tuple(_d.values())))

</pallas_src>

<mosaic_0001>
#map = affine_map<(d0, d1) -> (0)>
module attributes {stable_mosaic.version = 14 : i64} {
  func.func @_sc_body(%arg0: i32, %arg1: i32, %arg2: memref<4294967xf32, #tpu.memory_space<hbm>>, %arg3: memref<624951xf32, #tpu.memory_space<hbm>>, %arg4: memref<16384xf32, #tpu.memory_space<vmem>>) attributes {dimension_semantics = [#tpu.dimension_semantics<core_parallel>, #tpu.dimension_semantics<subcore_parallel>], iteration_bounds = array<i64: 2, 16>, scalar_prefetch = 0 : i64, scratch_operands = 1 : i64, tpu.core_type = #tpu.core_type<sc_vector_subcore>, window_params = [{transform_indices = #map}, {transform_indices = #map}]} {
    %mul3A = arith.constant 2 : i32
    %mul3A_0 = arith.muli %arg1, %mul3A : i32
    %add3A = arith.addi %mul3A_0, %arg0 : i32
    %sub3A = arith.constant 69 : i32
    %sub3A_1 = arith.subi %sub3A, %add3A : i32
    %jit3A = arith.constant 32 : i32
    %div3A = arith.divsi %sub3A_1, %jit3A : i32
    %sign3A = arith.constant 0 : i32
    %sign3A_2 = arith.cmpi sgt, %sub3A_1, %sign3A : i32
    %sign3A_3 = arith.extui %sign3A_2 : i1 to i32
    %sign3A_4 = arith.constant 0 : i32
    %sign3A_5 = arith.cmpi slt, %sub3A_1, %sign3A_4 : i32
    %sign3A_6 = arith.extui %sign3A_5 : i1 to i32
    %sign3A_7 = arith.subi %sign3A_3, %sign3A_6 : i32
    %sign3A_8 = arith.constant 0 : i32
    %sign3A_9 = arith.cmpi sgt, %jit3A, %sign3A_8 : i32
    %sign3A_10 = arith.extui %sign3A_9 : i1 to i32
    %sign3A_11 = arith.constant 0 : i32
    %sign3A_12 = arith.cmpi slt, %jit3A, %sign3A_11 : i32
    %sign3A_13 = arith.extui %sign3A_12 : i1 to i32
    %sign3A_14 = arith.subi %sign3A_10, %sign3A_13 : i32
    %ne3A = arith.cmpi ne, %sign3A_7, %sign3A_14 : i32
    %rem3A = arith.remsi %sub3A_1, %jit3A : i32
    %ne3A_15 = arith.constant 0 : i32
    %ne3A_16 = arith.cmpi ne, %rem3A, %ne3A_15 : i32
    %and3A = arith.andi %ne3A, %ne3A_16 : i1
    %sub3A_17 = arith.constant 1 : i32
    %sub3A_18 = arith.subi %div3A, %sub3A_17 : i32
    %select_n3A = arith.select %and3A, %sub3A_18, %div3A : i32
    %while3A = arith.constant 0 : i32
    %while3A_19 = arith.subi %select_n3A, %while3A : i32
    %while3A_20 = arith.addi %while3A, %while3A_19 : i32
    %while3A_21 = arith.constant 1 : i32
    %while3A_22 = arith.divsi %while3A_19, %while3A_21 : i32
    %while3A_23 = arith.muli %while3A_22, %while3A_21 : i32
    %while3A_24 = arith.addi %while3A, %while3A_23 : i32
    %while3A_25 = arith.constant 1 : i32
    scf.for %while3A_29 = %while3A to %while3A_24 step %while3A_25  : i32 {
      %add3A_30 = arith.constant 224 : i32
      %add3A_31 = arith.addi %add3A_30, %add3A : i32
      %mul3A_32 = arith.constant 32 : i32
      %mul3A_33 = arith.muli %while3A_29, %mul3A_32 : i32
      %add3A_34 = arith.addi %add3A_31, %mul3A_33 : i32
      %mul3A_35 = arith.constant 16384 : i32
      %mul3A_36 = arith.muli %add3A_34, %mul3A_35 : i32
      "tpu.region"() ({
        %run_scoped3A = tpu.sem_alloc : memref<!tpu.dma_semaphore, #tpu.memory_space<semaphore_mem>>
        %dma_start3A = arith.constant 0 : i32
        %dma_start3A_43 = tpu.memref_slice %arg4[%dma_start3A] : memref<16384xf32, #tpu.memory_space<vmem>> -> memref<16384xf32, #tpu.memory_space<vmem>>
        %dma_start3A_44 = tpu.memref_slice %arg2[%mul3A_36] : memref<4294967xf32, #tpu.memory_space<hbm>> -> memref<16384xf32, #tpu.memory_space<hbm>>
        %dma_start3A_45 = arith.constant 0 : i32
        %dma_start3A_46 = tpu.memref_slice %arg4[%dma_start3A_45] : memref<16384xf32, #tpu.memory_space<vmem>> -> memref<16384xf32, #tpu.memory_space<vmem>>
        %dma_start3A_47 = tpu.memref_slice %arg2[%mul3A_36] : memref<4294967xf32, #tpu.memory_space<hbm>> -> memref<16384xf32, #tpu.memory_space<hbm>>
        tpu.enqueue_dma source(%dma_start3A_47 : memref<16384xf32, #tpu.memory_space<hbm>>) target(%dma_start3A_46 : memref<16384xf32, #tpu.memory_space<vmem>>) target_semaphore(%run_scoped3A : memref<!tpu.dma_semaphore, #tpu.memory_space<semaphore_mem>>)
        %dma_wait3A = arith.constant 0 : i32
        %dma_wait3A_48 = tpu.memref_slice %arg4[%dma_wait3A] : memref<16384xf32, #tpu.memory_space<vmem>> -> memref<16384xf32, #tpu.memory_space<vmem>>
        %dma_wait3A_49 = tpu.memref_slice %arg2[%mul3A_36] : memref<4294967xf32, #tpu.memory_space<hbm>> -> memref<16384xf32, #tpu.memory_space<hbm>>
        %dma_wait3A_50 = arith.constant 0 : i32
        %dma_wait3A_51 = tpu.memref_slice %arg4[%dma_wait3A_50] : memref<16384xf32, #tpu.memory_space<vmem>> -> memref<16384xf32, #tpu.memory_space<vmem>>
        %dma_wait3A_52 = tpu.memref_slice %arg2[%mul3A_36] : memref<4294967xf32, #tpu.memory_space<hbm>> -> memref<16384xf32, #tpu.memory_space<hbm>>
        tpu.wait_dma2 semaphore(%run_scoped3A : memref<!tpu.dma_semaphore, #tpu.memory_space<semaphore_mem>>) src(%dma_wait3A_52 : memref<16384xf32, #tpu.memory_space<hbm>>) dst(%dma_wait3A_51 : memref<16384xf32, #tpu.memory_space<vmem>>)
        tpu.yield
      }) : () -> ()
      %iota3A = tpu.iota {dimensions = array<i32: 0>} : vector<16xi32>
      %scan3A = arith.constant 0 : i32
      %scan3A_37 = arith.constant 512 : i32
      %scan3A_38 = arith.addi %scan3A, %scan3A_37 : i32
      %scan3A_39 = arith.constant 1 : i32
      scf.for %scan3A_43 = %scan3A to %scan3A_38 step %scan3A_39  : i32 {
        %mul3A_44 = arith.constant 32 : i32
        %mul3A_45 = arith.muli %scan3A_43, %mul3A_44 : i32
        %add3A_46 = arith.addi %mul3A_36, %mul3A_45 : i32
        %add3A_47 = vector.broadcast %add3A_46 : i32 to vector<16xi32>
        %add3A_48 = arith.addi %add3A_47, %iota3A : vector<16xi32>
        %broadcast_in_dim3A = arith.constant 928981903 : i32
        %broadcast_in_dim3A_49 = vector.broadcast %broadcast_in_dim3A : i32 to vector<16xi32>
        %add3A_50 = arith.constant -841280227 : i32
        %add3A_51 = vector.broadcast %add3A_50 : i32 to vector<16xi32>
        %add3A_52 = arith.addi %add3A_48, %add3A_51 : vector<16xi32>
        %add3A_53 = arith.addi %broadcast_in_dim3A_49, %add3A_52 : vector<16xi32>
        %shift_left3A = arith.constant 13 : i32
        %shift_left3A_54 = vector.broadcast %shift_left3A : i32 to vector<16xi32>
        %shift_left3A_55 = arith.shli %add3A_52, %shift_left3A_54 : vector<16xi32>
        %shift_right_logical3A = arith.constant 19 : i32
        %shift_right_logical3A_56 = vector.broadcast %shift_right_logical3A : i32 to vector<16xi32>
        %shift_right_logical3A_57 = arith.shrui %add3A_52, %shift_right_logical3A_56 : vector<16xi32>
        %or3A = arith.ori %shift_left3A_55, %shift_right_logical3A_57 : vector<16xi32>
        %xor3A = arith.xori %or3A, %add3A_53 : vector<16xi32>
        %add3A_58 = arith.addi %add3A_53, %xor3A : vector<16xi32>
        %shift_left3A_59 = arith.constant 15 : i32
        %shift_left3A_60 = vector.broadcast %shift_left3A_59 : i32 to vector<16xi32>
        %shift_left3A_61 = arith.shli %xor3A, %shift_left3A_60 : vector<16xi32>
        %shift_right_logical3A_62 = arith.constant 17 : i32
        %shift_right_logical3A_63 = vector.broadcast %shift_right_logical3A_62 : i32 to vector<16xi32>
        %shift_right_logical3A_64 = arith.shrui %xor3A, %shift_right_logical3A_63 : vector<16xi32>
        %or3A_65 = arith.ori %shift_left3A_61, %shift_right_logical3A_64 : vector<16xi32>
        %xor3A_66 = arith.xori %or3A_65, %add3A_58 : vector<16xi32>
        %add3A_67 = arith.addi %add3A_58, %xor3A_66 : vector<16xi32>
        %shift_left3A_68 = arith.constant 26 : i32
        %shift_left3A_69 = vector.broadcast %shift_left3A_68 : i32 to vector<16xi32>
        %shift_left3A_70 = arith.shli %xor3A_66, %shift_left3A_69 : vector<16xi32>
        %shift_right_logical3A_71 = arith.constant 6 : i32
        %shift_right_logical3A_72 = vector.broadcast %shift_right_logical3A_71 : i32 to vector<16xi32>
        %shift_right_logical3A_73 = arith.shrui %xor3A_66, %shift_right_logical3A_72 : vector<16xi32>
        %or3A_74 = arith.ori %shift_left3A_70, %shift_right_logical3A_73 : vector<16xi32>
        %xor3A_75 = arith.xori %or3A_74, %add3A_67 : vector<16xi32>
        %add3A_76 = arith.addi %add3A_67, %xor3A_75 : vector<16xi32>
        %shift_left3A_77 = arith.constant 6 : i32
        %shift_left3A_78 = vector.broadcast %shift_left3A_77 : i32 to vector<16xi32>
        %shift_left3A_79 = arith.shli %xor3A_75, %shift_left3A_78 : vector<16xi32>
        %shift_right_logical3A_80 = arith.constant 26 : i32
        %shift_right_logical3A_81 = vector.broadcast %shift_right_logical3A_80 : i32 to vector<16xi32>
        %shift_right_logical3A_82 = arith.shrui %xor3A_75, %shift_right_logical3A_81 : vector<16xi32>
        %or3A_83 = arith.ori %shift_left3A_79, %shift_right_logical3A_82 : vector<16xi32>
        %xor3A_84 = arith.xori %or3A_83, %add3A_76 : vector<16xi32>
        %add3A_85 = arith.constant -841280227 : i32
        %add3A_86 = vector.broadcast %add3A_85 : i32 to vector<16xi32>
        %add3A_87 = arith.addi %add3A_76, %add3A_86 : vector<16xi32>
        %add3A_88 = arith.constant -514511543 : i32
        %add3A_89 = vector.broadcast %add3A_88 : i32 to vector<16xi32>
        %add3A_90 = arith.addi %xor3A_84, %add3A_89 : vector<16xi32>
        %add3A_91 = arith.addi %add3A_87, %add3A_90 : vector<16xi32>
        %shift_left3A_92 = arith.constant 17 : i32
        %shift_left3A_93 = vector.broadcast %shift_left3A_92 : i32 to vector<16xi32>
        %shift_left3A_94 = arith.shli %add3A_90, %shift_left3A_93 : vector<16xi32>
        %shift_right_logical3A_95 = arith.constant 15 : i32
        %shift_right_logical3A_96 = vector.broadcast %shift_right_logical3A_95 : i32 to vector<16xi32>
        %shift_right_logical3A_97 = arith.shrui %add3A_90, %shift_right_logical3A_96 : vector<16xi32>
        %or3A_98 = arith.ori %shift_left3A_94, %shift_right_logical3A_97 : vector<16xi32>
        %xor3A_99 = arith.xori %or3A_98, %add3A_91 : vector<16xi32>
        %add3A_100 = arith.addi %add3A_91, %xor3A_99 : vector<16xi32>
        %shift_left3A_101 = arith.constant 29 : i32
        %shift_left3A_102 = vector.broadcast %shift_left3A_101 : i32 to vector<16xi32>
        %shift_left3A_103 = arith.shli %xor3A_99, %shift_left3A_102 : vector<16xi32>
        %shift_right_logical3A_104 = arith.constant 3 : i32
        %shift_right_logical3A_105 = vector.broadcast %shift_right_logical3A_104 : i32 to vector<16xi32>
        %shift_right_logical3A_106 = arith.shrui %xor3A_99, %shift_right_logical3A_105 : vector<16xi32>
        %or3A_107 = arith.ori %shift_left3A_103, %shift_right_logical3A_106 : vector<16xi32>
        %xor3A_108 = arith.xori %or3A_107, %add3A_100 : vector<16xi32>
        %add3A_109 = arith.addi %add3A_100, %xor3A_108 : vector<16xi32>
        %shift_left3A_110 = arith.constant 16 : i32
        %shift_left3A_111 = vector.broadcast %shift_left3A_110 : i32 to vector<16xi32>
        %shift_left3A_112 = arith.shli %xor3A_108, %shift_left3A_111 : vector<16xi32>
        %shift_right_logical3A_113 = arith.constant 16 : i32
        %shift_right_logical3A_114 = vector.broadcast %shift_right_logical3A_113 : i32 to vector<16xi32>
        %shift_right_logical3A_115 = arith.shrui %xor3A_108, %shift_right_logical3A_114 : vector<16xi32>
        %or3A_116 = arith.ori %shift_left3A_112, %shift_right_logical3A_115 : vector<16xi32>
        %xor3A_117 = arith.xori %or3A_116, %add3A_109 : vector<16xi32>
        %add3A_118 = arith.addi %add3A_109, %xor3A_117 : vector<16xi32>
        %shift_left3A_119 = arith.constant 24 : i32
        %shift_left3A_120 = vector.broadcast %shift_left3A_119 : i32 to vector<16xi32>
        %shift_left3A_121 = arith.shli %xor3A_117, %shift_left3A_120 : vector<16xi32>
        %shift_right_logical3A_122 = arith.constant 8 : i32
        %shift_right_logical3A_123 = vector.broadcast %shift_right_logical3A_122 : i32 to vector<16xi32>
        %shift_right_logical3A_124 = arith.shrui %xor3A_117, %shift_right_logical3A_123 : vector<16xi32>
        %or3A_125 = arith.ori %shift_left3A_121, %shift_right_logical3A_124 : vector<16xi32>
        %xor3A_126 = arith.xori %or3A_125, %add3A_118 : vector<16xi32>
        %add3A_127 = arith.constant -514511544 : i32
        %add3A_128 = vector.broadcast %add3A_127 : i32 to vector<16xi32>
        %add3A_129 = arith.addi %add3A_118, %add3A_128 : vector<16xi32>
        %add3A_130 = arith.constant 928981905 : i32
        %add3A_131 = vector.broadcast %add3A_130 : i32 to vector<16xi32>
        %add3A_132 = arith.addi %xor3A_126, %add3A_131 : vector<16xi32>
        %add3A_133 = arith.addi %add3A_129, %add3A_132 : vector<16xi32>
        %shift_left3A_134 = arith.constant 13 : i32
        %shift_left3A_135 = vector.broadcast %shift_left3A_134 : i32 to vector<16xi32>
        %shift_left3A_136 = arith.shli %add3A_132, %shift_left3A_135 : vector<16xi32>
        %shift_right_logical3A_137 = arith.constant 19 : i32
        %shift_right_logical3A_138 = vector.broadcast %shift_right_logical3A_137 : i32 to vector<16xi32>
        %shift_right_logical3A_139 = arith.shrui %add3A_132, %shift_right_logical3A_138 : vector<16xi32>
        %or3A_140 = arith.ori %shift_left3A_136, %shift_right_logical3A_139 : vector<16xi32>
        %xor3A_141 = arith.xori %or3A_140, %add3A_133 : vector<16xi32>
        %add3A_142 = arith.addi %add3A_133, %xor3A_141 : vector<16xi32>
        %shift_left3A_143 = arith.constant 15 : i32
        %shift_left3A_144 = vector.broadcast %shift_left3A_143 : i32 to vector<16xi32>
        %shift_left3A_145 = arith.shli %xor3A_141, %shift_left3A_144 : vector<16xi32>
        %shift_right_logical3A_146 = arith.constant 17 : i32
        %shift_right_logical3A_147 = vector.broadcast %shift_right_logical3A_146 : i32 to vector<16xi32>
        %shift_right_logical3A_148 = arith.shrui %xor3A_141, %shift_right_logical3A_147 : vector<16xi32>
        %or3A_149 = arith.ori %shift_left3A_145, %shift_right_logical3A_148 : vector<16xi32>
        %xor3A_150 = arith.xori %or3A_149, %add3A_142 : vector<16xi32>
        %add3A_151 = arith.addi %add3A_142, %xor3A_150 : vector<16xi32>
        %shift_left3A_152 = arith.constant 26 : i32
        %shift_left3A_153 = vector.broadcast %shift_left3A_152 : i32 to vector<16xi32>
        %shift_left3A_154 = arith.shli %xor3A_150, %shift_left3A_153 : vector<16xi32>
        %shift_right_logical3A_155 = arith.constant 6 : i32
        %shift_right_logical3A_156 = vector.broadcast %shift_right_logical3A_155 : i32 to vector<16xi32>
        %shift_right_logical3A_157 = arith.shrui %xor3A_150, %shift_right_logical3A_156 : vector<16xi32>
        %or3A_158 = arith.ori %shift_left3A_154, %shift_right_logical3A_157 : vector<16xi32>
        %xor3A_159 = arith.xori %or3A_158, %add3A_151 : vector<16xi32>
        %add3A_160 = arith.addi %add3A_151, %xor3A_159 : vector<16xi32>
        %shift_left3A_161 = arith.constant 6 : i32
        %shift_left3A_162 = vector.broadcast %shift_left3A_161 : i32 to vector<16xi32>
        %shift_left3A_163 = arith.shli %xor3A_159, %shift_left3A_162 : vector<16xi32>
        %shift_right_logical3A_164 = arith.constant 26 : i32
        %shift_right_logical3A_165 = vector.broadcast %shift_right_logical3A_164 : i32 to vector<16xi32>
        %shift_right_logical3A_166 = arith.shrui %xor3A_159, %shift_right_logical3A_165 : vector<16xi32>
        %or3A_167 = arith.ori %shift_left3A_163, %shift_right_logical3A_166 : vector<16xi32>
        %xor3A_168 = arith.xori %or3A_167, %add3A_160 : vector<16xi32>
        %add3A_169 = arith.constant 928981903 : i32
        %add3A_170 = vector.broadcast %add3A_169 : i32 to vector<16xi32>
        %add3A_171 = arith.addi %add3A_160, %add3A_170 : vector<16xi32>
        %add3A_172 = arith.constant -841280224 : i32
        %add3A_173 = vector.broadcast %add3A_172 : i32 to vector<16xi32>
        %add3A_174 = arith.addi %xor3A_168, %add3A_173 : vector<16xi32>
        %add3A_175 = arith.addi %add3A_171, %add3A_174 : vector<16xi32>
        %shift_left3A_176 = arith.constant 17 : i32
        %shift_left3A_177 = vector.broadcast %shift_left3A_176 : i32 to vector<16xi32>
        %shift_left3A_178 = arith.shli %add3A_174, %shift_left3A_177 : vector<16xi32>
        %shift_right_logical3A_179 = arith.constant 15 : i32
        %shift_right_logical3A_180 = vector.broadcast %shift_right_logical3A_179 : i32 to vector<16xi32>
        %shift_right_logical3A_181 = arith.shrui %add3A_174, %shift_right_logical3A_180 : vector<16xi32>
        %or3A_182 = arith.ori %shift_left3A_178, %shift_right_logical3A_181 : vector<16xi32>
        %xor3A_183 = arith.xori %or3A_182, %add3A_175 : vector<16xi32>
        %add3A_184 = arith.addi %add3A_175, %xor3A_183 : vector<16xi32>
        %shift_left3A_185 = arith.constant 29 : i32
        %shift_left3A_186 = vector.broadcast %shift_left3A_185 : i32 to vector<16xi32>
        %shift_left3A_187 = arith.shli %xor3A_183, %shift_left3A_186 : vector<16xi32>
        %shift_right_logical3A_188 = arith.constant 3 : i32
        %shift_right_logical3A_189 = vector.broadcast %shift_right_logical3A_188 : i32 to vector<16xi32>
        %shift_right_logical3A_190 = arith.shrui %xor3A_183, %shift_right_logical3A_189 : vector<16xi32>
        %or3A_191 = arith.ori %shift_left3A_187, %shift_right_logical3A_190 : vector<16xi32>
        %xor3A_192 = arith.xori %or3A_191, %add3A_184 : vector<16xi32>
        %add3A_193 = arith.addi %add3A_184, %xor3A_192 : vector<16xi32>
        %shift_left3A_194 = arith.constant 16 : i32
        %shift_left3A_195 = vector.broadcast %shift_left3A_194 : i32 to vector<16xi32>
        %shift_left3A_196 = arith.shli %xor3A_192, %shift_left3A_195 : vector<16xi32>
        %shift_right_logical3A_197 = arith.constant 16 : i32
        %shift_right_logical3A_198 = vector.broadcast %shift_right_logical3A_197 : i32 to vector<16xi32>
        %shift_right_logical3A_199 = arith.shrui %xor3A_192, %shift_right_logical3A_198 : vector<16xi32>
        %or3A_200 = arith.ori %shift_left3A_196, %shift_right_logical3A_199 : vector<16xi32>
        %xor3A_201 = arith.xori %or3A_200, %add3A_193 : vector<16xi32>
        %add3A_202 = arith.addi %add3A_193, %xor3A_201 : vector<16xi32>
        %shift_left3A_203 = arith.constant 24 : i32
        %shift_left3A_204 = vector.broadcast %shift_left3A_203 : i32 to vector<16xi32>
        %shift_left3A_205 = arith.shli %xor3A_201, %shift_left3A_204 : vector<16xi32>
        %shift_right_logical3A_206 = arith.constant 8 : i32
        %shift_right_logical3A_207 = vector.broadcast %shift_right_logical3A_206 : i32 to vector<16xi32>
        %shift_right_logical3A_208 = arith.shrui %xor3A_201, %shift_right_logical3A_207 : vector<16xi32>
        %or3A_209 = arith.ori %shift_left3A_205, %shift_right_logical3A_208 : vector<16xi32>
        %xor3A_210 = arith.xori %or3A_209, %add3A_202 : vector<16xi32>
        %add3A_211 = arith.constant -841280227 : i32
        %add3A_212 = vector.broadcast %add3A_211 : i32 to vector<16xi32>
        %add3A_213 = arith.addi %add3A_202, %add3A_212 : vector<16xi32>
        %add3A_214 = arith.constant -514511540 : i32
        %add3A_215 = vector.broadcast %add3A_214 : i32 to vector<16xi32>
        %add3A_216 = arith.addi %xor3A_210, %add3A_215 : vector<16xi32>
        %add3A_217 = arith.addi %add3A_213, %add3A_216 : vector<16xi32>
        %shift_left3A_218 = arith.constant 13 : i32
        %shift_left3A_219 = vector.broadcast %shift_left3A_218 : i32 to vector<16xi32>
        %shift_left3A_220 = arith.shli %add3A_216, %shift_left3A_219 : vector<16xi32>
        %shift_right_logical3A_221 = arith.constant 19 : i32
        %shift_right_logical3A_222 = vector.broadcast %shift_right_logical3A_221 : i32 to vector<16xi32>
        %shift_right_logical3A_223 = arith.shrui %add3A_216, %shift_right_logical3A_222 : vector<16xi32>
        %or3A_224 = arith.ori %shift_left3A_220, %shift_right_logical3A_223 : vector<16xi32>
        %xor3A_225 = arith.xori %or3A_224, %add3A_217 : vector<16xi32>
        %add3A_226 = arith.addi %add3A_217, %xor3A_225 : vector<16xi32>
        %shift_left3A_227 = arith.constant 15 : i32
        %shift_left3A_228 = vector.broadcast %shift_left3A_227 : i32 to vector<16xi32>
        %shift_left3A_229 = arith.shli %xor3A_225, %shift_left3A_228 : vector<16xi32>
        %shift_right_logical3A_230 = arith.constant 17 : i32
        %shift_right_logical3A_231 = vector.broadcast %shift_right_logical3A_230 : i32 to vector<16xi32>
        %shift_right_logical3A_232 = arith.shrui %xor3A_225, %shift_right_logical3A_231 : vector<16xi32>
        %or3A_233 = arith.ori %shift_left3A_229, %shift_right_logical3A_232 : vector<16xi32>
        %xor3A_234 = arith.xori %or3A_233, %add3A_226 : vector<16xi32>
        %add3A_235 = arith.addi %add3A_226, %xor3A_234 : vector<16xi32>
        %shift_left3A_236 = arith.constant 26 : i32
        %shift_left3A_237 = vector.broadcast %shift_left3A_236 : i32 to vector<16xi32>
        %shift_left3A_238 = arith.shli %xor3A_234, %shift_left3A_237 : vector<16xi32>
        %shift_right_logical3A_239 = arith.constant 6 : i32
        %shift_right_logical3A_240 = vector.broadcast %shift_right_logical3A_239 : i32 to vector<16xi32>
        %shift_right_logical3A_241 = arith.shrui %xor3A_234, %shift_right_logical3A_240 : vector<16xi32>
        %or3A_242 = arith.ori %shift_left3A_238, %shift_right_logical3A_241 : vector<16xi32>
        %xor3A_243 = arith.xori %or3A_242, %add3A_235 : vector<16xi32>
        %add3A_244 = arith.addi %add3A_235, %xor3A_243 : vector<16xi32>
        %shift_left3A_245 = arith.constant 6 : i32
        %shift_left3A_246 = vector.broadcast %shift_left3A_245 : i32 to vector<16xi32>
        %shift_left3A_247 = arith.shli %xor3A_243, %shift_left3A_246 : vector<16xi32>
        %shift_right_logical3A_248 = arith.constant 26 : i32
        %shift_right_logical3A_249 = vector.broadcast %shift_right_logical3A_248 : i32 to vector<16xi32>
        %shift_right_logical3A_250 = arith.shrui %xor3A_243, %shift_right_logical3A_249 : vector<16xi32>
        %or3A_251 = arith.ori %shift_left3A_247, %shift_right_logical3A_250 : vector<16xi32>
        %xor3A_252 = arith.xori %or3A_251, %add3A_244 : vector<16xi32>
        %add3A_253 = arith.constant -514511544 : i32
        %add3A_254 = vector.broadcast %add3A_253 : i32 to vector<16xi32>
        %add3A_255 = arith.addi %add3A_244, %add3A_254 : vector<16xi32>
        %add3A_256 = arith.constant 928981908 : i32
        %add3A_257 = vector.broadcast %add3A_256 : i32 to vector<16xi32>
        %add3A_258 = arith.addi %xor3A_252, %add3A_257 : vector<16xi32>
        %xor3A_259 = arith.xori %add3A_255, %add3A_258 : vector<16xi32>
        %ge3A = arith.constant 429496832 : i32
        %ge3A_260 = vector.broadcast %ge3A : i32 to vector<16xi32>
        %ge3A_261 = arith.cmpi uge, %xor3A_259, %ge3A_260 : vector<16xi32>
        %get3A = arith.index_cast %mul3A_45 : i32 to index
        %get3A_262 = tpu.vector_load %arg4[%get3A] {strides = array<i32>} : memref<16384xf32, #tpu.memory_space<vmem>>, vector<16xf32>,
        %get3A_263 = vector.shape_cast %get3A_262 : vector<16xf32> to vector<16xf32>
        %mul3A_264 = arith.constant 1.11111116 : f32
        %mul3A_265 = vector.broadcast %mul3A_264 : f32 to vector<16xf32>
        %mul3A_266 = arith.mulf %get3A_263, %mul3A_265 : vector<16xf32>
        %jit3A_267 = arith.constant 0.000000e+00 : f32
        %broadcast_in_dim3A_268 = vector.broadcast %jit3A_267 : f32 to vector<16xf32>
        %select_n3A_269 = arith.select %ge3A_261, %mul3A_266, %broadcast_in_dim3A_268 : vector<16xi1>, vector<16xf32>
        %swap3A = arith.index_cast %mul3A_45 : i32 to index
        %swap3A_270 = tpu.vector_load %arg4[%swap3A] {strides = array<i32>} : memref<16384xf32, #tpu.memory_space<vmem>>, vector<16xf32>,
        %swap3A_271 = vector.shape_cast %swap3A_270 : vector<16xf32> to vector<16xf32>
        %swap3A_272 = vector.shape_cast %select_n3A_269 : vector<16xf32> to vector<16xf32>
        tpu.vector_store %arg4[%swap3A], %swap3A_272 {strides = array<i32>} : memref<16384xf32, #tpu.memory_space<vmem>>, vector<16xf32>,
        %add3A_273 = arith.constant 16 : i32
        %add3A_274 = arith.addi %mul3A_45, %add3A_273 : i32
        %add3A_275 = arith.addi %mul3A_36, %add3A_274 : i32
        %add3A_276 = vector.broadcast %add3A_275 : i32 to vector<16xi32>
        %add3A_277 = arith.addi %add3A_276, %iota3A : vector<16xi32>
        %broadcast_in_dim3A_278 = arith.constant 928981903 : i32
        %broadcast_in_dim3A_279 = vector.broadcast %broadcast_in_dim3A_278 : i32 to vector<16xi32>
        %add3A_280 = arith.constant -841280227 : i32
        %add3A_281 = vector.broadcast %add3A_280 : i32 to vector<16xi32>
        %add3A_282 = arith.addi %add3A_277, %add3A_281 : vector<16xi32>
        %add3A_283 = arith.addi %broadcast_in_dim3A_279, %add3A_282 : vector<16xi32>
        %shift_left3A_284 = arith.constant 13 : i32
        %shift_left3A_285 = vector.broadcast %shift_left3A_284 : i32 to vector<16xi32>
        %shift_left3A_286 = arith.shli %add3A_282, %shift_left3A_285 : vector<16xi32>
        %shift_right_logical3A_287 = arith.constant 19 : i32
        %shift_right_logical3A_288 = vector.broadcast %shift_right_logical3A_287 : i32 to vector<16xi32>
        %shift_right_logical3A_289 = arith.shrui %add3A_282, %shift_right_logical3A_288 : vector<16xi32>
        %or3A_290 = arith.ori %shift_left3A_286, %shift_right_logical3A_289 : vector<16xi32>
        %xor3A_291 = arith.xori %or3A_290, %add3A_283 : vector<16xi32>
        %add3A_292 = arith.addi %add3A_283, %xor3A_291 : vector<16xi32>
        %shift_left3A_293 = arith.constant 15 : i32
        %shift_left3A_294 = vector.broadcast %shift_left3A_293 : i32 to vector<16xi32>
        %shift_left3A_295 = arith.shli %xor3A_291, %shift_left3A_294 : vector<16xi32>
        %shift_right_logical3A_296 = arith.constant 17 : i32
        %shift_right_logical3A_297 = vector.broadcast %shift_right_logical3A_296 : i32 to vector<16xi32>
        %shift_right_logical3A_298 = arith.shrui %xor3A_291, %shift_right_logical3A_297 : vector<16xi32>
        %or3A_299 = arith.ori %shift_left3A_295, %shift_right_logical3A_298 : vector<16xi32>
        %xor3A_300 = arith.xori %or3A_299, %add3A_292 : vector<16xi32>
        %add3A_301 = arith.addi %add3A_292, %xor3A_300 : vector<16xi32>
        %shift_left3A_302 = arith.constant 26 : i32
        %shift_left3A_303 = vector.broadcast %shift_left3A_302 : i32 to vector<16xi32>
        %shift_left3A_304 = arith.shli %xor3A_300, %shift_left3A_303 : vector<16xi32>
        %shift_right_logical3A_305 = arith.constant 6 : i32
        %shift_right_logical3A_306 = vector.broadcast %shift_right_logical3A_305 : i32 to vector<16xi32>
        %shift_right_logical3A_307 = arith.shrui %xor3A_300, %shift_right_logical3A_306 : vector<16xi32>
        %or3A_308 = arith.ori %shift_left3A_304, %shift_right_logical3A_307 : vector<16xi32>
        %xor3A_309 = arith.xori %or3A_308, %add3A_301 : vector<16xi32>
        %add3A_310 = arith.addi %add3A_301, %xor3A_309 : vector<16xi32>
        %shift_left3A_311 = arith.constant 6 : i32
        %shift_left3A_312 = vector.broadcast %shift_left3A_311 : i32 to vector<16xi32>
        %shift_left3A_313 = arith.shli %xor3A_309, %shift_left3A_312 : vector<16xi32>
        %shift_right_logical3A_314 = arith.constant 26 : i32
        %shift_right_logical3A_315 = vector.broadcast %shift_right_logical3A_314 : i32 to vector<16xi32>
        %shift_right_logical3A_316 = arith.shrui %xor3A_309, %shift_right_logical3A_315 : vector<16xi32>
        %or3A_317 = arith.ori %shift_left3A_313, %shift_right_logical3A_316 : vector<16xi32>
        %xor3A_318 = arith.xori %or3A_317, %add3A_310 : vector<16xi32>
        %add3A_319 = arith.constant -841280227 : i32
        %add3A_320 = vector.broadcast %add3A_319 : i32 to vector<16xi32>
        %add3A_321 = arith.addi %add3A_310, %add3A_320 : vector<16xi32>
        %add3A_322 = arith.constant -514511543 : i32
        %add3A_323 = vector.broadcast %add3A_322 : i32 to vector<16xi32>
        %add3A_324 = arith.addi %xor3A_318, %add3A_323 : vector<16xi32>
        %add3A_325 = arith.addi %add3A_321, %add3A_324 : vector<16xi32>
        %shift_left3A_326 = arith.constant 17 : i32
        %shift_left3A_327 = vector.broadcast %shift_left3A_326 : i32 to vector<16xi32>
        %shift_left3A_328 = arith.shli %add3A_324, %shift_left3A_327 : vector<16xi32>
        %shift_right_logical3A_329 = arith.constant 15 : i32
        %shift_right_logical3A_330 = vector.broadcast %shift_right_logical3A_329 : i32 to vector<16xi32>
        %shift_right_logical3A_331 = arith.shrui %add3A_324, %shift_right_logical3A_330 : vector<16xi32>
        %or3A_332 = arith.ori %shift_left3A_328, %shift_right_logical3A_331 : vector<16xi32>
        %xor3A_333 = arith.xori %or3A_332, %add3A_325 : vector<16xi32>
        %add3A_334 = arith.addi %add3A_325, %xor3A_333 : vector<16xi32>
        %shift_left3A_335 = arith.constant 29 : i32
        %shift_left3A_336 = vector.broadcast %shift_left3A_335 : i32 to vector<16xi32>
        %shift_left3A_337 = arith.shli %xor3A_333, %shift_left3A_336 : vector<16xi32>
        %shift_right_logical3A_338 = arith.constant 3 : i32
        %shift_right_logical3A_339 = vector.broadcast %shift_right_logical3A_338 : i32 to vector<16xi32>
        %shift_right_logical3A_340 = arith.shrui %xor3A_333, %shift_right_logical3A_339 : vector<16xi32>
        %or3A_341 = arith.ori %shift_left3A_337, %shift_right_logical3A_340 : vector<16xi32>
        %xor3A_342 = arith.xori %or3A_341, %add3A_334 : vector<16xi32>
        %add3A_343 = arith.addi %add3A_334, %xor3A_342 : vector<16xi32>
        %shift_left3A_344 = arith.constant 16 : i32
        %shift_left3A_345 = vector.broadcast %shift_left3A_344 : i32 to vector<16xi32>
        %shift_left3A_346 = arith.shli %xor3A_342, %shift_left3A_345 : vector<16xi32>
        %shift_right_logical3A_347 = arith.constant 16 : i32
        %shift_right_logical3A_348 = vector.broadcast %shift_right_logical3A_347 : i32 to vector<16xi32>
        %shift_right_logical3A_349 = arith.shrui %xor3A_342, %shift_right_logical3A_348 : vector<16xi32>
        %or3A_350 = arith.ori %shift_left3A_346, %shift_right_logical3A_349 : vector<16xi32>
        %xor3A_351 = arith.xori %or3A_350, %add3A_343 : vector<16xi32>
        %add3A_352 = arith.addi %add3A_343, %xor3A_351 : vector<16xi32>
        %shift_left3A_353 = arith.constant 24 : i32
        %shift_left3A_354 = vector.broadcast %shift_left3A_353 : i32 to vector<16xi32>
        %shift_left3A_355 = arith.shli %xor3A_351, %shift_left3A_354 : vector<16xi32>
        %shift_right_logical3A_356 = arith.constant 8 : i32
        %shift_right_logical3A_357 = vector.broadcast %shift_right_logical3A_356 : i32 to vector<16xi32>
        %shift_right_logical3A_358 = arith.shrui %xor3A_351, %shift_right_logical3A_357 : vector<16xi32>
        %or3A_359 = arith.ori %shift_left3A_355, %shift_right_logical3A_358 : vector<16xi32>
        %xor3A_360 = arith.xori %or3A_359, %add3A_352 : vector<16xi32>
        %add3A_361 = arith.constant -514511544 : i32
        %add3A_362 = vector.broadcast %add3A_361 : i32 to vector<16xi32>
        %add3A_363 = arith.addi %add3A_352, %add3A_362 : vector<16xi32>
        %add3A_364 = arith.constant 928981905 : i32
        %add3A_365 = vector.broadcast %add3A_364 : i32 to vector<16xi32>
        %add3A_366 = arith.addi %xor3A_360, %add3A_365 : vector<16xi32>
        %add3A_367 = arith.addi %add3A_363, %add3A_366 : vector<16xi32>
        %shift_left3A_368 = arith.constant 13 : i32
        %shift_left3A_369 = vector.broadcast %shift_left3A_368 : i32 to vector<16xi32>
        %shift_left3A_370 = arith.shli %add3A_366, %shift_left3A_369 : vector<16xi32>
        %shift_right_logical3A_371 = arith.constant 19 : i32
        %shift_right_logical3A_372 = vector.broadcast %shift_right_logical3A_371 : i32 to vector<16xi32>
        %shift_right_logical3A_373 = arith.shrui %add3A_366, %shift_right_logical3A_372 : vector<16xi32>
        %or3A_374 = arith.ori %shift_left3A_370, %shift_right_logical3A_373 : vector<16xi32>
        %xor3A_375 = arith.xori %or3A_374, %add3A_367 : vector<16xi32>
        %add3A_376 = arith.addi %add3A_367, %xor3A_375 : vector<16xi32>
        %shift_left3A_377 = arith.constant 15 : i32
        %shift_left3A_378 = vector.broadcast %shift_left3A_377 : i32 to vector<16xi32>
        %shift_left3A_379 = arith.shli %xor3A_375, %shift_left3A_378 : vector<16xi32>
        %shift_right_logical3A_380 = arith.constant 17 : i32
        %shift_right_logical3A_381 = vector.broadcast %shift_right_logical3A_380 : i32 to vector<16xi32>
        %shift_right_logical3A_382 = arith.shrui %xor3A_375, %shift_right_logical3A_381 : vector<16xi32>
        %or3A_383 = arith.ori %shift_left3A_379, %shift_right_logical3A_382 : vector<16xi32>
        %xor3A_384 = arith.xori %or3A_383, %add3A_376 : vector<16xi32>
        %add3A_385 = arith.addi %add3A_376, %xor3A_384 : vector<16xi32>
        %shift_left3A_386 = arith.constant 26 : i32
        %shift_left3A_387 = vector.broadcast %shift_left3A_386 : i32 to vector<16xi32>
        %shift_left3A_388 = arith.shli %xor3A_384, %shift_left3A_387 : vector<16xi32>
        %shift_right_logical3A_389 = arith.constant 6 : i32
        %shift_right_logical3A_390 = vector.broadcast %shift_right_logical3A_389 : i32 to vector<16xi32>
        %shift_right_logical3A_391 = arith.shrui %xor3A_384, %shift_right_logical3A_390 : vector<16xi32>
        %or3A_392 = arith.ori %shift_left3A_388, %shift_right_logical3A_391 : vector<16xi32>
        %xor3A_393 = arith.xori %or3A_392, %add3A_385 : vector<16xi32>
        %add3A_394 = arith.addi %add3A_385, %xor3A_393 : vector<16xi32>
        %shift_left3A_395 = arith.constant 6 : i32
        %shift_left3A_396 = vector.broadcast %shift_left3A_395 : i32 to vector<16xi32>
        %shift_left3A_397 = arith.shli %xor3A_393, %shift_left3A_396 : vector<16xi32>
        %shift_right_logical3A_398 = arith.constant 26 : i32
        %shift_right_logical3A_399 = vector.broadcast %shift_right_logical3A_398 : i32 to vector<16xi32>
        %shift_right_logical3A_400 = arith.shrui %xor3A_393, %shift_right_logical3A_399 : vector<16xi32>
        %or3A_401 = arith.ori %shift_left3A_397, %shift_right_logical3A_400 : vector<16xi32>
        %xor3A_402 = arith.xori %or3A_401, %add3A_394 : vector<16xi32>
        %add3A_403 = arith.constant 928981903 : i32
        %add3A_404 = vector.broadcast %add3A_403 : i32 to vector<16xi32>
        %add3A_405 = arith.addi %add3A_394, %add3A_404 : vector<16xi32>
        %add3A_406 = arith.constant -841280224 : i32
        %add3A_407 = vector.broadcast %add3A_406 : i32 to vector<16xi32>
        %add3A_408 = arith.addi %xor3A_402, %add3A_407 : vector<16xi32>
        %add3A_409 = arith.addi %add3A_405, %add3A_408 : vector<16xi32>
        %shift_left3A_410 = arith.constant 17 : i32
        %shift_left3A_411 = vector.broadcast %shift_left3A_410 : i32 to vector<16xi32>
        %shift_left3A_412 = arith.shli %add3A_408, %shift_left3A_411 : vector<16xi32>
        %shift_right_logical3A_413 = arith.constant 15 : i32
        %shift_right_logical3A_414 = vector.broadcast %shift_right_logical3A_413 : i32 to vector<16xi32>
        %shift_right_logical3A_415 = arith.shrui %add3A_408, %shift_right_logical3A_414 : vector<16xi32>
        %or3A_416 = arith.ori %shift_left3A_412, %shift_right_logical3A_415 : vector<16xi32>
        %xor3A_417 = arith.xori %or3A_416, %add3A_409 : vector<16xi32>
        %add3A_418 = arith.addi %add3A_409, %xor3A_417 : vector<16xi32>
        %shift_left3A_419 = arith.constant 29 : i32
        %shift_left3A_420 = vector.broadcast %shift_left3A_419 : i32 to vector<16xi32>
        %shift_left3A_421 = arith.shli %xor3A_417, %shift_left3A_420 : vector<16xi32>
        %shift_right_logical3A_422 = arith.constant 3 : i32
        %shift_right_logical3A_423 = vector.broadcast %shift_right_logical3A_422 : i32 to vector<16xi32>
        %shift_right_logical3A_424 = arith.shrui %xor3A_417, %shift_right_logical3A_423 : vector<16xi32>
        %or3A_425 = arith.ori %shift_left3A_421, %shift_right_logical3A_424 : vector<16xi32>
        %xor3A_426 = arith.xori %or3A_425, %add3A_418 : vector<16xi32>
        %add3A_427 = arith.addi %add3A_418, %xor3A_426 : vector<16xi32>
        %shift_left3A_428 = arith.constant 16 : i32
        %shift_left3A_429 = vector.broadcast %shift_left3A_428 : i32 to vector<16xi32>
        %shift_left3A_430 = arith.shli %xor3A_426, %shift_left3A_429 : vector<16xi32>
        %shift_right_logical3A_431 = arith.constant 16 : i32
        %shift_right_logical3A_432 = vector.broadcast %shift_right_logical3A_431 : i32 to vector<16xi32>
        %shift_right_logical3A_433 = arith.shrui %xor3A_426, %shift_right_logical3A_432 : vector<16xi32>
        %or3A_434 = arith.ori %shift_left3A_430, %shift_right_logical3A_433 : vector<16xi32>
        %xor3A_435 = arith.xori %or3A_434, %add3A_427 : vector<16xi32>
        %add3A_436 = arith.addi %add3A_427, %xor3A_435 : vector<16xi32>
        %shift_left3A_437 = arith.constant 24 : i32
        %shift_left3A_438 = vector.broadcast %shift_left3A_437 : i32 to vector<16xi32>
        %shift_left3A_439 = arith.shli %xor3A_435, %shift_left3A_438 : vector<16xi32>
        %shift_right_logical3A_440 = arith.constant 8 : i32
        %shift_right_logical3A_441 = vector.broadcast %shift_right_logical3A_440 : i32 to vector<16xi32>
        %shift_right_logical3A_442 = arith.shrui %xor3A_435, %shift_right_logical3A_441 : vector<16xi32>
        %or3A_443 = arith.ori %shift_left3A_439, %shift_right_logical3A_442 : vector<16xi32>
        %xor3A_444 = arith.xori %or3A_443, %add3A_436 : vector<16xi32>
        %add3A_445 = arith.constant -841280227 : i32
        %add3A_446 = vector.broadcast %add3A_445 : i32 to vector<16xi32>
        %add3A_447 = arith.addi %add3A_436, %add3A_446 : vector<16xi32>
        %add3A_448 = arith.constant -514511540 : i32
        %add3A_449 = vector.broadcast %add3A_448 : i32 to vector<16xi32>
        %add3A_450 = arith.addi %xor3A_444, %add3A_449 : vector<16xi32>
        %add3A_451 = arith.addi %add3A_447, %add3A_450 : vector<16xi32>
        %shift_left3A_452 = arith.constant 13 : i32
        %shift_left3A_453 = vector.broadcast %shift_left3A_452 : i32 to vector<16xi32>
        %shift_left3A_454 = arith.shli %add3A_450, %shift_left3A_453 : vector<16xi32>
        %shift_right_logical3A_455 = arith.constant 19 : i32
        %shift_right_logical3A_456 = vector.broadcast %shift_right_logical3A_455 : i32 to vector<16xi32>
        %shift_right_logical3A_457 = arith.shrui %add3A_450, %shift_right_logical3A_456 : vector<16xi32>
        %or3A_458 = arith.ori %shift_left3A_454, %shift_right_logical3A_457 : vector<16xi32>
        %xor3A_459 = arith.xori %or3A_458, %add3A_451 : vector<16xi32>
        %add3A_460 = arith.addi %add3A_451, %xor3A_459 : vector<16xi32>
        %shift_left3A_461 = arith.constant 15 : i32
        %shift_left3A_462 = vector.broadcast %shift_left3A_461 : i32 to vector<16xi32>
        %shift_left3A_463 = arith.shli %xor3A_459, %shift_left3A_462 : vector<16xi32>
        %shift_right_logical3A_464 = arith.constant 17 : i32
        %shift_right_logical3A_465 = vector.broadcast %shift_right_logical3A_464 : i32 to vector<16xi32>
        %shift_right_logical3A_466 = arith.shrui %xor3A_459, %shift_right_logical3A_465 : vector<16xi32>
        %or3A_467 = arith.ori %shift_left3A_463, %shift_right_logical3A_466 : vector<16xi32>
        %xor3A_468 = arith.xori %or3A_467, %add3A_460 : vector<16xi32>
        %add3A_469 = arith.addi %add3A_460, %xor3A_468 : vector<16xi32>
        %shift_left3A_470 = arith.constant 26 : i32
        %shift_left3A_471 = vector.broadcast %shift_left3A_470 : i32 to vector<16xi32>
        %shift_left3A_472 = arith.shli %xor3A_468, %shift_left3A_471 : vector<16xi32>
        %shift_right_logical3A_473 = arith.constant 6 : i32
        %shift_right_logical3A_474 = vector.broadcast %shift_right_logical3A_473 : i32 to vector<16xi32>
        %shift_right_logical3A_475 = arith.shrui %xor3A_468, %shift_right_logical3A_474 : vector<16xi32>
        %or3A_476 = arith.ori %shift_left3A_472, %shift_right_logical3A_475 : vector<16xi32>
        %xor3A_477 = arith.xori %or3A_476, %add3A_469 : vector<16xi32>
        %add3A_478 = arith.addi %add3A_469, %xor3A_477 : vector<16xi32>
        %shift_left3A_479 = arith.constant 6 : i32
        %shift_left3A_480 = vector.broadcast %shift_left3A_479 : i32 to vector<16xi32>
        %shift_left3A_481 = arith.shli %xor3A_477, %shift_left3A_480 : vector<16xi32>
        %shift_right_logical3A_482 = arith.constant 26 : i32
        %shift_right_logical3A_483 = vector.broadcast %shift_right_logical3A_482 : i32 to vector<16xi32>
        %shift_right_logical3A_484 = arith.shrui %xor3A_477, %shift_right_logical3A_483 : vector<16xi32>
        %or3A_485 = arith.ori %shift_left3A_481, %shift_right_logical3A_484 : vector<16xi32>
        %xor3A_486 = arith.xori %or3A_485, %add3A_478 : vector<16xi32>
        %add3A_487 = arith.constant -514511544 : i32
        %add3A_488 = vector.broadcast %add3A_487 : i32 to vector<16xi32>
        %add3A_489 = arith.addi %add3A_478, %add3A_488 : vector<16xi32>
        %add3A_490 = arith.constant 928981908 : i32
        %add3A_491 = vector.broadcast %add3A_490 : i32 to vector<16xi32>
        %add3A_492 = arith.addi %xor3A_486, %add3A_491 : vector<16xi32>
        %xor3A_493 = arith.xori %add3A_489, %add3A_492 : vector<16xi32>
        %ge3A_494 = arith.constant 429496832 : i32
        %ge3A_495 = vector.broadcast %ge3A_494 : i32 to vector<16xi32>
        %ge3A_496 = arith.cmpi uge, %xor3A_493, %ge3A_495 : vector<16xi32>
        %get3A_497 = arith.index_cast %add3A_274 : i32 to index
        %get3A_498 = tpu.vector_load %arg4[%get3A_497] {strides = array<i32>} : memref<16384xf32, #tpu.memory_space<vmem>>, vector<16xf32>,
        %get3A_499 = vector.shape_cast %get3A_498 : vector<16xf32> to vector<16xf32>
        %mul3A_500 = arith.constant 1.11111116 : f32
        %mul3A_501 = vector.broadcast %mul3A_500 : f32 to vector<16xf32>
        %mul3A_502 = arith.mulf %get3A_499, %mul3A_501 : vector<16xf32>
        %jit3A_503 = arith.constant 0.000000e+00 : f32
        %broadcast_in_dim3A_504 = vector.broadcast %jit3A_503 : f32 to vector<16xf32>
        %select_n3A_505 = arith.select %ge3A_496, %mul3A_502, %broadcast_in_dim3A_504 : vector<16xi1>, vector<16xf32>
        %swap3A_506 = arith.index_cast %add3A_274 : i32 to index
        %swap3A_507 = tpu.vector_load %arg4[%swap3A_506] {strides = array<i32>} : memref<16384xf32, #tpu.memory_space<vmem>>, vector<16xf32>,
        %swap3A_508 = vector.shape_cast %swap3A_507 : vector<16xf32> to vector<16xf32>
        %swap3A_509 = vector.shape_cast %select_n3A_505 : vector<16xf32> to vector<16xf32>
        tpu.vector_store %arg4[%swap3A_506], %swap3A_509 {strides = array<i32>} : memref<16384xf32, #tpu.memory_space<vmem>>, vector<16xf32>,
      }
      %scan3A_40 = arith.constant 512 : i32
      %sub3A_41 = arith.constant 3670016 : i32
      %sub3A_42 = arith.subi %mul3A_36, %sub3A_41 : i32
      "tpu.region"() ({
        %run_scoped3A = tpu.sem_alloc : memref<!tpu.dma_semaphore, #tpu.memory_space<semaphore_mem>>
        %dma_start3A = arith.constant 0 : i32
        %dma_start3A_43 = tpu.memref_slice %arg4[%dma_start3A] : memref<16384xf32, #tpu.memory_space<vmem>> -> memref<16384xf32, #tpu.memory_space<vmem>>
        %dma_start3A_44 = tpu.memref_slice %arg3[%sub3A_42] : memref<624951xf32, #tpu.memory_space<hbm>> -> memref<16384xf32, #tpu.memory_space<hbm>>
        %dma_start3A_45 = tpu.memref_slice %arg3[%sub3A_42] : memref<624951xf32, #tpu.memory_space<hbm>> -> memref<16384xf32, #tpu.memory_space<hbm>>
        %dma_start3A_46 = arith.constant 0 : i32
        %dma_start3A_47 = tpu.memref_slice %arg4[%dma_start3A_46] : memref<16384xf32, #tpu.memory_space<vmem>> -> memref<16384xf32, #tpu.memory_space<vmem>>
        tpu.enqueue_dma source(%dma_start3A_47 : memref<16384xf32, #tpu.memory_space<vmem>>) target(%dma_start3A_45 : memref<16384xf32, #tpu.memory_space<hbm>>) target_semaphore(%run_scoped3A : memref<!tpu.dma_semaphore, #tpu.memory_space<semaphore_mem>>)
        %dma_wait3A = arith.constant 0 : i32
        %dma_wait3A_48 = tpu.memref_slice %arg4[%dma_wait3A] : memref<16384xf32, #tpu.memory_space<vmem>> -> memref<16384xf32, #tpu.memory_space<vmem>>
        %dma_wait3A_49 = tpu.memref_slice %arg3[%sub3A_42] : memref<624951xf32, #tpu.memory_space<hbm>> -> memref<16384xf32, #tpu.memory_space<hbm>>
        %dma_wait3A_50 = tpu.memref_slice %arg3[%sub3A_42] : memref<624951xf32, #tpu.memory_space<hbm>> -> memref<16384xf32, #tpu.memory_space<hbm>>
        %dma_wait3A_51 = arith.constant 0 : i32
        %dma_wait3A_52 = tpu.memref_slice %arg4[%dma_wait3A_51] : memref<16384xf32, #tpu.memory_space<vmem>> -> memref<16384xf32, #tpu.memory_space<vmem>>
        tpu.wait_dma2 semaphore(%run_scoped3A : memref<!tpu.dma_semaphore, #tpu.memory_space<semaphore_mem>>) src(%dma_wait3A_52 : memref<16384xf32, #tpu.memory_space<vmem>>) dst(%dma_wait3A_50 : memref<16384xf32, #tpu.memory_space<hbm>>)
        tpu.yield
      }) : () -> ()
    }
    %while3A_26 = arith.constant 1 : i32
    scf.for %while3A_29 = %while3A_24 to %while3A_20 step %while3A_26  : i32 {
      %add3A_30 = arith.constant 224 : i32
      %add3A_31 = arith.addi %add3A_30, %add3A : i32
      %mul3A_32 = arith.constant 32 : i32
      %mul3A_33 = arith.muli %while3A_29, %mul3A_32 : i32
      %add3A_34 = arith.addi %add3A_31, %mul3A_33 : i32
      %mul3A_35 = arith.constant 16384 : i32
      %mul3A_36 = arith.muli %add3A_34, %mul3A_35 : i32
      "tpu.region"() ({
        %run_scoped3A = tpu.sem_alloc : memref<!tpu.dma_semaphore, #tpu.memory_space<semaphore_mem>>
        %dma_start3A = arith.constant 0 : i32
        %dma_start3A_43 = tpu.memref_slice %arg4[%dma_start3A] : memref<16384xf32, #tpu.memory_space<vmem>> -> memref<16384xf32, #tpu.memory_space<vmem>>
        %dma_start3A_44 = tpu.memref_slice %arg2[%mul3A_36] : memref<4294967xf32, #tpu.memory_space<hbm>> -> memref<16384xf32, #tpu.memory_space<hbm>>
        %dma_start3A_45 = arith.constant 0 : i32
        %dma_start3A_46 = tpu.memref_slice %arg4[%dma_start3A_45] : memref<16384xf32, #tpu.memory_space<vmem>> -> memref<16384xf32, #tpu.memory_space<vmem>>
        %dma_start3A_47 = tpu.memref_slice %arg2[%mul3A_36] : memref<4294967xf32, #tpu.memory_space<hbm>> -> memref<16384xf32, #tpu.memory_space<hbm>>
        tpu.enqueue_dma source(%dma_start3A_47 : memref<16384xf32, #tpu.memory_space<hbm>>) target(%dma_start3A_46 : memref<16384xf32, #tpu.memory_space<vmem>>) target_semaphore(%run_scoped3A : memref<!tpu.dma_semaphore, #tpu.memory_space<semaphore_mem>>)
        %dma_wait3A = arith.constant 0 : i32
        %dma_wait3A_48 = tpu.memref_slice %arg4[%dma_wait3A] : memref<16384xf32, #tpu.memory_space<vmem>> -> memref<16384xf32, #tpu.memory_space<vmem>>
        %dma_wait3A_49 = tpu.memref_slice %arg2[%mul3A_36] : memref<4294967xf32, #tpu.memory_space<hbm>> -> memref<16384xf32, #tpu.memory_space<hbm>>
        %dma_wait3A_50 = arith.constant 0 : i32
        %dma_wait3A_51 = tpu.memref_slice %arg4[%dma_wait3A_50] : memref<16384xf32, #tpu.memory_space<vmem>> -> memref<16384xf32, #tpu.memory_space<vmem>>
        %dma_wait3A_52 = tpu.memref_slice %arg2[%mul3A_36] : memref<4294967xf32, #tpu.memory_space<hbm>> -> memref<16384xf32, #tpu.memory_space<hbm>>
        tpu.wait_dma2 semaphore(%run_scoped3A : memref<!tpu.dma_semaphore, #tpu.memory_space<semaphore_mem>>) src(%dma_wait3A_52 : memref<16384xf32, #tpu.memory_space<hbm>>) dst(%dma_wait3A_51 : memref<16384xf32, #tpu.memory_space<vmem>>)
        tpu.yield
      }) : () -> ()
      %iota3A = tpu.iota {dimensions = array<i32: 0>} : vector<16xi32>
      %scan3A = arith.constant 0 : i32
      %scan3A_37 = arith.constant 512 : i32
      %scan3A_38 = arith.addi %scan3A, %scan3A_37 : i32
      %scan3A_39 = arith.constant 1 : i32
      scf.for %scan3A_43 = %scan3A to %scan3A_38 step %scan3A_39  : i32 {
        %mul3A_44 = arith.constant 32 : i32
        %mul3A_45 = arith.muli %scan3A_43, %mul3A_44 : i32
        %add3A_46 = arith.addi %mul3A_36, %mul3A_45 : i32
        %add3A_47 = vector.broadcast %add3A_46 : i32 to vector<16xi32>
        %add3A_48 = arith.addi %add3A_47, %iota3A : vector<16xi32>
        %broadcast_in_dim3A = arith.constant 928981903 : i32
        %broadcast_in_dim3A_49 = vector.broadcast %broadcast_in_dim3A : i32 to vector<16xi32>
        %add3A_50 = arith.constant -841280227 : i32
        %add3A_51 = vector.broadcast %add3A_50 : i32 to vector<16xi32>
        %add3A_52 = arith.addi %add3A_48, %add3A_51 : vector<16xi32>
        %add3A_53 = arith.addi %broadcast_in_dim3A_49, %add3A_52 : vector<16xi32>
        %shift_left3A = arith.constant 13 : i32
        %shift_left3A_54 = vector.broadcast %shift_left3A : i32 to vector<16xi32>
        %shift_left3A_55 = arith.shli %add3A_52, %shift_left3A_54 : vector<16xi32>
        %shift_right_logical3A = arith.constant 19 : i32
        %shift_right_logical3A_56 = vector.broadcast %shift_right_logical3A : i32 to vector<16xi32>
        %shift_right_logical3A_57 = arith.shrui %add3A_52, %shift_right_logical3A_56 : vector<16xi32>
        %or3A = arith.ori %shift_left3A_55, %shift_right_logical3A_57 : vector<16xi32>
        %xor3A = arith.xori %or3A, %add3A_53 : vector<16xi32>
        %add3A_58 = arith.addi %add3A_53, %xor3A : vector<16xi32>
        %shift_left3A_59 = arith.constant 15 : i32
        %shift_left3A_60 = vector.broadcast %shift_left3A_59 : i32 to vector<16xi32>
        %shift_left3A_61 = arith.shli %xor3A, %shift_left3A_60 : vector<16xi32>
        %shift_right_logical3A_62 = arith.constant 17 : i32
        %shift_right_logical3A_63 = vector.broadcast %shift_right_logical3A_62 : i32 to vector<16xi32>
        %shift_right_logical3A_64 = arith.shrui %xor3A, %shift_right_logical3A_63 : vector<16xi32>
        %or3A_65 = arith.ori %shift_left3A_61, %shift_right_logical3A_64 : vector<16xi32>
        %xor3A_66 = arith.xori %or3A_65, %add3A_58 : vector<16xi32>
        %add3A_67 = arith.addi %add3A_58, %xor3A_66 : vector<16xi32>
        %shift_left3A_68 = arith.constant 26 : i32
        %shift_left3A_69 = vector.broadcast %shift_left3A_68 : i32 to vector<16xi32>
        %shift_left3A_70 = arith.shli %xor3A_66, %shift_left3A_69 : vector<16xi32>
        %shift_right_logical3A_71 = arith.constant 6 : i32
        %shift_right_logical3A_72 = vector.broadcast %shift_right_logical3A_71 : i32 to vector<16xi32>
        %shift_right_logical3A_73 = arith.shrui %xor3A_66, %shift_right_logical3A_72 : vector<16xi32>
        %or3A_74 = arith.ori %shift_left3A_70, %shift_right_logical3A_73 : vector<16xi32>
        %xor3A_75 = arith.xori %or3A_74, %add3A_67 : vector<16xi32>
        %add3A_76 = arith.addi %add3A_67, %xor3A_75 : vector<16xi32>
        %shift_left3A_77 = arith.constant 6 : i32
        %shift_left3A_78 = vector.broadcast %shift_left3A_77 : i32 to vector<16xi32>
        %shift_left3A_79 = arith.shli %xor3A_75, %shift_left3A_78 : vector<16xi32>
        %shift_right_logical3A_80 = arith.constant 26 : i32
        %shift_right_logical3A_81 = vector.broadcast %shift_right_logical3A_80 : i32 to vector<16xi32>
        %shift_right_logical3A_82 = arith.shrui %xor3A_75, %shift_right_logical3A_81 : vector<16xi32>
        %or3A_83 = arith.ori %shift_left3A_79, %shift_right_logical3A_82 : vector<16xi32>
        %xor3A_84 = arith.xori %or3A_83, %add3A_76 : vector<16xi32>
        %add3A_85 = arith.constant -841280227 : i32
        %add3A_86 = vector.broadcast %add3A_85 : i32 to vector<16xi32>
        %add3A_87 = arith.addi %add3A_76, %add3A_86 : vector<16xi32>
        %add3A_88 = arith.constant -514511543 : i32
        %add3A_89 = vector.broadcast %add3A_88 : i32 to vector<16xi32>
        %add3A_90 = arith.addi %xor3A_84, %add3A_89 : vector<16xi32>
        %add3A_91 = arith.addi %add3A_87, %add3A_90 : vector<16xi32>
        %shift_left3A_92 = arith.constant 17 : i32
        %shift_left3A_93 = vector.broadcast %shift_left3A_92 : i32 to vector<16xi32>
        %shift_left3A_94 = arith.shli %add3A_90, %shift_left3A_93 : vector<16xi32>
        %shift_right_logical3A_95 = arith.constant 15 : i32
        %shift_right_logical3A_96 = vector.broadcast %shift_right_logical3A_95 : i32 to vector<16xi32>
        %shift_right_logical3A_97 = arith.shrui %add3A_90, %shift_right_logical3A_96 : vector<16xi32>
        %or3A_98 = arith.ori %shift_left3A_94, %shift_right_logical3A_97 : vector<16xi32>
        %xor3A_99 = arith.xori %or3A_98, %add3A_91 : vector<16xi32>
        %add3A_100 = arith.addi %add3A_91, %xor3A_99 : vector<16xi32>
        %shift_left3A_101 = arith.constant 29 : i32
        %shift_left3A_102 = vector.broadcast %shift_left3A_101 : i32 to vector<16xi32>
        %shift_left3A_103 = arith.shli %xor3A_99, %shift_left3A_102 : vector<16xi32>
        %shift_right_logical3A_104 = arith.constant 3 : i32
        %shift_right_logical3A_105 = vector.broadcast %shift_right_logical3A_104 : i32 to vector<16xi32>
        %shift_right_logical3A_106 = arith.shrui %xor3A_99, %shift_right_logical3A_105 : vector<16xi32>
        %or3A_107 = arith.ori %shift_left3A_103, %shift_right_logical3A_106 : vector<16xi32>
        %xor3A_108 = arith.xori %or3A_107, %add3A_100 : vector<16xi32>
        %add3A_109 = arith.addi %add3A_100, %xor3A_108 : vector<16xi32>
        %shift_left3A_110 = arith.constant 16 : i32
        %shift_left3A_111 = vector.broadcast %shift_left3A_110 : i32 to vector<16xi32>
        %shift_left3A_112 = arith.shli %xor3A_108, %shift_left3A_111 : vector<16xi32>
        %shift_right_logical3A_113 = arith.constant 16 : i32
        %shift_right_logical3A_114 = vector.broadcast %shift_right_logical3A_113 : i32 to vector<16xi32>
        %shift_right_logical3A_115 = arith.shrui %xor3A_108, %shift_right_logical3A_114 : vector<16xi32>
        %or3A_116 = arith.ori %shift_left3A_112, %shift_right_logical3A_115 : vector<16xi32>
        %xor3A_117 = arith.xori %or3A_116, %add3A_109 : vector<16xi32>
        %add3A_118 = arith.addi %add3A_109, %xor3A_117 : vector<16xi32>
        %shift_left3A_119 = arith.constant 24 : i32
        %shift_left3A_120 = vector.broadcast %shift_left3A_119 : i32 to vector<16xi32>
        %shift_left3A_121 = arith.shli %xor3A_117, %shift_left3A_120 : vector<16xi32>
        %shift_right_logical3A_122 = arith.constant 8 : i32
        %shift_right_logical3A_123 = vector.broadcast %shift_right_logical3A_122 : i32 to vector<16xi32>
        %shift_right_logical3A_124 = arith.shrui %xor3A_117, %shift_right_logical3A_123 : vector<16xi32>
        %or3A_125 = arith.ori %shift_left3A_121, %shift_right_logical3A_124 : vector<16xi32>
        %xor3A_126 = arith.xori %or3A_125, %add3A_118 : vector<16xi32>
        %add3A_127 = arith.constant -514511544 : i32
        %add3A_128 = vector.broadcast %add3A_127 : i32 to vector<16xi32>
        %add3A_129 = arith.addi %add3A_118, %add3A_128 : vector<16xi32>
        %add3A_130 = arith.constant 928981905 : i32
        %add3A_131 = vector.broadcast %add3A_130 : i32 to vector<16xi32>
        %add3A_132 = arith.addi %xor3A_126, %add3A_131 : vector<16xi32>
        %add3A_133 = arith.addi %add3A_129, %add3A_132 : vector<16xi32>
        %shift_left3A_134 = arith.constant 13 : i32
        %shift_left3A_135 = vector.broadcast %shift_left3A_134 : i32 to vector<16xi32>
        %shift_left3A_136 = arith.shli %add3A_132, %shift_left3A_135 : vector<16xi32>
        %shift_right_logical3A_137 = arith.constant 19 : i32
        %shift_right_logical3A_138 = vector.broadcast %shift_right_logical3A_137 : i32 to vector<16xi32>
        %shift_right_logical3A_139 = arith.shrui %add3A_132, %shift_right_logical3A_138 : vector<16xi32>
        %or3A_140 = arith.ori %shift_left3A_136, %shift_right_logical3A_139 : vector<16xi32>
        %xor3A_141 = arith.xori %or3A_140, %add3A_133 : vector<16xi32>
        %add3A_142 = arith.addi %add3A_133, %xor3A_141 : vector<16xi32>
        %shift_left3A_143 = arith.constant 15 : i32
        %shift_left3A_144 = vector.broadcast %shift_left3A_143 : i32 to vector<16xi32>
        %shift_left3A_145 = arith.shli %xor3A_141, %shift_left3A_144 : vector<16xi32>
        %shift_right_logical3A_146 = arith.constant 17 : i32
        %shift_right_logical3A_147 = vector.broadcast %shift_right_logical3A_146 : i32 to vector<16xi32>
        %shift_right_logical3A_148 = arith.shrui %xor3A_141, %shift_right_logical3A_147 : vector<16xi32>
        %or3A_149 = arith.ori %shift_left3A_145, %shift_right_logical3A_148 : vector<16xi32>
        %xor3A_150 = arith.xori %or3A_149, %add3A_142 : vector<16xi32>
        %add3A_151 = arith.addi %add3A_142, %xor3A_150 : vector<16xi32>
        %shift_left3A_152 = arith.constant 26 : i32
        %shift_left3A_153 = vector.broadcast %shift_left3A_152 : i32 to vector<16xi32>
        %shift_left3A_154 = arith.shli %xor3A_150, %shift_left3A_153 : vector<16xi32>
        %shift_right_logical3A_155 = arith.constant 6 : i32
        %shift_right_logical3A_156 = vector.broadcast %shift_right_logical3A_155 : i32 to vector<16xi32>
        %shift_right_logical3A_157 = arith.shrui %xor3A_150, %shift_right_logical3A_156 : vector<16xi32>
        %or3A_158 = arith.ori %shift_left3A_154, %shift_right_logical3A_157 : vector<16xi32>
        %xor3A_159 = arith.xori %or3A_158, %add3A_151 : vector<16xi32>
        %add3A_160 = arith.addi %add3A_151, %xor3A_159 : vector<16xi32>
        %shift_left3A_161 = arith.constant 6 : i32
        %shift_left3A_162 = vector.broadcast %shift_left3A_161 : i32 to vector<16xi32>
        %shift_left3A_163 = arith.shli %xor3A_159, %shift_left3A_162 : vector<16xi32>
        %shift_right_logical3A_164 = arith.constant 26 : i32
        %shift_right_logical3A_165 = vector.broadcast %shift_right_logical3A_164 : i32 to vector<16xi32>
        %shift_right_logical3A_166 = arith.shrui %xor3A_159, %shift_right_logical3A_165 : vector<16xi32>
        %or3A_167 = arith.ori %shift_left3A_163, %shift_right_logical3A_166 : vector<16xi32>
        %xor3A_168 = arith.xori %or3A_167, %add3A_160 : vector<16xi32>
        %add3A_169 = arith.constant 928981903 : i32
        %add3A_170 = vector.broadcast %add3A_169 : i32 to vector<16xi32>
        %add3A_171 = arith.addi %add3A_160, %add3A_170 : vector<16xi32>
        %add3A_172 = arith.constant -841280224 : i32
        %add3A_173 = vector.broadcast %add3A_172 : i32 to vector<16xi32>
        %add3A_174 = arith.addi %xor3A_168, %add3A_173 : vector<16xi32>
        %add3A_175 = arith.addi %add3A_171, %add3A_174 : vector<16xi32>
        %shift_left3A_176 = arith.constant 17 : i32
        %shift_left3A_177 = vector.broadcast %shift_left3A_176 : i32 to vector<16xi32>
        %shift_left3A_178 = arith.shli %add3A_174, %shift_left3A_177 : vector<16xi32>
        %shift_right_logical3A_179 = arith.constant 15 : i32
        %shift_right_logical3A_180 = vector.broadcast %shift_right_logical3A_179 : i32 to vector<16xi32>
        %shift_right_logical3A_181 = arith.shrui %add3A_174, %shift_right_logical3A_180 : vector<16xi32>
        %or3A_182 = arith.ori %shift_left3A_178, %shift_right_logical3A_181 : vector<16xi32>
        %xor3A_183 = arith.xori %or3A_182, %add3A_175 : vector<16xi32>
        %add3A_184 = arith.addi %add3A_175, %xor3A_183 : vector<16xi32>
        %shift_left3A_185 = arith.constant 29 : i32
        %shift_left3A_186 = vector.broadcast %shift_left3A_185 : i32 to vector<16xi32>
        %shift_left3A_187 = arith.shli %xor3A_183, %shift_left3A_186 : vector<16xi32>
        %shift_right_logical3A_188 = arith.constant 3 : i32
        %shift_right_logical3A_189 = vector.broadcast %shift_right_logical3A_188 : i32 to vector<16xi32>
        %shift_right_logical3A_190 = arith.shrui %xor3A_183, %shift_right_logical3A_189 : vector<16xi32>
        %or3A_191 = arith.ori %shift_left3A_187, %shift_right_logical3A_190 : vector<16xi32>
        %xor3A_192 = arith.xori %or3A_191, %add3A_184 : vector<16xi32>
        %add3A_193 = arith.addi %add3A_184, %xor3A_192 : vector<16xi32>
        %shift_left3A_194 = arith.constant 16 : i32
        %shift_left3A_195 = vector.broadcast %shift_left3A_194 : i32 to vector<16xi32>
        %shift_left3A_196 = arith.shli %xor3A_192, %shift_left3A_195 : vector<16xi32>
        %shift_right_logical3A_197 = arith.constant 16 : i32
        %shift_right_logical3A_198 = vector.broadcast %shift_right_logical3A_197 : i32 to vector<16xi32>
        %shift_right_logical3A_199 = arith.shrui %xor3A_192, %shift_right_logical3A_198 : vector<16xi32>
        %or3A_200 = arith.ori %shift_left3A_196, %shift_right_logical3A_199 : vector<16xi32>
        %xor3A_201 = arith.xori %or3A_200, %add3A_193 : vector<16xi32>
        %add3A_202 = arith.addi %add3A_193, %xor3A_201 : vector<16xi32>
        %shift_left3A_203 = arith.constant 24 : i32
        %shift_left3A_204 = vector.broadcast %shift_left3A_203 : i32 to vector<16xi32>
        %shift_left3A_205 = arith.shli %xor3A_201, %shift_left3A_204 : vector<16xi32>
        %shift_right_logical3A_206 = arith.constant 8 : i32
        %shift_right_logical3A_207 = vector.broadcast %shift_right_logical3A_206 : i32 to vector<16xi32>
        %shift_right_logical3A_208 = arith.shrui %xor3A_201, %shift_right_logical3A_207 : vector<16xi32>
        %or3A_209 = arith.ori %shift_left3A_205, %shift_right_logical3A_208 : vector<16xi32>
        %xor3A_210 = arith.xori %or3A_209, %add3A_202 : vector<16xi32>
        %add3A_211 = arith.constant -841280227 : i32
        %add3A_212 = vector.broadcast %add3A_211 : i32 to vector<16xi32>
        %add3A_213 = arith.addi %add3A_202, %add3A_212 : vector<16xi32>
        %add3A_214 = arith.constant -514511540 : i32
        %add3A_215 = vector.broadcast %add3A_214 : i32 to vector<16xi32>
        %add3A_216 = arith.addi %xor3A_210, %add3A_215 : vector<16xi32>
        %add3A_217 = arith.addi %add3A_213, %add3A_216 : vector<16xi32>
        %shift_left3A_218 = arith.constant 13 : i32
        %shift_left3A_219 = vector.broadcast %shift_left3A_218 : i32 to vector<16xi32>
        %shift_left3A_220 = arith.shli %add3A_216, %shift_left3A_219 : vector<16xi32>
        %shift_right_logical3A_221 = arith.constant 19 : i32
        %shift_right_logical3A_222 = vector.broadcast %shift_right_logical3A_221 : i32 to vector<16xi32>
        %shift_right_logical3A_223 = arith.shrui %add3A_216, %shift_right_logical3A_222 : vector<16xi32>
        %or3A_224 = arith.ori %shift_left3A_220, %shift_right_logical3A_223 : vector<16xi32>
        %xor3A_225 = arith.xori %or3A_224, %add3A_217 : vector<16xi32>
        %add3A_226 = arith.addi %add3A_217, %xor3A_225 : vector<16xi32>
        %shift_left3A_227 = arith.constant 15 : i32
        %shift_left3A_228 = vector.broadcast %shift_left3A_227 : i32 to vector<16xi32>
        %shift_left3A_229 = arith.shli %xor3A_225, %shift_left3A_228 : vector<16xi32>
        %shift_right_logical3A_230 = arith.constant 17 : i32
        %shift_right_logical3A_231 = vector.broadcast %shift_right_logical3A_230 : i32 to vector<16xi32>
        %shift_right_logical3A_232 = arith.shrui %xor3A_225, %shift_right_logical3A_231 : vector<16xi32>
        %or3A_233 = arith.ori %shift_left3A_229, %shift_right_logical3A_232 : vector<16xi32>
        %xor3A_234 = arith.xori %or3A_233, %add3A_226 : vector<16xi32>
        %add3A_235 = arith.addi %add3A_226, %xor3A_234 : vector<16xi32>
        %shift_left3A_236 = arith.constant 26 : i32
        %shift_left3A_237 = vector.broadcast %shift_left3A_236 : i32 to vector<16xi32>
        %shift_left3A_238 = arith.shli %xor3A_234, %shift_left3A_237 : vector<16xi32>
        %shift_right_logical3A_239 = arith.constant 6 : i32
        %shift_right_logical3A_240 = vector.broadcast %shift_right_logical3A_239 : i32 to vector<16xi32>
        %shift_right_logical3A_241 = arith.shrui %xor3A_234, %shift_right_logical3A_240 : vector<16xi32>
        %or3A_242 = arith.ori %shift_left3A_238, %shift_right_logical3A_241 : vector<16xi32>
        %xor3A_243 = arith.xori %or3A_242, %add3A_235 : vector<16xi32>
        %add3A_244 = arith.addi %add3A_235, %xor3A_243 : vector<16xi32>
        %shift_left3A_245 = arith.constant 6 : i32
        %shift_left3A_246 = vector.broadcast %shift_left3A_245 : i32 to vector<16xi32>
        %shift_left3A_247 = arith.shli %xor3A_243, %shift_left3A_246 : vector<16xi32>
        %shift_right_logical3A_248 = arith.constant 26 : i32
        %shift_right_logical3A_249 = vector.broadcast %shift_right_logical3A_248 : i32 to vector<16xi32>
        %shift_right_logical3A_250 = arith.shrui %xor3A_243, %shift_right_logical3A_249 : vector<16xi32>
        %or3A_251 = arith.ori %shift_left3A_247, %shift_right_logical3A_250 : vector<16xi32>
        %xor3A_252 = arith.xori %or3A_251, %add3A_244 : vector<16xi32>
        %add3A_253 = arith.constant -514511544 : i32
        %add3A_254 = vector.broadcast %add3A_253 : i32 to vector<16xi32>
        %add3A_255 = arith.addi %add3A_244, %add3A_254 : vector<16xi32>
        %add3A_256 = arith.constant 928981908 : i32
        %add3A_257 = vector.broadcast %add3A_256 : i32 to vector<16xi32>
        %add3A_258 = arith.addi %xor3A_252, %add3A_257 : vector<16xi32>
        %xor3A_259 = arith.xori %add3A_255, %add3A_258 : vector<16xi32>
        %ge3A = arith.constant 429496832 : i32
        %ge3A_260 = vector.broadcast %ge3A : i32 to vector<16xi32>
        %ge3A_261 = arith.cmpi uge, %xor3A_259, %ge3A_260 : vector<16xi32>
        %get3A = arith.index_cast %mul3A_45 : i32 to index
        %get3A_262 = tpu.vector_load %arg4[%get3A] {strides = array<i32>} : memref<16384xf32, #tpu.memory_space<vmem>>, vector<16xf32>,
        %get3A_263 = vector.shape_cast %get3A_262 : vector<16xf32> to vector<16xf32>
        %mul3A_264 = arith.constant 1.11111116 : f32
        %mul3A_265 = vector.broadcast %mul3A_264 : f32 to vector<16xf32>
        %mul3A_266 = arith.mulf %get3A_263, %mul3A_265 : vector<16xf32>
        %jit3A_267 = arith.constant 0.000000e+00 : f32
        %broadcast_in_dim3A_268 = vector.broadcast %jit3A_267 : f32 to vector<16xf32>
        %select_n3A_269 = arith.select %ge3A_261, %mul3A_266, %broadcast_in_dim3A_268 : vector<16xi1>, vector<16xf32>
        %swap3A = arith.index_cast %mul3A_45 : i32 to index
        %swap3A_270 = tpu.vector_load %arg4[%swap3A] {strides = array<i32>} : memref<16384xf32, #tpu.memory_space<vmem>>, vector<16xf32>,
        %swap3A_271 = vector.shape_cast %swap3A_270 : vector<16xf32> to vector<16xf32>
        %swap3A_272 = vector.shape_cast %select_n3A_269 : vector<16xf32> to vector<16xf32>
        tpu.vector_store %arg4[%swap3A], %swap3A_272 {strides = array<i32>} : memref<16384xf32, #tpu.memory_space<vmem>>, vector<16xf32>,
        %add3A_273 = arith.constant 16 : i32
        %add3A_274 = arith.addi %mul3A_45, %add3A_273 : i32
        %add3A_275 = arith.addi %mul3A_36, %add3A_274 : i32
        %add3A_276 = vector.broadcast %add3A_275 : i32 to vector<16xi32>
        %add3A_277 = arith.addi %add3A_276, %iota3A : vector<16xi32>
        %broadcast_in_dim3A_278 = arith.constant 928981903 : i32
        %broadcast_in_dim3A_279 = vector.broadcast %broadcast_in_dim3A_278 : i32 to vector<16xi32>
        %add3A_280 = arith.constant -841280227 : i32
        %add3A_281 = vector.broadcast %add3A_280 : i32 to vector<16xi32>
        %add3A_282 = arith.addi %add3A_277, %add3A_281 : vector<16xi32>
        %add3A_283 = arith.addi %broadcast_in_dim3A_279, %add3A_282 : vector<16xi32>
        %shift_left3A_284 = arith.constant 13 : i32
        %shift_left3A_285 = vector.broadcast %shift_left3A_284 : i32 to vector<16xi32>
        %shift_left3A_286 = arith.shli %add3A_282, %shift_left3A_285 : vector<16xi32>
        %shift_right_logical3A_287 = arith.constant 19 : i32
        %shift_right_logical3A_288 = vector.broadcast %shift_right_logical3A_287 : i32 to vector<16xi32>
        %shift_right_logical3A_289 = arith.shrui %add3A_282, %shift_right_logical3A_288 : vector<16xi32>
        %or3A_290 = arith.ori %shift_left3A_286, %shift_right_logical3A_289 : vector<16xi32>
        %xor3A_291 = arith.xori %or3A_290, %add3A_283 : vector<16xi32>
        %add3A_292 = arith.addi %add3A_283, %xor3A_291 : vector<16xi32>
        %shift_left3A_293 = arith.constant 15 : i32
        %shift_left3A_294 = vector.broadcast %shift_left3A_293 : i32 to vector<16xi32>
        %shift_left3A_295 = arith.shli %xor3A_291, %shift_left3A_294 : vector<16xi32>
        %shift_right_logical3A_296 = arith.constant 17 : i32
        %shift_right_logical3A_297 = vector.broadcast %shift_right_logical3A_296 : i32 to vector<16xi32>
        %shift_right_logical3A_298 = arith.shrui %xor3A_291, %shift_right_logical3A_297 : vector<16xi32>
        %or3A_299 = arith.ori %shift_left3A_295, %shift_right_logical3A_298 : vector<16xi32>
        %xor3A_300 = arith.xori %or3A_299, %add3A_292 : vector<16xi32>
        %add3A_301 = arith.addi %add3A_292, %xor3A_300 : vector<16xi32>
        %shift_left3A_302 = arith.constant 26 : i32
        %shift_left3A_303 = vector.broadcast %shift_left3A_302 : i32 to vector<16xi32>
        %shift_left3A_304 = arith.shli %xor3A_300, %shift_left3A_303 : vector<16xi32>
        %shift_right_logical3A_305 = arith.constant 6 : i32
        %shift_right_logical3A_306 = vector.broadcast %shift_right_logical3A_305 : i32 to vector<16xi32>
        %shift_right_logical3A_307 = arith.shrui %xor3A_300, %shift_right_logical3A_306 : vector<16xi32>
        %or3A_308 = arith.ori %shift_left3A_304, %shift_right_logical3A_307 : vector<16xi32>
        %xor3A_309 = arith.xori %or3A_308, %add3A_301 : vector<16xi32>
        %add3A_310 = arith.addi %add3A_301, %xor3A_309 : vector<16xi32>
        %shift_left3A_311 = arith.constant 6 : i32
        %shift_left3A_312 = vector.broadcast %shift_left3A_311 : i32 to vector<16xi32>
        %shift_left3A_313 = arith.shli %xor3A_309, %shift_left3A_312 : vector<16xi32>
        %shift_right_logical3A_314 = arith.constant 26 : i32
        %shift_right_logical3A_315 = vector.broadcast %shift_right_logical3A_314 : i32 to vector<16xi32>
        %shift_right_logical3A_316 = arith.shrui %xor3A_309, %shift_right_logical3A_315 : vector<16xi32>
        %or3A_317 = arith.ori %shift_left3A_313, %shift_right_logical3A_316 : vector<16xi32>
        %xor3A_318 = arith.xori %or3A_317, %add3A_310 : vector<16xi32>
        %add3A_319 = arith.constant -841280227 : i32
        %add3A_320 = vector.broadcast %add3A_319 : i32 to vector<16xi32>
        %add3A_321 = arith.addi %add3A_310, %add3A_320 : vector<16xi32>
        %add3A_322 = arith.constant -514511543 : i32
        %add3A_323 = vector.broadcast %add3A_322 : i32 to vector<16xi32>
        %add3A_324 = arith.addi %xor3A_318, %add3A_323 : vector<16xi32>
        %add3A_325 = arith.addi %add3A_321, %add3A_324 : vector<16xi32>
        %shift_left3A_326 = arith.constant 17 : i32
        %shift_left3A_327 = vector.broadcast %shift_left3A_326 : i32 to vector<16xi32>
        %shift_left3A_328 = arith.shli %add3A_324, %shift_left3A_327 : vector<16xi32>
        %shift_right_logical3A_329 = arith.constant 15 : i32
        %shift_right_logical3A_330 = vector.broadcast %shift_right_logical3A_329 : i32 to vector<16xi32>
        %shift_right_logical3A_331 = arith.shrui %add3A_324, %shift_right_logical3A_330 : vector<16xi32>
        %or3A_332 = arith.ori %shift_left3A_328, %shift_right_logical3A_331 : vector<16xi32>
        %xor3A_333 = arith.xori %or3A_332, %add3A_325 : vector<16xi32>
        %add3A_334 = arith.addi %add3A_325, %xor3A_333 : vector<16xi32>
        %shift_left3A_335 = arith.constant 29 : i32
        %shift_left3A_336 = vector.broadcast %shift_left3A_335 : i32 to vector<16xi32>
        %shift_left3A_337 = arith.shli %xor3A_333, %shift_left3A_336 : vector<16xi32>
        %shift_right_logical3A_338 = arith.constant 3 : i32
        %shift_right_logical3A_339 = vector.broadcast %shift_right_logical3A_338 : i32 to vector<16xi32>
        %shift_right_logical3A_340 = arith.shrui %xor3A_333, %shift_right_logical3A_339 : vector<16xi32>
        %or3A_341 = arith.ori %shift_left3A_337, %shift_right_logical3A_340 : vector<16xi32>
        %xor3A_342 = arith.xori %or3A_341, %add3A_334 : vector<16xi32>
        %add3A_343 = arith.addi %add3A_334, %xor3A_342 : vector<16xi32>
        %shift_left3A_344 = arith.constant 16 : i32
        %shift_left3A_345 = vector.broadcast %shift_left3A_344 : i32 to vector<16xi32>
        %shift_left3A_346 = arith.shli %xor3A_342, %shift_left3A_345 : vector<16xi32>
        %shift_right_logical3A_347 = arith.constant 16 : i32
        %shift_right_logical3A_348 = vector.broadcast %shift_right_logical3A_347 : i32 to vector<16xi32>
        %shift_right_logical3A_349 = arith.shrui %xor3A_342, %shift_right_logical3A_348 : vector<16xi32>
        %or3A_350 = arith.ori %shift_left3A_346, %shift_right_logical3A_349 : vector<16xi32>
        %xor3A_351 = arith.xori %or3A_350, %add3A_343 : vector<16xi32>
        %add3A_352 = arith.addi %add3A_343, %xor3A_351 : vector<16xi32>
        %shift_left3A_353 = arith.constant 24 : i32
        %shift_left3A_354 = vector.broadcast %shift_left3A_353 : i32 to vector<16xi32>
        %shift_left3A_355 = arith.shli %xor3A_351, %shift_left3A_354 : vector<16xi32>
        %shift_right_logical3A_356 = arith.constant 8 : i32
        %shift_right_logical3A_357 = vector.broadcast %shift_right_logical3A_356 : i32 to vector<16xi32>
        %shift_right_logical3A_358 = arith.shrui %xor3A_351, %shift_right_logical3A_357 : vector<16xi32>
        %or3A_359 = arith.ori %shift_left3A_355, %shift_right_logical3A_358 : vector<16xi32>
        %xor3A_360 = arith.xori %or3A_359, %add3A_352 : vector<16xi32>
        %add3A_361 = arith.constant -514511544 : i32
        %add3A_362 = vector.broadcast %add3A_361 : i32 to vector<16xi32>
        %add3A_363 = arith.addi %add3A_352, %add3A_362 : vector<16xi32>
        %add3A_364 = arith.constant 928981905 : i32
        %add3A_365 = vector.broadcast %add3A_364 : i32 to vector<16xi32>
        %add3A_366 = arith.addi %xor3A_360, %add3A_365 : vector<16xi32>
        %add3A_367 = arith.addi %add3A_363, %add3A_366 : vector<16xi32>
        %shift_left3A_368 = arith.constant 13 : i32
        %shift_left3A_369 = vector.broadcast %shift_left3A_368 : i32 to vector<16xi32>
        %shift_left3A_370 = arith.shli %add3A_366, %shift_left3A_369 : vector<16xi32>
        %shift_right_logical3A_371 = arith.constant 19 : i32
        %shift_right_logical3A_372 = vector.broadcast %shift_right_logical3A_371 : i32 to vector<16xi32>
        %shift_right_logical3A_373 = arith.shrui %add3A_366, %shift_right_logical3A_372 : vector<16xi32>
        %or3A_374 = arith.ori %shift_left3A_370, %shift_right_logical3A_373 : vector<16xi32>
        %xor3A_375 = arith.xori %or3A_374, %add3A_367 : vector<16xi32>
        %add3A_376 = arith.addi %add3A_367, %xor3A_375 : vector<16xi32>
        %shift_left3A_377 = arith.constant 15 : i32
        %shift_left3A_378 = vector.broadcast %shift_left3A_377 : i32 to vector<16xi32>
        %shift_left3A_379 = arith.shli %xor3A_375, %shift_left3A_378 : vector<16xi32>
        %shift_right_logical3A_380 = arith.constant 17 : i32
        %shift_right_logical3A_381 = vector.broadcast %shift_right_logical3A_380 : i32 to vector<16xi32>
        %shift_right_logical3A_382 = arith.shrui %xor3A_375, %shift_right_logical3A_381 : vector<16xi32>
        %or3A_383 = arith.ori %shift_left3A_379, %shift_right_logical3A_382 : vector<16xi32>
        %xor3A_384 = arith.xori %or3A_383, %add3A_376 : vector<16xi32>
        %add3A_385 = arith.addi %add3A_376, %xor3A_384 : vector<16xi32>
        %shift_left3A_386 = arith.constant 26 : i32
        %shift_left3A_387 = vector.broadcast %shift_left3A_386 : i32 to vector<16xi32>
        %shift_left3A_388 = arith.shli %xor3A_384, %shift_left3A_387 : vector<16xi32>
        %shift_right_logical3A_389 = arith.constant 6 : i32
        %shift_right_logical3A_390 = vector.broadcast %shift_right_logical3A_389 : i32 to vector<16xi32>
        %shift_right_logical3A_391 = arith.shrui %xor3A_384, %shift_right_logical3A_390 : vector<16xi32>
        %or3A_392 = arith.ori %shift_left3A_388, %shift_right_logical3A_391 : vector<16xi32>
        %xor3A_393 = arith.xori %or3A_392, %add3A_385 : vector<16xi32>
        %add3A_394 = arith.addi %add3A_385, %xor3A_393 : vector<16xi32>
        %shift_left3A_395 = arith.constant 6 : i32
        %shift_left3A_396 = vector.broadcast %shift_left3A_395 : i32 to vector<16xi32>
        %shift_left3A_397 = arith.shli %xor3A_393, %shift_left3A_396 : vector<16xi32>
        %shift_right_logical3A_398 = arith.constant 26 : i32
        %shift_right_logical3A_399 = vector.broadcast %shift_right_logical3A_398 : i32 to vector<16xi32>
        %shift_right_logical3A_400 = arith.shrui %xor3A_393, %shift_right_logical3A_399 : vector<16xi32>
        %or3A_401 = arith.ori %shift_left3A_397, %shift_right_logical3A_400 : vector<16xi32>
        %xor3A_402 = arith.xori %or3A_401, %add3A_394 : vector<16xi32>
        %add3A_403 = arith.constant 928981903 : i32
        %add3A_404 = vector.broadcast %add3A_403 : i32 to vector<16xi32>
        %add3A_405 = arith.addi %add3A_394, %add3A_404 : vector<16xi32>
        %add3A_406 = arith.constant -841280224 : i32
        %add3A_407 = vector.broadcast %add3A_406 : i32 to vector<16xi32>
        %add3A_408 = arith.addi %xor3A_402, %add3A_407 : vector<16xi32>
        %add3A_409 = arith.addi %add3A_405, %add3A_408 : vector<16xi32>
        %shift_left3A_410 = arith.constant 17 : i32
        %shift_left3A_411 = vector.broadcast %shift_left3A_410 : i32 to vector<16xi32>
        %shift_left3A_412 = arith.shli %add3A_408, %shift_left3A_411 : vector<16xi32>
        %shift_right_logical3A_413 = arith.constant 15 : i32
        %shift_right_logical3A_414 = vector.broadcast %shift_right_logical3A_413 : i32 to vector<16xi32>
        %shift_right_logical3A_415 = arith.shrui %add3A_408, %shift_right_logical3A_414 : vector<16xi32>
        %or3A_416 = arith.ori %shift_left3A_412, %shift_right_logical3A_415 : vector<16xi32>
        %xor3A_417 = arith.xori %or3A_416, %add3A_409 : vector<16xi32>
        %add3A_418 = arith.addi %add3A_409, %xor3A_417 : vector<16xi32>
        %shift_left3A_419 = arith.constant 29 : i32
        %shift_left3A_420 = vector.broadcast %shift_left3A_419 : i32 to vector<16xi32>
        %shift_left3A_421 = arith.shli %xor3A_417, %shift_left3A_420 : vector<16xi32>
        %shift_right_logical3A_422 = arith.constant 3 : i32
        %shift_right_logical3A_423 = vector.broadcast %shift_right_logical3A_422 : i32 to vector<16xi32>
        %shift_right_logical3A_424 = arith.shrui %xor3A_417, %shift_right_logical3A_423 : vector<16xi32>
        %or3A_425 = arith.ori %shift_left3A_421, %shift_right_logical3A_424 : vector<16xi32>
        %xor3A_426 = arith.xori %or3A_425, %add3A_418 : vector<16xi32>
        %add3A_427 = arith.addi %add3A_418, %xor3A_426 : vector<16xi32>
        %shift_left3A_428 = arith.constant 16 : i32
        %shift_left3A_429 = vector.broadcast %shift_left3A_428 : i32 to vector<16xi32>
        %shift_left3A_430 = arith.shli %xor3A_426, %shift_left3A_429 : vector<16xi32>
        %shift_right_logical3A_431 = arith.constant 16 : i32
        %shift_right_logical3A_432 = vector.broadcast %shift_right_logical3A_431 : i32 to vector<16xi32>
        %shift_right_logical3A_433 = arith.shrui %xor3A_426, %shift_right_logical3A_432 : vector<16xi32>
        %or3A_434 = arith.ori %shift_left3A_430, %shift_right_logical3A_433 : vector<16xi32>
        %xor3A_435 = arith.xori %or3A_434, %add3A_427 : vector<16xi32>
        %add3A_436 = arith.addi %add3A_427, %xor3A_435 : vector<16xi32>
        %shift_left3A_437 = arith.constant 24 : i32
        %shift_left3A_438 = vector.broadcast %shift_left3A_437 : i32 to vector<16xi32>
        %shift_left3A_439 = arith.shli %xor3A_435, %shift_left3A_438 : vector<16xi32>
        %shift_right_logical3A_440 = arith.constant 8 : i32
        %shift_right_logical3A_441 = vector.broadcast %shift_right_logical3A_440 : i32 to vector<16xi32>
        %shift_right_logical3A_442 = arith.shrui %xor3A_435, %shift_right_logical3A_441 : vector<16xi32>
        %or3A_443 = arith.ori %shift_left3A_439, %shift_right_logical3A_442 : vector<16xi32>
        %xor3A_444 = arith.xori %or3A_443, %add3A_436 : vector<16xi32>
        %add3A_445 = arith.constant -841280227 : i32
        %add3A_446 = vector.broadcast %add3A_445 : i32 to vector<16xi32>
        %add3A_447 = arith.addi %add3A_436, %add3A_446 : vector<16xi32>
        %add3A_448 = arith.constant -514511540 : i32
        %add3A_449 = vector.broadcast %add3A_448 : i32 to vector<16xi32>
        %add3A_450 = arith.addi %xor3A_444, %add3A_449 : vector<16xi32>
        %add3A_451 = arith.addi %add3A_447, %add3A_450 : vector<16xi32>
        %shift_left3A_452 = arith.constant 13 : i32
        %shift_left3A_453 = vector.broadcast %shift_left3A_452 : i32 to vector<16xi32>
        %shift_left3A_454 = arith.shli %add3A_450, %shift_left3A_453 : vector<16xi32>
        %shift_right_logical3A_455 = arith.constant 19 : i32
        %shift_right_logical3A_456 = vector.broadcast %shift_right_logical3A_455 : i32 to vector<16xi32>
        %shift_right_logical3A_457 = arith.shrui %add3A_450, %shift_right_logical3A_456 : vector<16xi32>
        %or3A_458 = arith.ori %shift_left3A_454, %shift_right_logical3A_457 : vector<16xi32>
        %xor3A_459 = arith.xori %or3A_458, %add3A_451 : vector<16xi32>
        %add3A_460 = arith.addi %add3A_451, %xor3A_459 : vector<16xi32>
        %shift_left3A_461 = arith.constant 15 : i32
        %shift_left3A_462 = vector.broadcast %shift_left3A_461 : i32 to vector<16xi32>
        %shift_left3A_463 = arith.shli %xor3A_459, %shift_left3A_462 : vector<16xi32>
        %shift_right_logical3A_464 = arith.constant 17 : i32
        %shift_right_logical3A_465 = vector.broadcast %shift_right_logical3A_464 : i32 to vector<16xi32>
        %shift_right_logical3A_466 = arith.shrui %xor3A_459, %shift_right_logical3A_465 : vector<16xi32>
        %or3A_467 = arith.ori %shift_left3A_463, %shift_right_logical3A_466 : vector<16xi32>
        %xor3A_468 = arith.xori %or3A_467, %add3A_460 : vector<16xi32>
        %add3A_469 = arith.addi %add3A_460, %xor3A_468 : vector<16xi32>
        %shift_left3A_470 = arith.constant 26 : i32
        %shift_left3A_471 = vector.broadcast %shift_left3A_470 : i32 to vector<16xi32>
        %shift_left3A_472 = arith.shli %xor3A_468, %shift_left3A_471 : vector<16xi32>
        %shift_right_logical3A_473 = arith.constant 6 : i32
        %shift_right_logical3A_474 = vector.broadcast %shift_right_logical3A_473 : i32 to vector<16xi32>
        %shift_right_logical3A_475 = arith.shrui %xor3A_468, %shift_right_logical3A_474 : vector<16xi32>
        %or3A_476 = arith.ori %shift_left3A_472, %shift_right_logical3A_475 : vector<16xi32>
        %xor3A_477 = arith.xori %or3A_476, %add3A_469 : vector<16xi32>
        %add3A_478 = arith.addi %add3A_469, %xor3A_477 : vector<16xi32>
        %shift_left3A_479 = arith.constant 6 : i32
        %shift_left3A_480 = vector.broadcast %shift_left3A_479 : i32 to vector<16xi32>
        %shift_left3A_481 = arith.shli %xor3A_477, %shift_left3A_480 : vector<16xi32>
        %shift_right_logical3A_482 = arith.constant 26 : i32
        %shift_right_logical3A_483 = vector.broadcast %shift_right_logical3A_482 : i32 to vector<16xi32>
        %shift_right_logical3A_484 = arith.shrui %xor3A_477, %shift_right_logical3A_483 : vector<16xi32>
        %or3A_485 = arith.ori %shift_left3A_481, %shift_right_logical3A_484 : vector<16xi32>
        %xor3A_486 = arith.xori %or3A_485, %add3A_478 : vector<16xi32>
        %add3A_487 = arith.constant -514511544 : i32
        %add3A_488 = vector.broadcast %add3A_487 : i32 to vector<16xi32>
        %add3A_489 = arith.addi %add3A_478, %add3A_488 : vector<16xi32>
        %add3A_490 = arith.constant 928981908 : i32
        %add3A_491 = vector.broadcast %add3A_490 : i32 to vector<16xi32>
        %add3A_492 = arith.addi %xor3A_486, %add3A_491 : vector<16xi32>
        %xor3A_493 = arith.xori %add3A_489, %add3A_492 : vector<16xi32>
        %ge3A_494 = arith.constant 429496832 : i32
        %ge3A_495 = vector.broadcast %ge3A_494 : i32 to vector<16xi32>
        %ge3A_496 = arith.cmpi uge, %xor3A_493, %ge3A_495 : vector<16xi32>
        %get3A_497 = arith.index_cast %add3A_274 : i32 to index
        %get3A_498 = tpu.vector_load %arg4[%get3A_497] {strides = array<i32>} : memref<16384xf32, #tpu.memory_space<vmem>>, vector<16xf32>,
        %get3A_499 = vector.shape_cast %get3A_498 : vector<16xf32> to vector<16xf32>
        %mul3A_500 = arith.constant 1.11111116 : f32
        %mul3A_501 = vector.broadcast %mul3A_500 : f32 to vector<16xf32>
        %mul3A_502 = arith.mulf %get3A_499, %mul3A_501 : vector<16xf32>
        %jit3A_503 = arith.constant 0.000000e+00 : f32
        %broadcast_in_dim3A_504 = vector.broadcast %jit3A_503 : f32 to vector<16xf32>
        %select_n3A_505 = arith.select %ge3A_496, %mul3A_502, %broadcast_in_dim3A_504 : vector<16xi1>, vector<16xf32>
        %swap3A_506 = arith.index_cast %add3A_274 : i32 to index
        %swap3A_507 = tpu.vector_load %arg4[%swap3A_506] {strides = array<i32>} : memref<16384xf32, #tpu.memory_space<vmem>>, vector<16xf32>,
        %swap3A_508 = vector.shape_cast %swap3A_507 : vector<16xf32> to vector<16xf32>
        %swap3A_509 = vector.shape_cast %select_n3A_505 : vector<16xf32> to vector<16xf32>
        tpu.vector_store %arg4[%swap3A_506], %swap3A_509 {strides = array<i32>} : memref<16384xf32, #tpu.memory_space<vmem>>, vector<16xf32>,
      }
      %scan3A_40 = arith.constant 512 : i32
      %sub3A_41 = arith.constant 3670016 : i32
      %sub3A_42 = arith.subi %mul3A_36, %sub3A_41 : i32
      "tpu.region"() ({
        %run_scoped3A = tpu.sem_alloc : memref<!tpu.dma_semaphore, #tpu.memory_space<semaphore_mem>>
        %dma_start3A = arith.constant 0 : i32
        %dma_start3A_43 = tpu.memref_slice %arg4[%dma_start3A] : memref<16384xf32, #tpu.memory_space<vmem>> -> memref<16384xf32, #tpu.memory_space<vmem>>
        %dma_start3A_44 = tpu.memref_slice %arg3[%sub3A_42] : memref<624951xf32, #tpu.memory_space<hbm>> -> memref<16384xf32, #tpu.memory_space<hbm>>
        %dma_start3A_45 = tpu.memref_slice %arg3[%sub3A_42] : memref<624951xf32, #tpu.memory_space<hbm>> -> memref<16384xf32, #tpu.memory_space<hbm>>
        %dma_start3A_46 = arith.constant 0 : i32
        %dma_start3A_47 = tpu.memref_slice %arg4[%dma_start3A_46] : memref<16384xf32, #tpu.memory_space<vmem>> -> memref<16384xf32, #tpu.memory_space<vmem>>
        tpu.enqueue_dma source(%dma_start3A_47 : memref<16384xf32, #tpu.memory_space<vmem>>) target(%dma_start3A_45 : memref<16384xf32, #tpu.memory_space<hbm>>) target_semaphore(%run_scoped3A : memref<!tpu.dma_semaphore, #tpu.memory_space<semaphore_mem>>)
        %dma_wait3A = arith.constant 0 : i32
        %dma_wait3A_48 = tpu.memref_slice %arg4[%dma_wait3A] : memref<16384xf32, #tpu.memory_space<vmem>> -> memref<16384xf32, #tpu.memory_space<vmem>>
        %dma_wait3A_49 = tpu.memref_slice %arg3[%sub3A_42] : memref<624951xf32, #tpu.memory_space<hbm>> -> memref<16384xf32, #tpu.memory_space<hbm>>
        %dma_wait3A_50 = tpu.memref_slice %arg3[%sub3A_42] : memref<624951xf32, #tpu.memory_space<hbm>> -> memref<16384xf32, #tpu.memory_space<hbm>>
        %dma_wait3A_51 = arith.constant 0 : i32
        %dma_wait3A_52 = tpu.memref_slice %arg4[%dma_wait3A_51] : memref<16384xf32, #tpu.memory_space<vmem>> -> memref<16384xf32, #tpu.memory_space<vmem>>
        tpu.wait_dma2 semaphore(%run_scoped3A : memref<!tpu.dma_semaphore, #tpu.memory_space<semaphore_mem>>) src(%dma_wait3A_52 : memref<16384xf32, #tpu.memory_space<vmem>>) dst(%dma_wait3A_50 : memref<16384xf32, #tpu.memory_space<hbm>>)
        tpu.yield
      }) : () -> ()
    }
    %eq3A = arith.constant 6 : i32
    %eq3A_27 = arith.cmpi eq, %add3A, %eq3A : i32
    %convert_element_type3A = arith.extui %eq3A_27 : i1 to i32
    %cond3A = arith.constant 0 : i32
    %cond3A_28 = arith.cmpi ne, %convert_element_type3A, %cond3A : i32
    scf.if %cond3A_28 {
      %run_scoped3A = arith.constant 4292608 : i32
      "tpu.region"() ({
        %run_scoped3A_37 = tpu.sem_alloc : memref<!tpu.dma_semaphore, #tpu.memory_space<semaphore_mem>>
        %dma_start3A = arith.constant 0 : i32
        %dma_start3A_38 = tpu.memref_slice %arg4[%dma_start3A] : memref<16384xf32, #tpu.memory_space<vmem>> -> memref<2359xf32, #tpu.memory_space<vmem>>
        %dma_start3A_39 = tpu.memref_slice %arg2[%run_scoped3A] : memref<4294967xf32, #tpu.memory_space<hbm>> -> memref<2359xf32, #tpu.memory_space<hbm>>
        %dma_start3A_40 = arith.constant 0 : i32
        %dma_start3A_41 = tpu.memref_slice %arg4[%dma_start3A_40] : memref<16384xf32, #tpu.memory_space<vmem>> -> memref<2359xf32, #tpu.memory_space<vmem>>
        %dma_start3A_42 = tpu.memref_slice %arg2[%run_scoped3A] : memref<4294967xf32, #tpu.memory_space<hbm>> -> memref<2359xf32, #tpu.memory_space<hbm>>
        tpu.enqueue_dma source(%dma_start3A_42 : memref<2359xf32, #tpu.memory_space<hbm>>) target(%dma_start3A_41 : memref<2359xf32, #tpu.memory_space<vmem>>) target_semaphore(%run_scoped3A_37 : memref<!tpu.dma_semaphore, #tpu.memory_space<semaphore_mem>>)
        %dma_wait3A = arith.constant 0 : i32
        %dma_wait3A_43 = tpu.memref_slice %arg4[%dma_wait3A] : memref<16384xf32, #tpu.memory_space<vmem>> -> memref<2359xf32, #tpu.memory_space<vmem>>
        %dma_wait3A_44 = tpu.memref_slice %arg2[%run_scoped3A] : memref<4294967xf32, #tpu.memory_space<hbm>> -> memref<2359xf32, #tpu.memory_space<hbm>>
        %dma_wait3A_45 = arith.constant 0 : i32
        %dma_wait3A_46 = tpu.memref_slice %arg4[%dma_wait3A_45] : memref<16384xf32, #tpu.memory_space<vmem>> -> memref<2359xf32, #tpu.memory_space<vmem>>
        %dma_wait3A_47 = tpu.memref_slice %arg2[%run_scoped3A] : memref<4294967xf32, #tpu.memory_space<hbm>> -> memref<2359xf32, #tpu.memory_space<hbm>>
        tpu.wait_dma2 semaphore(%run_scoped3A_37 : memref<!tpu.dma_semaphore, #tpu.memory_space<semaphore_mem>>) src(%dma_wait3A_47 : memref<2359xf32, #tpu.memory_space<hbm>>) dst(%dma_wait3A_46 : memref<2359xf32, #tpu.memory_space<vmem>>)
        tpu.yield
      }) : () -> ()
      %iota3A = tpu.iota {dimensions = array<i32: 0>} : vector<16xi32>
      %scan3A = arith.constant 4292608 : i32
      %scan3A_29 = arith.constant 0 : i32
      %scan3A_30 = arith.constant 74 : i32
      %scan3A_31 = arith.addi %scan3A_29, %scan3A_30 : i32
      %scan3A_32 = arith.constant 1 : i32
      scf.for %scan3A_37 = %scan3A_29 to %scan3A_31 step %scan3A_32  : i32 {
        %mul3A_38 = arith.constant 32 : i32
        %mul3A_39 = arith.muli %scan3A_37, %mul3A_38 : i32
        %add3A_40 = arith.addi %scan3A, %mul3A_39 : i32
        %add3A_41 = vector.broadcast %add3A_40 : i32 to vector<16xi32>
        %add3A_42 = arith.addi %add3A_41, %iota3A : vector<16xi32>
        %broadcast_in_dim3A = arith.constant 928981903 : i32
        %broadcast_in_dim3A_43 = vector.broadcast %broadcast_in_dim3A : i32 to vector<16xi32>
        %add3A_44 = arith.constant -841280227 : i32
        %add3A_45 = vector.broadcast %add3A_44 : i32 to vector<16xi32>
        %add3A_46 = arith.addi %add3A_42, %add3A_45 : vector<16xi32>
        %add3A_47 = arith.addi %broadcast_in_dim3A_43, %add3A_46 : vector<16xi32>
        %shift_left3A = arith.constant 13 : i32
        %shift_left3A_48 = vector.broadcast %shift_left3A : i32 to vector<16xi32>
        %shift_left3A_49 = arith.shli %add3A_46, %shift_left3A_48 : vector<16xi32>
        %shift_right_logical3A = arith.constant 19 : i32
        %shift_right_logical3A_50 = vector.broadcast %shift_right_logical3A : i32 to vector<16xi32>
        %shift_right_logical3A_51 = arith.shrui %add3A_46, %shift_right_logical3A_50 : vector<16xi32>
        %or3A = arith.ori %shift_left3A_49, %shift_right_logical3A_51 : vector<16xi32>
        %xor3A = arith.xori %or3A, %add3A_47 : vector<16xi32>
        %add3A_52 = arith.addi %add3A_47, %xor3A : vector<16xi32>
        %shift_left3A_53 = arith.constant 15 : i32
        %shift_left3A_54 = vector.broadcast %shift_left3A_53 : i32 to vector<16xi32>
        %shift_left3A_55 = arith.shli %xor3A, %shift_left3A_54 : vector<16xi32>
        %shift_right_logical3A_56 = arith.constant 17 : i32
        %shift_right_logical3A_57 = vector.broadcast %shift_right_logical3A_56 : i32 to vector<16xi32>
        %shift_right_logical3A_58 = arith.shrui %xor3A, %shift_right_logical3A_57 : vector<16xi32>
        %or3A_59 = arith.ori %shift_left3A_55, %shift_right_logical3A_58 : vector<16xi32>
        %xor3A_60 = arith.xori %or3A_59, %add3A_52 : vector<16xi32>
        %add3A_61 = arith.addi %add3A_52, %xor3A_60 : vector<16xi32>
        %shift_left3A_62 = arith.constant 26 : i32
        %shift_left3A_63 = vector.broadcast %shift_left3A_62 : i32 to vector<16xi32>
        %shift_left3A_64 = arith.shli %xor3A_60, %shift_left3A_63 : vector<16xi32>
        %shift_right_logical3A_65 = arith.constant 6 : i32
        %shift_right_logical3A_66 = vector.broadcast %shift_right_logical3A_65 : i32 to vector<16xi32>
        %shift_right_logical3A_67 = arith.shrui %xor3A_60, %shift_right_logical3A_66 : vector<16xi32>
        %or3A_68 = arith.ori %shift_left3A_64, %shift_right_logical3A_67 : vector<16xi32>
        %xor3A_69 = arith.xori %or3A_68, %add3A_61 : vector<16xi32>
        %add3A_70 = arith.addi %add3A_61, %xor3A_69 : vector<16xi32>
        %shift_left3A_71 = arith.constant 6 : i32
        %shift_left3A_72 = vector.broadcast %shift_left3A_71 : i32 to vector<16xi32>
        %shift_left3A_73 = arith.shli %xor3A_69, %shift_left3A_72 : vector<16xi32>
        %shift_right_logical3A_74 = arith.constant 26 : i32
        %shift_right_logical3A_75 = vector.broadcast %shift_right_logical3A_74 : i32 to vector<16xi32>
        %shift_right_logical3A_76 = arith.shrui %xor3A_69, %shift_right_logical3A_75 : vector<16xi32>
        %or3A_77 = arith.ori %shift_left3A_73, %shift_right_logical3A_76 : vector<16xi32>
        %xor3A_78 = arith.xori %or3A_77, %add3A_70 : vector<16xi32>
        %add3A_79 = arith.constant -841280227 : i32
        %add3A_80 = vector.broadcast %add3A_79 : i32 to vector<16xi32>
        %add3A_81 = arith.addi %add3A_70, %add3A_80 : vector<16xi32>
        %add3A_82 = arith.constant -514511543 : i32
        %add3A_83 = vector.broadcast %add3A_82 : i32 to vector<16xi32>
        %add3A_84 = arith.addi %xor3A_78, %add3A_83 : vector<16xi32>
        %add3A_85 = arith.addi %add3A_81, %add3A_84 : vector<16xi32>
        %shift_left3A_86 = arith.constant 17 : i32
        %shift_left3A_87 = vector.broadcast %shift_left3A_86 : i32 to vector<16xi32>
        %shift_left3A_88 = arith.shli %add3A_84, %shift_left3A_87 : vector<16xi32>
        %shift_right_logical3A_89 = arith.constant 15 : i32
        %shift_right_logical3A_90 = vector.broadcast %shift_right_logical3A_89 : i32 to vector<16xi32>
        %shift_right_logical3A_91 = arith.shrui %add3A_84, %shift_right_logical3A_90 : vector<16xi32>
        %or3A_92 = arith.ori %shift_left3A_88, %shift_right_logical3A_91 : vector<16xi32>
        %xor3A_93 = arith.xori %or3A_92, %add3A_85 : vector<16xi32>
        %add3A_94 = arith.addi %add3A_85, %xor3A_93 : vector<16xi32>
        %shift_left3A_95 = arith.constant 29 : i32
        %shift_left3A_96 = vector.broadcast %shift_left3A_95 : i32 to vector<16xi32>
        %shift_left3A_97 = arith.shli %xor3A_93, %shift_left3A_96 : vector<16xi32>
        %shift_right_logical3A_98 = arith.constant 3 : i32
        %shift_right_logical3A_99 = vector.broadcast %shift_right_logical3A_98 : i32 to vector<16xi32>
        %shift_right_logical3A_100 = arith.shrui %xor3A_93, %shift_right_logical3A_99 : vector<16xi32>
        %or3A_101 = arith.ori %shift_left3A_97, %shift_right_logical3A_100 : vector<16xi32>
        %xor3A_102 = arith.xori %or3A_101, %add3A_94 : vector<16xi32>
        %add3A_103 = arith.addi %add3A_94, %xor3A_102 : vector<16xi32>
        %shift_left3A_104 = arith.constant 16 : i32
        %shift_left3A_105 = vector.broadcast %shift_left3A_104 : i32 to vector<16xi32>
        %shift_left3A_106 = arith.shli %xor3A_102, %shift_left3A_105 : vector<16xi32>
        %shift_right_logical3A_107 = arith.constant 16 : i32
        %shift_right_logical3A_108 = vector.broadcast %shift_right_logical3A_107 : i32 to vector<16xi32>
        %shift_right_logical3A_109 = arith.shrui %xor3A_102, %shift_right_logical3A_108 : vector<16xi32>
        %or3A_110 = arith.ori %shift_left3A_106, %shift_right_logical3A_109 : vector<16xi32>
        %xor3A_111 = arith.xori %or3A_110, %add3A_103 : vector<16xi32>
        %add3A_112 = arith.addi %add3A_103, %xor3A_111 : vector<16xi32>
        %shift_left3A_113 = arith.constant 24 : i32
        %shift_left3A_114 = vector.broadcast %shift_left3A_113 : i32 to vector<16xi32>
        %shift_left3A_115 = arith.shli %xor3A_111, %shift_left3A_114 : vector<16xi32>
        %shift_right_logical3A_116 = arith.constant 8 : i32
        %shift_right_logical3A_117 = vector.broadcast %shift_right_logical3A_116 : i32 to vector<16xi32>
        %shift_right_logical3A_118 = arith.shrui %xor3A_111, %shift_right_logical3A_117 : vector<16xi32>
        %or3A_119 = arith.ori %shift_left3A_115, %shift_right_logical3A_118 : vector<16xi32>
        %xor3A_120 = arith.xori %or3A_119, %add3A_112 : vector<16xi32>
        %add3A_121 = arith.constant -514511544 : i32
        %add3A_122 = vector.broadcast %add3A_121 : i32 to vector<16xi32>
        %add3A_123 = arith.addi %add3A_112, %add3A_122 : vector<16xi32>
        %add3A_124 = arith.constant 928981905 : i32
        %add3A_125 = vector.broadcast %add3A_124 : i32 to vector<16xi32>
        %add3A_126 = arith.addi %xor3A_120, %add3A_125 : vector<16xi32>
        %add3A_127 = arith.addi %add3A_123, %add3A_126 : vector<16xi32>
        %shift_left3A_128 = arith.constant 13 : i32
        %shift_left3A_129 = vector.broadcast %shift_left3A_128 : i32 to vector<16xi32>
        %shift_left3A_130 = arith.shli %add3A_126, %shift_left3A_129 : vector<16xi32>
        %shift_right_logical3A_131 = arith.constant 19 : i32
        %shift_right_logical3A_132 = vector.broadcast %shift_right_logical3A_131 : i32 to vector<16xi32>
        %shift_right_logical3A_133 = arith.shrui %add3A_126, %shift_right_logical3A_132 : vector<16xi32>
        %or3A_134 = arith.ori %shift_left3A_130, %shift_right_logical3A_133 : vector<16xi32>
        %xor3A_135 = arith.xori %or3A_134, %add3A_127 : vector<16xi32>
        %add3A_136 = arith.addi %add3A_127, %xor3A_135 : vector<16xi32>
        %shift_left3A_137 = arith.constant 15 : i32
        %shift_left3A_138 = vector.broadcast %shift_left3A_137 : i32 to vector<16xi32>
        %shift_left3A_139 = arith.shli %xor3A_135, %shift_left3A_138 : vector<16xi32>
        %shift_right_logical3A_140 = arith.constant 17 : i32
        %shift_right_logical3A_141 = vector.broadcast %shift_right_logical3A_140 : i32 to vector<16xi32>
        %shift_right_logical3A_142 = arith.shrui %xor3A_135, %shift_right_logical3A_141 : vector<16xi32>
        %or3A_143 = arith.ori %shift_left3A_139, %shift_right_logical3A_142 : vector<16xi32>
        %xor3A_144 = arith.xori %or3A_143, %add3A_136 : vector<16xi32>
        %add3A_145 = arith.addi %add3A_136, %xor3A_144 : vector<16xi32>
        %shift_left3A_146 = arith.constant 26 : i32
        %shift_left3A_147 = vector.broadcast %shift_left3A_146 : i32 to vector<16xi32>
        %shift_left3A_148 = arith.shli %xor3A_144, %shift_left3A_147 : vector<16xi32>
        %shift_right_logical3A_149 = arith.constant 6 : i32
        %shift_right_logical3A_150 = vector.broadcast %shift_right_logical3A_149 : i32 to vector<16xi32>
        %shift_right_logical3A_151 = arith.shrui %xor3A_144, %shift_right_logical3A_150 : vector<16xi32>
        %or3A_152 = arith.ori %shift_left3A_148, %shift_right_logical3A_151 : vector<16xi32>
        %xor3A_153 = arith.xori %or3A_152, %add3A_145 : vector<16xi32>
        %add3A_154 = arith.addi %add3A_145, %xor3A_153 : vector<16xi32>
        %shift_left3A_155 = arith.constant 6 : i32
        %shift_left3A_156 = vector.broadcast %shift_left3A_155 : i32 to vector<16xi32>
        %shift_left3A_157 = arith.shli %xor3A_153, %shift_left3A_156 : vector<16xi32>
        %shift_right_logical3A_158 = arith.constant 26 : i32
        %shift_right_logical3A_159 = vector.broadcast %shift_right_logical3A_158 : i32 to vector<16xi32>
        %shift_right_logical3A_160 = arith.shrui %xor3A_153, %shift_right_logical3A_159 : vector<16xi32>
        %or3A_161 = arith.ori %shift_left3A_157, %shift_right_logical3A_160 : vector<16xi32>
        %xor3A_162 = arith.xori %or3A_161, %add3A_154 : vector<16xi32>
        %add3A_163 = arith.constant 928981903 : i32
        %add3A_164 = vector.broadcast %add3A_163 : i32 to vector<16xi32>
        %add3A_165 = arith.addi %add3A_154, %add3A_164 : vector<16xi32>
        %add3A_166 = arith.constant -841280224 : i32
        %add3A_167 = vector.broadcast %add3A_166 : i32 to vector<16xi32>
        %add3A_168 = arith.addi %xor3A_162, %add3A_167 : vector<16xi32>
        %add3A_169 = arith.addi %add3A_165, %add3A_168 : vector<16xi32>
        %shift_left3A_170 = arith.constant 17 : i32
        %shift_left3A_171 = vector.broadcast %shift_left3A_170 : i32 to vector<16xi32>
        %shift_left3A_172 = arith.shli %add3A_168, %shift_left3A_171 : vector<16xi32>
        %shift_right_logical3A_173 = arith.constant 15 : i32
        %shift_right_logical3A_174 = vector.broadcast %shift_right_logical3A_173 : i32 to vector<16xi32>
        %shift_right_logical3A_175 = arith.shrui %add3A_168, %shift_right_logical3A_174 : vector<16xi32>
        %or3A_176 = arith.ori %shift_left3A_172, %shift_right_logical3A_175 : vector<16xi32>
        %xor3A_177 = arith.xori %or3A_176, %add3A_169 : vector<16xi32>
        %add3A_178 = arith.addi %add3A_169, %xor3A_177 : vector<16xi32>
        %shift_left3A_179 = arith.constant 29 : i32
        %shift_left3A_180 = vector.broadcast %shift_left3A_179 : i32 to vector<16xi32>
        %shift_left3A_181 = arith.shli %xor3A_177, %shift_left3A_180 : vector<16xi32>
        %shift_right_logical3A_182 = arith.constant 3 : i32
        %shift_right_logical3A_183 = vector.broadcast %shift_right_logical3A_182 : i32 to vector<16xi32>
        %shift_right_logical3A_184 = arith.shrui %xor3A_177, %shift_right_logical3A_183 : vector<16xi32>
        %or3A_185 = arith.ori %shift_left3A_181, %shift_right_logical3A_184 : vector<16xi32>
        %xor3A_186 = arith.xori %or3A_185, %add3A_178 : vector<16xi32>
        %add3A_187 = arith.addi %add3A_178, %xor3A_186 : vector<16xi32>
        %shift_left3A_188 = arith.constant 16 : i32
        %shift_left3A_189 = vector.broadcast %shift_left3A_188 : i32 to vector<16xi32>
        %shift_left3A_190 = arith.shli %xor3A_186, %shift_left3A_189 : vector<16xi32>
        %shift_right_logical3A_191 = arith.constant 16 : i32
        %shift_right_logical3A_192 = vector.broadcast %shift_right_logical3A_191 : i32 to vector<16xi32>
        %shift_right_logical3A_193 = arith.shrui %xor3A_186, %shift_right_logical3A_192 : vector<16xi32>
        %or3A_194 = arith.ori %shift_left3A_190, %shift_right_logical3A_193 : vector<16xi32>
        %xor3A_195 = arith.xori %or3A_194, %add3A_187 : vector<16xi32>
        %add3A_196 = arith.addi %add3A_187, %xor3A_195 : vector<16xi32>
        %shift_left3A_197 = arith.constant 24 : i32
        %shift_left3A_198 = vector.broadcast %shift_left3A_197 : i32 to vector<16xi32>
        %shift_left3A_199 = arith.shli %xor3A_195, %shift_left3A_198 : vector<16xi32>
        %shift_right_logical3A_200 = arith.constant 8 : i32
        %shift_right_logical3A_201 = vector.broadcast %shift_right_logical3A_200 : i32 to vector<16xi32>
        %shift_right_logical3A_202 = arith.shrui %xor3A_195, %shift_right_logical3A_201 : vector<16xi32>
        %or3A_203 = arith.ori %shift_left3A_199, %shift_right_logical3A_202 : vector<16xi32>
        %xor3A_204 = arith.xori %or3A_203, %add3A_196 : vector<16xi32>
        %add3A_205 = arith.constant -841280227 : i32
        %add3A_206 = vector.broadcast %add3A_205 : i32 to vector<16xi32>
        %add3A_207 = arith.addi %add3A_196, %add3A_206 : vector<16xi32>
        %add3A_208 = arith.constant -514511540 : i32
        %add3A_209 = vector.broadcast %add3A_208 : i32 to vector<16xi32>
        %add3A_210 = arith.addi %xor3A_204, %add3A_209 : vector<16xi32>
        %add3A_211 = arith.addi %add3A_207, %add3A_210 : vector<16xi32>
        %shift_left3A_212 = arith.constant 13 : i32
        %shift_left3A_213 = vector.broadcast %shift_left3A_212 : i32 to vector<16xi32>
        %shift_left3A_214 = arith.shli %add3A_210, %shift_left3A_213 : vector<16xi32>
        %shift_right_logical3A_215 = arith.constant 19 : i32
        %shift_right_logical3A_216 = vector.broadcast %shift_right_logical3A_215 : i32 to vector<16xi32>
        %shift_right_logical3A_217 = arith.shrui %add3A_210, %shift_right_logical3A_216 : vector<16xi32>
        %or3A_218 = arith.ori %shift_left3A_214, %shift_right_logical3A_217 : vector<16xi32>
        %xor3A_219 = arith.xori %or3A_218, %add3A_211 : vector<16xi32>
        %add3A_220 = arith.addi %add3A_211, %xor3A_219 : vector<16xi32>
        %shift_left3A_221 = arith.constant 15 : i32
        %shift_left3A_222 = vector.broadcast %shift_left3A_221 : i32 to vector<16xi32>
        %shift_left3A_223 = arith.shli %xor3A_219, %shift_left3A_222 : vector<16xi32>
        %shift_right_logical3A_224 = arith.constant 17 : i32
        %shift_right_logical3A_225 = vector.broadcast %shift_right_logical3A_224 : i32 to vector<16xi32>
        %shift_right_logical3A_226 = arith.shrui %xor3A_219, %shift_right_logical3A_225 : vector<16xi32>
        %or3A_227 = arith.ori %shift_left3A_223, %shift_right_logical3A_226 : vector<16xi32>
        %xor3A_228 = arith.xori %or3A_227, %add3A_220 : vector<16xi32>
        %add3A_229 = arith.addi %add3A_220, %xor3A_228 : vector<16xi32>
        %shift_left3A_230 = arith.constant 26 : i32
        %shift_left3A_231 = vector.broadcast %shift_left3A_230 : i32 to vector<16xi32>
        %shift_left3A_232 = arith.shli %xor3A_228, %shift_left3A_231 : vector<16xi32>
        %shift_right_logical3A_233 = arith.constant 6 : i32
        %shift_right_logical3A_234 = vector.broadcast %shift_right_logical3A_233 : i32 to vector<16xi32>
        %shift_right_logical3A_235 = arith.shrui %xor3A_228, %shift_right_logical3A_234 : vector<16xi32>
        %or3A_236 = arith.ori %shift_left3A_232, %shift_right_logical3A_235 : vector<16xi32>
        %xor3A_237 = arith.xori %or3A_236, %add3A_229 : vector<16xi32>
        %add3A_238 = arith.addi %add3A_229, %xor3A_237 : vector<16xi32>
        %shift_left3A_239 = arith.constant 6 : i32
        %shift_left3A_240 = vector.broadcast %shift_left3A_239 : i32 to vector<16xi32>
        %shift_left3A_241 = arith.shli %xor3A_237, %shift_left3A_240 : vector<16xi32>
        %shift_right_logical3A_242 = arith.constant 26 : i32
        %shift_right_logical3A_243 = vector.broadcast %shift_right_logical3A_242 : i32 to vector<16xi32>
        %shift_right_logical3A_244 = arith.shrui %xor3A_237, %shift_right_logical3A_243 : vector<16xi32>
        %or3A_245 = arith.ori %shift_left3A_241, %shift_right_logical3A_244 : vector<16xi32>
        %xor3A_246 = arith.xori %or3A_245, %add3A_238 : vector<16xi32>
        %add3A_247 = arith.constant -514511544 : i32
        %add3A_248 = vector.broadcast %add3A_247 : i32 to vector<16xi32>
        %add3A_249 = arith.addi %add3A_238, %add3A_248 : vector<16xi32>
        %add3A_250 = arith.constant 928981908 : i32
        %add3A_251 = vector.broadcast %add3A_250 : i32 to vector<16xi32>
        %add3A_252 = arith.addi %xor3A_246, %add3A_251 : vector<16xi32>
        %xor3A_253 = arith.xori %add3A_249, %add3A_252 : vector<16xi32>
        %ge3A = arith.constant 429496832 : i32
        %ge3A_254 = vector.broadcast %ge3A : i32 to vector<16xi32>
        %ge3A_255 = arith.cmpi uge, %xor3A_253, %ge3A_254 : vector<16xi32>
        %get3A = arith.index_cast %mul3A_39 : i32 to index
        %get3A_256 = tpu.vector_load %arg4[%get3A] {strides = array<i32>} : memref<16384xf32, #tpu.memory_space<vmem>>, vector<16xf32>,
        %get3A_257 = vector.shape_cast %get3A_256 : vector<16xf32> to vector<16xf32>
        %mul3A_258 = arith.constant 1.11111116 : f32
        %mul3A_259 = vector.broadcast %mul3A_258 : f32 to vector<16xf32>
        %mul3A_260 = arith.mulf %get3A_257, %mul3A_259 : vector<16xf32>
        %jit3A_261 = arith.constant 0.000000e+00 : f32
        %broadcast_in_dim3A_262 = vector.broadcast %jit3A_261 : f32 to vector<16xf32>
        %select_n3A_263 = arith.select %ge3A_255, %mul3A_260, %broadcast_in_dim3A_262 : vector<16xi1>, vector<16xf32>
        %swap3A = arith.index_cast %mul3A_39 : i32 to index
        %swap3A_264 = tpu.vector_load %arg4[%swap3A] {strides = array<i32>} : memref<16384xf32, #tpu.memory_space<vmem>>, vector<16xf32>,
        %swap3A_265 = vector.shape_cast %swap3A_264 : vector<16xf32> to vector<16xf32>
        %swap3A_266 = vector.shape_cast %select_n3A_263 : vector<16xf32> to vector<16xf32>
        tpu.vector_store %arg4[%swap3A], %swap3A_266 {strides = array<i32>} : memref<16384xf32, #tpu.memory_space<vmem>>, vector<16xf32>,
        %add3A_267 = arith.constant 16 : i32
        %add3A_268 = arith.addi %mul3A_39, %add3A_267 : i32
        %add3A_269 = arith.addi %scan3A, %add3A_268 : i32
        %add3A_270 = vector.broadcast %add3A_269 : i32 to vector<16xi32>
        %add3A_271 = arith.addi %add3A_270, %iota3A : vector<16xi32>
        %broadcast_in_dim3A_272 = arith.constant 928981903 : i32
        %broadcast_in_dim3A_273 = vector.broadcast %broadcast_in_dim3A_272 : i32 to vector<16xi32>
        %add3A_274 = arith.constant -841280227 : i32
        %add3A_275 = vector.broadcast %add3A_274 : i32 to vector<16xi32>
        %add3A_276 = arith.addi %add3A_271, %add3A_275 : vector<16xi32>
        %add3A_277 = arith.addi %broadcast_in_dim3A_273, %add3A_276 : vector<16xi32>
        %shift_left3A_278 = arith.constant 13 : i32
        %shift_left3A_279 = vector.broadcast %shift_left3A_278 : i32 to vector<16xi32>
        %shift_left3A_280 = arith.shli %add3A_276, %shift_left3A_279 : vector<16xi32>
        %shift_right_logical3A_281 = arith.constant 19 : i32
        %shift_right_logical3A_282 = vector.broadcast %shift_right_logical3A_281 : i32 to vector<16xi32>
        %shift_right_logical3A_283 = arith.shrui %add3A_276, %shift_right_logical3A_282 : vector<16xi32>
        %or3A_284 = arith.ori %shift_left3A_280, %shift_right_logical3A_283 : vector<16xi32>
        %xor3A_285 = arith.xori %or3A_284, %add3A_277 : vector<16xi32>
        %add3A_286 = arith.addi %add3A_277, %xor3A_285 : vector<16xi32>
        %shift_left3A_287 = arith.constant 15 : i32
        %shift_left3A_288 = vector.broadcast %shift_left3A_287 : i32 to vector<16xi32>
        %shift_left3A_289 = arith.shli %xor3A_285, %shift_left3A_288 : vector<16xi32>
        %shift_right_logical3A_290 = arith.constant 17 : i32
        %shift_right_logical3A_291 = vector.broadcast %shift_right_logical3A_290 : i32 to vector<16xi32>
        %shift_right_logical3A_292 = arith.shrui %xor3A_285, %shift_right_logical3A_291 : vector<16xi32>
        %or3A_293 = arith.ori %shift_left3A_289, %shift_right_logical3A_292 : vector<16xi32>
        %xor3A_294 = arith.xori %or3A_293, %add3A_286 : vector<16xi32>
        %add3A_295 = arith.addi %add3A_286, %xor3A_294 : vector<16xi32>
        %shift_left3A_296 = arith.constant 26 : i32
        %shift_left3A_297 = vector.broadcast %shift_left3A_296 : i32 to vector<16xi32>
        %shift_left3A_298 = arith.shli %xor3A_294, %shift_left3A_297 : vector<16xi32>
        %shift_right_logical3A_299 = arith.constant 6 : i32
        %shift_right_logical3A_300 = vector.broadcast %shift_right_logical3A_299 : i32 to vector<16xi32>
        %shift_right_logical3A_301 = arith.shrui %xor3A_294, %shift_right_logical3A_300 : vector<16xi32>
        %or3A_302 = arith.ori %shift_left3A_298, %shift_right_logical3A_301 : vector<16xi32>
        %xor3A_303 = arith.xori %or3A_302, %add3A_295 : vector<16xi32>
        %add3A_304 = arith.addi %add3A_295, %xor3A_303 : vector<16xi32>
        %shift_left3A_305 = arith.constant 6 : i32
        %shift_left3A_306 = vector.broadcast %shift_left3A_305 : i32 to vector<16xi32>
        %shift_left3A_307 = arith.shli %xor3A_303, %shift_left3A_306 : vector<16xi32>
        %shift_right_logical3A_308 = arith.constant 26 : i32
        %shift_right_logical3A_309 = vector.broadcast %shift_right_logical3A_308 : i32 to vector<16xi32>
        %shift_right_logical3A_310 = arith.shrui %xor3A_303, %shift_right_logical3A_309 : vector<16xi32>
        %or3A_311 = arith.ori %shift_left3A_307, %shift_right_logical3A_310 : vector<16xi32>
        %xor3A_312 = arith.xori %or3A_311, %add3A_304 : vector<16xi32>
        %add3A_313 = arith.constant -841280227 : i32
        %add3A_314 = vector.broadcast %add3A_313 : i32 to vector<16xi32>
        %add3A_315 = arith.addi %add3A_304, %add3A_314 : vector<16xi32>
        %add3A_316 = arith.constant -514511543 : i32
        %add3A_317 = vector.broadcast %add3A_316 : i32 to vector<16xi32>
        %add3A_318 = arith.addi %xor3A_312, %add3A_317 : vector<16xi32>
        %add3A_319 = arith.addi %add3A_315, %add3A_318 : vector<16xi32>
        %shift_left3A_320 = arith.constant 17 : i32
        %shift_left3A_321 = vector.broadcast %shift_left3A_320 : i32 to vector<16xi32>
        %shift_left3A_322 = arith.shli %add3A_318, %shift_left3A_321 : vector<16xi32>
        %shift_right_logical3A_323 = arith.constant 15 : i32
        %shift_right_logical3A_324 = vector.broadcast %shift_right_logical3A_323 : i32 to vector<16xi32>
        %shift_right_logical3A_325 = arith.shrui %add3A_318, %shift_right_logical3A_324 : vector<16xi32>
        %or3A_326 = arith.ori %shift_left3A_322, %shift_right_logical3A_325 : vector<16xi32>
        %xor3A_327 = arith.xori %or3A_326, %add3A_319 : vector<16xi32>
        %add3A_328 = arith.addi %add3A_319, %xor3A_327 : vector<16xi32>
        %shift_left3A_329 = arith.constant 29 : i32
        %shift_left3A_330 = vector.broadcast %shift_left3A_329 : i32 to vector<16xi32>
        %shift_left3A_331 = arith.shli %xor3A_327, %shift_left3A_330 : vector<16xi32>
        %shift_right_logical3A_332 = arith.constant 3 : i32
        %shift_right_logical3A_333 = vector.broadcast %shift_right_logical3A_332 : i32 to vector<16xi32>
        %shift_right_logical3A_334 = arith.shrui %xor3A_327, %shift_right_logical3A_333 : vector<16xi32>
        %or3A_335 = arith.ori %shift_left3A_331, %shift_right_logical3A_334 : vector<16xi32>
        %xor3A_336 = arith.xori %or3A_335, %add3A_328 : vector<16xi32>
        %add3A_337 = arith.addi %add3A_328, %xor3A_336 : vector<16xi32>
        %shift_left3A_338 = arith.constant 16 : i32
        %shift_left3A_339 = vector.broadcast %shift_left3A_338 : i32 to vector<16xi32>
        %shift_left3A_340 = arith.shli %xor3A_336, %shift_left3A_339 : vector<16xi32>
        %shift_right_logical3A_341 = arith.constant 16 : i32
        %shift_right_logical3A_342 = vector.broadcast %shift_right_logical3A_341 : i32 to vector<16xi32>
        %shift_right_logical3A_343 = arith.shrui %xor3A_336, %shift_right_logical3A_342 : vector<16xi32>
        %or3A_344 = arith.ori %shift_left3A_340, %shift_right_logical3A_343 : vector<16xi32>
        %xor3A_345 = arith.xori %or3A_344, %add3A_337 : vector<16xi32>
        %add3A_346 = arith.addi %add3A_337, %xor3A_345 : vector<16xi32>
        %shift_left3A_347 = arith.constant 24 : i32
        %shift_left3A_348 = vector.broadcast %shift_left3A_347 : i32 to vector<16xi32>
        %shift_left3A_349 = arith.shli %xor3A_345, %shift_left3A_348 : vector<16xi32>
        %shift_right_logical3A_350 = arith.constant 8 : i32
        %shift_right_logical3A_351 = vector.broadcast %shift_right_logical3A_350 : i32 to vector<16xi32>
        %shift_right_logical3A_352 = arith.shrui %xor3A_345, %shift_right_logical3A_351 : vector<16xi32>
        %or3A_353 = arith.ori %shift_left3A_349, %shift_right_logical3A_352 : vector<16xi32>
        %xor3A_354 = arith.xori %or3A_353, %add3A_346 : vector<16xi32>
        %add3A_355 = arith.constant -514511544 : i32
        %add3A_356 = vector.broadcast %add3A_355 : i32 to vector<16xi32>
        %add3A_357 = arith.addi %add3A_346, %add3A_356 : vector<16xi32>
        %add3A_358 = arith.constant 928981905 : i32
        %add3A_359 = vector.broadcast %add3A_358 : i32 to vector<16xi32>
        %add3A_360 = arith.addi %xor3A_354, %add3A_359 : vector<16xi32>
        %add3A_361 = arith.addi %add3A_357, %add3A_360 : vector<16xi32>
        %shift_left3A_362 = arith.constant 13 : i32
        %shift_left3A_363 = vector.broadcast %shift_left3A_362 : i32 to vector<16xi32>
        %shift_left3A_364 = arith.shli %add3A_360, %shift_left3A_363 : vector<16xi32>
        %shift_right_logical3A_365 = arith.constant 19 : i32
        %shift_right_logical3A_366 = vector.broadcast %shift_right_logical3A_365 : i32 to vector<16xi32>
        %shift_right_logical3A_367 = arith.shrui %add3A_360, %shift_right_logical3A_366 : vector<16xi32>
        %or3A_368 = arith.ori %shift_left3A_364, %shift_right_logical3A_367 : vector<16xi32>
        %xor3A_369 = arith.xori %or3A_368, %add3A_361 : vector<16xi32>
        %add3A_370 = arith.addi %add3A_361, %xor3A_369 : vector<16xi32>
        %shift_left3A_371 = arith.constant 15 : i32
        %shift_left3A_372 = vector.broadcast %shift_left3A_371 : i32 to vector<16xi32>
        %shift_left3A_373 = arith.shli %xor3A_369, %shift_left3A_372 : vector<16xi32>
        %shift_right_logical3A_374 = arith.constant 17 : i32
        %shift_right_logical3A_375 = vector.broadcast %shift_right_logical3A_374 : i32 to vector<16xi32>
        %shift_right_logical3A_376 = arith.shrui %xor3A_369, %shift_right_logical3A_375 : vector<16xi32>
        %or3A_377 = arith.ori %shift_left3A_373, %shift_right_logical3A_376 : vector<16xi32>
        %xor3A_378 = arith.xori %or3A_377, %add3A_370 : vector<16xi32>
        %add3A_379 = arith.addi %add3A_370, %xor3A_378 : vector<16xi32>
        %shift_left3A_380 = arith.constant 26 : i32
        %shift_left3A_381 = vector.broadcast %shift_left3A_380 : i32 to vector<16xi32>
        %shift_left3A_382 = arith.shli %xor3A_378, %shift_left3A_381 : vector<16xi32>
        %shift_right_logical3A_383 = arith.constant 6 : i32
        %shift_right_logical3A_384 = vector.broadcast %shift_right_logical3A_383 : i32 to vector<16xi32>
        %shift_right_logical3A_385 = arith.shrui %xor3A_378, %shift_right_logical3A_384 : vector<16xi32>
        %or3A_386 = arith.ori %shift_left3A_382, %shift_right_logical3A_385 : vector<16xi32>
        %xor3A_387 = arith.xori %or3A_386, %add3A_379 : vector<16xi32>
        %add3A_388 = arith.addi %add3A_379, %xor3A_387 : vector<16xi32>
        %shift_left3A_389 = arith.constant 6 : i32
        %shift_left3A_390 = vector.broadcast %shift_left3A_389 : i32 to vector<16xi32>
        %shift_left3A_391 = arith.shli %xor3A_387, %shift_left3A_390 : vector<16xi32>
        %shift_right_logical3A_392 = arith.constant 26 : i32
        %shift_right_logical3A_393 = vector.broadcast %shift_right_logical3A_392 : i32 to vector<16xi32>
        %shift_right_logical3A_394 = arith.shrui %xor3A_387, %shift_right_logical3A_393 : vector<16xi32>
        %or3A_395 = arith.ori %shift_left3A_391, %shift_right_logical3A_394 : vector<16xi32>
        %xor3A_396 = arith.xori %or3A_395, %add3A_388 : vector<16xi32>
        %add3A_397 = arith.constant 928981903 : i32
        %add3A_398 = vector.broadcast %add3A_397 : i32 to vector<16xi32>
        %add3A_399 = arith.addi %add3A_388, %add3A_398 : vector<16xi32>
        %add3A_400 = arith.constant -841280224 : i32
        %add3A_401 = vector.broadcast %add3A_400 : i32 to vector<16xi32>
        %add3A_402 = arith.addi %xor3A_396, %add3A_401 : vector<16xi32>
        %add3A_403 = arith.addi %add3A_399, %add3A_402 : vector<16xi32>
        %shift_left3A_404 = arith.constant 17 : i32
        %shift_left3A_405 = vector.broadcast %shift_left3A_404 : i32 to vector<16xi32>
        %shift_left3A_406 = arith.shli %add3A_402, %shift_left3A_405 : vector<16xi32>
        %shift_right_logical3A_407 = arith.constant 15 : i32
        %shift_right_logical3A_408 = vector.broadcast %shift_right_logical3A_407 : i32 to vector<16xi32>
        %shift_right_logical3A_409 = arith.shrui %add3A_402, %shift_right_logical3A_408 : vector<16xi32>
        %or3A_410 = arith.ori %shift_left3A_406, %shift_right_logical3A_409 : vector<16xi32>
        %xor3A_411 = arith.xori %or3A_410, %add3A_403 : vector<16xi32>
        %add3A_412 = arith.addi %add3A_403, %xor3A_411 : vector<16xi32>
        %shift_left3A_413 = arith.constant 29 : i32
        %shift_left3A_414 = vector.broadcast %shift_left3A_413 : i32 to vector<16xi32>
        %shift_left3A_415 = arith.shli %xor3A_411, %shift_left3A_414 : vector<16xi32>
        %shift_right_logical3A_416 = arith.constant 3 : i32
        %shift_right_logical3A_417 = vector.broadcast %shift_right_logical3A_416 : i32 to vector<16xi32>
        %shift_right_logical3A_418 = arith.shrui %xor3A_411, %shift_right_logical3A_417 : vector<16xi32>
        %or3A_419 = arith.ori %shift_left3A_415, %shift_right_logical3A_418 : vector<16xi32>
        %xor3A_420 = arith.xori %or3A_419, %add3A_412 : vector<16xi32>
        %add3A_421 = arith.addi %add3A_412, %xor3A_420 : vector<16xi32>
        %shift_left3A_422 = arith.constant 16 : i32
        %shift_left3A_423 = vector.broadcast %shift_left3A_422 : i32 to vector<16xi32>
        %shift_left3A_424 = arith.shli %xor3A_420, %shift_left3A_423 : vector<16xi32>
        %shift_right_logical3A_425 = arith.constant 16 : i32
        %shift_right_logical3A_426 = vector.broadcast %shift_right_logical3A_425 : i32 to vector<16xi32>
        %shift_right_logical3A_427 = arith.shrui %xor3A_420, %shift_right_logical3A_426 : vector<16xi32>
        %or3A_428 = arith.ori %shift_left3A_424, %shift_right_logical3A_427 : vector<16xi32>
        %xor3A_429 = arith.xori %or3A_428, %add3A_421 : vector<16xi32>
        %add3A_430 = arith.addi %add3A_421, %xor3A_429 : vector<16xi32>
        %shift_left3A_431 = arith.constant 24 : i32
        %shift_left3A_432 = vector.broadcast %shift_left3A_431 : i32 to vector<16xi32>
        %shift_left3A_433 = arith.shli %xor3A_429, %shift_left3A_432 : vector<16xi32>
        %shift_right_logical3A_434 = arith.constant 8 : i32
        %shift_right_logical3A_435 = vector.broadcast %shift_right_logical3A_434 : i32 to vector<16xi32>
        %shift_right_logical3A_436 = arith.shrui %xor3A_429, %shift_right_logical3A_435 : vector<16xi32>
        %or3A_437 = arith.ori %shift_left3A_433, %shift_right_logical3A_436 : vector<16xi32>
        %xor3A_438 = arith.xori %or3A_437, %add3A_430 : vector<16xi32>
        %add3A_439 = arith.constant -841280227 : i32
        %add3A_440 = vector.broadcast %add3A_439 : i32 to vector<16xi32>
        %add3A_441 = arith.addi %add3A_430, %add3A_440 : vector<16xi32>
        %add3A_442 = arith.constant -514511540 : i32
        %add3A_443 = vector.broadcast %add3A_442 : i32 to vector<16xi32>
        %add3A_444 = arith.addi %xor3A_438, %add3A_443 : vector<16xi32>
        %add3A_445 = arith.addi %add3A_441, %add3A_444 : vector<16xi32>
        %shift_left3A_446 = arith.constant 13 : i32
        %shift_left3A_447 = vector.broadcast %shift_left3A_446 : i32 to vector<16xi32>
        %shift_left3A_448 = arith.shli %add3A_444, %shift_left3A_447 : vector<16xi32>
        %shift_right_logical3A_449 = arith.constant 19 : i32
        %shift_right_logical3A_450 = vector.broadcast %shift_right_logical3A_449 : i32 to vector<16xi32>
        %shift_right_logical3A_451 = arith.shrui %add3A_444, %shift_right_logical3A_450 : vector<16xi32>
        %or3A_452 = arith.ori %shift_left3A_448, %shift_right_logical3A_451 : vector<16xi32>
        %xor3A_453 = arith.xori %or3A_452, %add3A_445 : vector<16xi32>
        %add3A_454 = arith.addi %add3A_445, %xor3A_453 : vector<16xi32>
        %shift_left3A_455 = arith.constant 15 : i32
        %shift_left3A_456 = vector.broadcast %shift_left3A_455 : i32 to vector<16xi32>
        %shift_left3A_457 = arith.shli %xor3A_453, %shift_left3A_456 : vector<16xi32>
        %shift_right_logical3A_458 = arith.constant 17 : i32
        %shift_right_logical3A_459 = vector.broadcast %shift_right_logical3A_458 : i32 to vector<16xi32>
        %shift_right_logical3A_460 = arith.shrui %xor3A_453, %shift_right_logical3A_459 : vector<16xi32>
        %or3A_461 = arith.ori %shift_left3A_457, %shift_right_logical3A_460 : vector<16xi32>
        %xor3A_462 = arith.xori %or3A_461, %add3A_454 : vector<16xi32>
        %add3A_463 = arith.addi %add3A_454, %xor3A_462 : vector<16xi32>
        %shift_left3A_464 = arith.constant 26 : i32
        %shift_left3A_465 = vector.broadcast %shift_left3A_464 : i32 to vector<16xi32>
        %shift_left3A_466 = arith.shli %xor3A_462, %shift_left3A_465 : vector<16xi32>
        %shift_right_logical3A_467 = arith.constant 6 : i32
        %shift_right_logical3A_468 = vector.broadcast %shift_right_logical3A_467 : i32 to vector<16xi32>
        %shift_right_logical3A_469 = arith.shrui %xor3A_462, %shift_right_logical3A_468 : vector<16xi32>
        %or3A_470 = arith.ori %shift_left3A_466, %shift_right_logical3A_469 : vector<16xi32>
        %xor3A_471 = arith.xori %or3A_470, %add3A_463 : vector<16xi32>
        %add3A_472 = arith.addi %add3A_463, %xor3A_471 : vector<16xi32>
        %shift_left3A_473 = arith.constant 6 : i32
        %shift_left3A_474 = vector.broadcast %shift_left3A_473 : i32 to vector<16xi32>
        %shift_left3A_475 = arith.shli %xor3A_471, %shift_left3A_474 : vector<16xi32>
        %shift_right_logical3A_476 = arith.constant 26 : i32
        %shift_right_logical3A_477 = vector.broadcast %shift_right_logical3A_476 : i32 to vector<16xi32>
        %shift_right_logical3A_478 = arith.shrui %xor3A_471, %shift_right_logical3A_477 : vector<16xi32>
        %or3A_479 = arith.ori %shift_left3A_475, %shift_right_logical3A_478 : vector<16xi32>
        %xor3A_480 = arith.xori %or3A_479, %add3A_472 : vector<16xi32>
        %add3A_481 = arith.constant -514511544 : i32
        %add3A_482 = vector.broadcast %add3A_481 : i32 to vector<16xi32>
        %add3A_483 = arith.addi %add3A_472, %add3A_482 : vector<16xi32>
        %add3A_484 = arith.constant 928981908 : i32
        %add3A_485 = vector.broadcast %add3A_484 : i32 to vector<16xi32>
        %add3A_486 = arith.addi %xor3A_480, %add3A_485 : vector<16xi32>
        %xor3A_487 = arith.xori %add3A_483, %add3A_486 : vector<16xi32>
        %ge3A_488 = arith.constant 429496832 : i32
        %ge3A_489 = vector.broadcast %ge3A_488 : i32 to vector<16xi32>
        %ge3A_490 = arith.cmpi uge, %xor3A_487, %ge3A_489 : vector<16xi32>
        %get3A_491 = arith.index_cast %add3A_268 : i32 to index
        %get3A_492 = tpu.vector_load %arg4[%get3A_491] {strides = array<i32>} : memref<16384xf32, #tpu.memory_space<vmem>>, vector<16xf32>,
        %get3A_493 = vector.shape_cast %get3A_492 : vector<16xf32> to vector<16xf32>
        %mul3A_494 = arith.constant 1.11111116 : f32
        %mul3A_495 = vector.broadcast %mul3A_494 : f32 to vector<16xf32>
        %mul3A_496 = arith.mulf %get3A_493, %mul3A_495 : vector<16xf32>
        %jit3A_497 = arith.constant 0.000000e+00 : f32
        %broadcast_in_dim3A_498 = vector.broadcast %jit3A_497 : f32 to vector<16xf32>
        %select_n3A_499 = arith.select %ge3A_490, %mul3A_496, %broadcast_in_dim3A_498 : vector<16xi1>, vector<16xf32>
        %swap3A_500 = arith.index_cast %add3A_268 : i32 to index
        %swap3A_501 = tpu.vector_load %arg4[%swap3A_500] {strides = array<i32>} : memref<16384xf32, #tpu.memory_space<vmem>>, vector<16xf32>,
        %swap3A_502 = vector.shape_cast %swap3A_501 : vector<16xf32> to vector<16xf32>
        %swap3A_503 = vector.shape_cast %select_n3A_499 : vector<16xf32> to vector<16xf32>
        tpu.vector_store %arg4[%swap3A_500], %swap3A_503 {strides = array<i32>} : memref<16384xf32, #tpu.memory_space<vmem>>, vector<16xf32>,
      }
      %scan3A_33 = arith.constant 74 : i32
      %sub3A_34 = arith.constant 4292608 : i32
      %sub3A_35 = arith.constant 3670016 : i32
      %sub3A_36 = arith.subi %sub3A_34, %sub3A_35 : i32
      "tpu.region"() ({
        %run_scoped3A_37 = tpu.sem_alloc : memref<!tpu.dma_semaphore, #tpu.memory_space<semaphore_mem>>
        %dma_start3A = arith.constant 0 : i32
        %dma_start3A_38 = tpu.memref_slice %arg4[%dma_start3A] : memref<16384xf32, #tpu.memory_space<vmem>> -> memref<2359xf32, #tpu.memory_space<vmem>>
        %dma_start3A_39 = tpu.memref_slice %arg3[%sub3A_36] : memref<624951xf32, #tpu.memory_space<hbm>> -> memref<2359xf32, #tpu.memory_space<hbm>>
        %dma_start3A_40 = tpu.memref_slice %arg3[%sub3A_36] : memref<624951xf32, #tpu.memory_space<hbm>> -> memref<2359xf32, #tpu.memory_space<hbm>>
        %dma_start3A_41 = arith.constant 0 : i32
        %dma_start3A_42 = tpu.memref_slice %arg4[%dma_start3A_41] : memref<16384xf32, #tpu.memory_space<vmem>> -> memref<2359xf32, #tpu.memory_space<vmem>>
        tpu.enqueue_dma source(%dma_start3A_42 : memref<2359xf32, #tpu.memory_space<vmem>>) target(%dma_start3A_40 : memref<2359xf32, #tpu.memory_space<hbm>>) target_semaphore(%run_scoped3A_37 : memref<!tpu.dma_semaphore, #tpu.memory_space<semaphore_mem>>)
        %dma_wait3A = arith.constant 0 : i32
        %dma_wait3A_43 = tpu.memref_slice %arg4[%dma_wait3A] : memref<16384xf32, #tpu.memory_space<vmem>> -> memref<2359xf32, #tpu.memory_space<vmem>>
        %dma_wait3A_44 = tpu.memref_slice %arg3[%sub3A_36] : memref<624951xf32, #tpu.memory_space<hbm>> -> memref<2359xf32, #tpu.memory_space<hbm>>
        %dma_wait3A_45 = tpu.memref_slice %arg3[%sub3A_36] : memref<624951xf32, #tpu.memory_space<hbm>> -> memref<2359xf32, #tpu.memory_space<hbm>>
        %dma_wait3A_46 = arith.constant 0 : i32
        %dma_wait3A_47 = tpu.memref_slice %arg4[%dma_wait3A_46] : memref<16384xf32, #tpu.memory_space<vmem>> -> memref<2359xf32, #tpu.memory_space<vmem>>
        tpu.wait_dma2 semaphore(%run_scoped3A_37 : memref<!tpu.dma_semaphore, #tpu.memory_space<semaphore_mem>>) src(%dma_wait3A_47 : memref<2359xf32, #tpu.memory_space<vmem>>) dst(%dma_wait3A_45 : memref<2359xf32, #tpu.memory_space<hbm>>)
        tpu.yield
      }) : () -> ()
    } else {
    }
    return
  }
}

module attributes {stable_mosaic.version = 14 : i64} {
  func.func @_tc_body(%arg0: i32, %arg1: memref<524288xf32, #tpu.memory_space<vmem>>, %arg2: memref<2x613632xi32, #tpu.memory_space<vmem>>, %arg3: memref<524288xf32, #tpu.memory_space<vmem>>, %arg4: memref<2x613632xi32, #tpu.memory_space<vmem>>) attributes {dimension_semantics = [#tpu.dimension_semantics<arbitrary>], iteration_bounds = array<i64: 7>, scalar_prefetch = 0 : i64, scratch_operands = 0 : i64, tpu.core_type = #tpu.core_type<tc>, window_params = [{transform_indices = @transform_0, window_bounds = array<i64: 524288>}, {transform_indices = @transform_1, window_bounds = array<i64: 2, 613632>}, {transform_indices = @transform_2, window_bounds = array<i64: 524288>}, {transform_indices = @transform_3, window_bounds = array<i64: 2, 613632>}]} {
    %get3A = arith.constant 0 : index
    %get3A_0 = vector.load %arg1[%get3A] : memref<524288xf32, #tpu.memory_space<vmem>>, vector<524288xf32>
    %reshape3A = vector.shape_cast %get3A_0 : vector<524288xf32> to vector<4096x128xf32>
    %mul3A = arith.constant 524288 : i32
    %mul3A_1 = arith.muli %arg0, %mul3A : i32
    %iota3A = tpu.iota {dimensions = array<i32: 0>} : vector<4096x128xi32>
    %mul3A_2 = arith.constant 128 : i32
    %mul3A_3 = vector.broadcast %mul3A_2 : i32 to vector<4096x128xi32>
    %mul3A_4 = arith.muli %iota3A, %mul3A_3 : vector<4096x128xi32>
    %add3A = vector.broadcast %mul3A_1 : i32 to vector<4096x128xi32>
    %add3A_5 = arith.addi %add3A, %mul3A_4 : vector<4096x128xi32>
    %iota3A_6 = tpu.iota {dimensions = array<i32: 1>} : vector<4096x128xi32>
    %add3A_7 = arith.addi %add3A_5, %iota3A_6 : vector<4096x128xi32>
    %broadcast_in_dim3A = arith.constant 928981903 : i32
    %broadcast_in_dim3A_8 = vector.broadcast %broadcast_in_dim3A : i32 to vector<4096x128xi32>
    %add3A_9 = arith.constant -841280227 : i32
    %add3A_10 = vector.broadcast %add3A_9 : i32 to vector<4096x128xi32>
    %add3A_11 = arith.addi %add3A_7, %add3A_10 : vector<4096x128xi32>
    %add3A_12 = arith.addi %broadcast_in_dim3A_8, %add3A_11 : vector<4096x128xi32>
    %shift_left3A = arith.constant 13 : i32
    %shift_left3A_13 = vector.broadcast %shift_left3A : i32 to vector<4096x128xi32>
    %shift_left3A_14 = arith.shli %add3A_11, %shift_left3A_13 : vector<4096x128xi32>
    %shift_right_logical3A = arith.constant 19 : i32
    %shift_right_logical3A_15 = vector.broadcast %shift_right_logical3A : i32 to vector<4096x128xi32>
    %shift_right_logical3A_16 = arith.shrui %add3A_11, %shift_right_logical3A_15 : vector<4096x128xi32>
    %or3A = arith.ori %shift_left3A_14, %shift_right_logical3A_16 : vector<4096x128xi32>
    %xor3A = arith.xori %or3A, %add3A_12 : vector<4096x128xi32>
    %add3A_17 = arith.addi %add3A_12, %xor3A : vector<4096x128xi32>
    %shift_left3A_18 = arith.constant 15 : i32
    %shift_left3A_19 = vector.broadcast %shift_left3A_18 : i32 to vector<4096x128xi32>
    %shift_left3A_20 = arith.shli %xor3A, %shift_left3A_19 : vector<4096x128xi32>
    %shift_right_logical3A_21 = arith.constant 17 : i32
    %shift_right_logical3A_22 = vector.broadcast %shift_right_logical3A_21 : i32 to vector<4096x128xi32>
    %shift_right_logical3A_23 = arith.shrui %xor3A, %shift_right_logical3A_22 : vector<4096x128xi32>
    %or3A_24 = arith.ori %shift_left3A_20, %shift_right_logical3A_23 : vector<4096x128xi32>
    %xor3A_25 = arith.xori %or3A_24, %add3A_17 : vector<4096x128xi32>
    %add3A_26 = arith.addi %add3A_17, %xor3A_25 : vector<4096x128xi32>
    %shift_left3A_27 = arith.constant 26 : i32
    %shift_left3A_28 = vector.broadcast %shift_left3A_27 : i32 to vector<4096x128xi32>
    %shift_left3A_29 = arith.shli %xor3A_25, %shift_left3A_28 : vector<4096x128xi32>
    %shift_right_logical3A_30 = arith.constant 6 : i32
    %shift_right_logical3A_31 = vector.broadcast %shift_right_logical3A_30 : i32 to vector<4096x128xi32>
    %shift_right_logical3A_32 = arith.shrui %xor3A_25, %shift_right_logical3A_31 : vector<4096x128xi32>
    %or3A_33 = arith.ori %shift_left3A_29, %shift_right_logical3A_32 : vector<4096x128xi32>
    %xor3A_34 = arith.xori %or3A_33, %add3A_26 : vector<4096x128xi32>
    %add3A_35 = arith.addi %add3A_26, %xor3A_34 : vector<4096x128xi32>
    %shift_left3A_36 = arith.constant 6 : i32
    %shift_left3A_37 = vector.broadcast %shift_left3A_36 : i32 to vector<4096x128xi32>
    %shift_left3A_38 = arith.shli %xor3A_34, %shift_left3A_37 : vector<4096x128xi32>
    %shift_right_logical3A_39 = arith.constant 26 : i32
    %shift_right_logical3A_40 = vector.broadcast %shift_right_logical3A_39 : i32 to vector<4096x128xi32>
    %shift_right_logical3A_41 = arith.shrui %xor3A_34, %shift_right_logical3A_40 : vector<4096x128xi32>
    %or3A_42 = arith.ori %shift_left3A_38, %shift_right_logical3A_41 : vector<4096x128xi32>
    %xor3A_43 = arith.xori %or3A_42, %add3A_35 : vector<4096x128xi32>
    %add3A_44 = arith.constant -841280227 : i32
    %add3A_45 = vector.broadcast %add3A_44 : i32 to vector<4096x128xi32>
    %add3A_46 = arith.addi %add3A_35, %add3A_45 : vector<4096x128xi32>
    %add3A_47 = arith.constant -514511543 : i32
    %add3A_48 = vector.broadcast %add3A_47 : i32 to vector<4096x128xi32>
    %add3A_49 = arith.addi %xor3A_43, %add3A_48 : vector<4096x128xi32>
    %add3A_50 = arith.addi %add3A_46, %add3A_49 : vector<4096x128xi32>
    %shift_left3A_51 = arith.constant 17 : i32
    %shift_left3A_52 = vector.broadcast %shift_left3A_51 : i32 to vector<4096x128xi32>
    %shift_left3A_53 = arith.shli %add3A_49, %shift_left3A_52 : vector<4096x128xi32>
    %shift_right_logical3A_54 = arith.constant 15 : i32
    %shift_right_logical3A_55 = vector.broadcast %shift_right_logical3A_54 : i32 to vector<4096x128xi32>
    %shift_right_logical3A_56 = arith.shrui %add3A_49, %shift_right_logical3A_55 : vector<4096x128xi32>
    %or3A_57 = arith.ori %shift_left3A_53, %shift_right_logical3A_56 : vector<4096x128xi32>
    %xor3A_58 = arith.xori %or3A_57, %add3A_50 : vector<4096x128xi32>
    %add3A_59 = arith.addi %add3A_50, %xor3A_58 : vector<4096x128xi32>
    %shift_left3A_60 = arith.constant 29 : i32
    %shift_left3A_61 = vector.broadcast %shift_left3A_60 : i32 to vector<4096x128xi32>
    %shift_left3A_62 = arith.shli %xor3A_58, %shift_left3A_61 : vector<4096x128xi32>
    %shift_right_logical3A_63 = arith.constant 3 : i32
    %shift_right_logical3A_64 = vector.broadcast %shift_right_logical3A_63 : i32 to vector<4096x128xi32>
    %shift_right_logical3A_65 = arith.shrui %xor3A_58, %shift_right_logical3A_64 : vector<4096x128xi32>
    %or3A_66 = arith.ori %shift_left3A_62, %shift_right_logical3A_65 : vector<4096x128xi32>
    %xor3A_67 = arith.xori %or3A_66, %add3A_59 : vector<4096x128xi32>
    %add3A_68 = arith.addi %add3A_59, %xor3A_67 : vector<4096x128xi32>
    %shift_left3A_69 = arith.constant 16 : i32
    %shift_left3A_70 = vector.broadcast %shift_left3A_69 : i32 to vector<4096x128xi32>
    %shift_left3A_71 = arith.shli %xor3A_67, %shift_left3A_70 : vector<4096x128xi32>
    %shift_right_logical3A_72 = arith.constant 16 : i32
    %shift_right_logical3A_73 = vector.broadcast %shift_right_logical3A_72 : i32 to vector<4096x128xi32>
    %shift_right_logical3A_74 = arith.shrui %xor3A_67, %shift_right_logical3A_73 : vector<4096x128xi32>
    %or3A_75 = arith.ori %shift_left3A_71, %shift_right_logical3A_74 : vector<4096x128xi32>
    %xor3A_76 = arith.xori %or3A_75, %add3A_68 : vector<4096x128xi32>
    %add3A_77 = arith.addi %add3A_68, %xor3A_76 : vector<4096x128xi32>
    %shift_left3A_78 = arith.constant 24 : i32
    %shift_left3A_79 = vector.broadcast %shift_left3A_78 : i32 to vector<4096x128xi32>
    %shift_left3A_80 = arith.shli %xor3A_76, %shift_left3A_79 : vector<4096x128xi32>
    %shift_right_logical3A_81 = arith.constant 8 : i32
    %shift_right_logical3A_82 = vector.broadcast %shift_right_logical3A_81 : i32 to vector<4096x128xi32>
    %shift_right_logical3A_83 = arith.shrui %xor3A_76, %shift_right_logical3A_82 : vector<4096x128xi32>
    %or3A_84 = arith.ori %shift_left3A_80, %shift_right_logical3A_83 : vector<4096x128xi32>
    %xor3A_85 = arith.xori %or3A_84, %add3A_77 : vector<4096x128xi32>
    %add3A_86 = arith.constant -514511544 : i32
    %add3A_87 = vector.broadcast %add3A_86 : i32 to vector<4096x128xi32>
    %add3A_88 = arith.addi %add3A_77, %add3A_87 : vector<4096x128xi32>
    %add3A_89 = arith.constant 928981905 : i32
    %add3A_90 = vector.broadcast %add3A_89 : i32 to vector<4096x128xi32>
    %add3A_91 = arith.addi %xor3A_85, %add3A_90 : vector<4096x128xi32>
    %add3A_92 = arith.addi %add3A_88, %add3A_91 : vector<4096x128xi32>
    %shift_left3A_93 = arith.constant 13 : i32
    %shift_left3A_94 = vector.broadcast %shift_left3A_93 : i32 to vector<4096x128xi32>
    %shift_left3A_95 = arith.shli %add3A_91, %shift_left3A_94 : vector<4096x128xi32>
    %shift_right_logical3A_96 = arith.constant 19 : i32
    %shift_right_logical3A_97 = vector.broadcast %shift_right_logical3A_96 : i32 to vector<4096x128xi32>
    %shift_right_logical3A_98 = arith.shrui %add3A_91, %shift_right_logical3A_97 : vector<4096x128xi32>
    %or3A_99 = arith.ori %shift_left3A_95, %shift_right_logical3A_98 : vector<4096x128xi32>
    %xor3A_100 = arith.xori %or3A_99, %add3A_92 : vector<4096x128xi32>
    %add3A_101 = arith.addi %add3A_92, %xor3A_100 : vector<4096x128xi32>
    %shift_left3A_102 = arith.constant 15 : i32
    %shift_left3A_103 = vector.broadcast %shift_left3A_102 : i32 to vector<4096x128xi32>
    %shift_left3A_104 = arith.shli %xor3A_100, %shift_left3A_103 : vector<4096x128xi32>
    %shift_right_logical3A_105 = arith.constant 17 : i32
    %shift_right_logical3A_106 = vector.broadcast %shift_right_logical3A_105 : i32 to vector<4096x128xi32>
    %shift_right_logical3A_107 = arith.shrui %xor3A_100, %shift_right_logical3A_106 : vector<4096x128xi32>
    %or3A_108 = arith.ori %shift_left3A_104, %shift_right_logical3A_107 : vector<4096x128xi32>
    %xor3A_109 = arith.xori %or3A_108, %add3A_101 : vector<4096x128xi32>
    %add3A_110 = arith.addi %add3A_101, %xor3A_109 : vector<4096x128xi32>
    %shift_left3A_111 = arith.constant 26 : i32
    %shift_left3A_112 = vector.broadcast %shift_left3A_111 : i32 to vector<4096x128xi32>
    %shift_left3A_113 = arith.shli %xor3A_109, %shift_left3A_112 : vector<4096x128xi32>
    %shift_right_logical3A_114 = arith.constant 6 : i32
    %shift_right_logical3A_115 = vector.broadcast %shift_right_logical3A_114 : i32 to vector<4096x128xi32>
    %shift_right_logical3A_116 = arith.shrui %xor3A_109, %shift_right_logical3A_115 : vector<4096x128xi32>
    %or3A_117 = arith.ori %shift_left3A_113, %shift_right_logical3A_116 : vector<4096x128xi32>
    %xor3A_118 = arith.xori %or3A_117, %add3A_110 : vector<4096x128xi32>
    %add3A_119 = arith.addi %add3A_110, %xor3A_118 : vector<4096x128xi32>
    %shift_left3A_120 = arith.constant 6 : i32
    %shift_left3A_121 = vector.broadcast %shift_left3A_120 : i32 to vector<4096x128xi32>
    %shift_left3A_122 = arith.shli %xor3A_118, %shift_left3A_121 : vector<4096x128xi32>
    %shift_right_logical3A_123 = arith.constant 26 : i32
    %shift_right_logical3A_124 = vector.broadcast %shift_right_logical3A_123 : i32 to vector<4096x128xi32>
    %shift_right_logical3A_125 = arith.shrui %xor3A_118, %shift_right_logical3A_124 : vector<4096x128xi32>
    %or3A_126 = arith.ori %shift_left3A_122, %shift_right_logical3A_125 : vector<4096x128xi32>
    %xor3A_127 = arith.xori %or3A_126, %add3A_119 : vector<4096x128xi32>
    %add3A_128 = arith.constant 928981903 : i32
    %add3A_129 = vector.broadcast %add3A_128 : i32 to vector<4096x128xi32>
    %add3A_130 = arith.addi %add3A_119, %add3A_129 : vector<4096x128xi32>
    %add3A_131 = arith.constant -841280224 : i32
    %add3A_132 = vector.broadcast %add3A_131 : i32 to vector<4096x128xi32>
    %add3A_133 = arith.addi %xor3A_127, %add3A_132 : vector<4096x128xi32>
    %add3A_134 = arith.addi %add3A_130, %add3A_133 : vector<4096x128xi32>
    %shift_left3A_135 = arith.constant 17 : i32
    %shift_left3A_136 = vector.broadcast %shift_left3A_135 : i32 to vector<4096x128xi32>
    %shift_left3A_137 = arith.shli %add3A_133, %shift_left3A_136 : vector<4096x128xi32>
    %shift_right_logical3A_138 = arith.constant 15 : i32
    %shift_right_logical3A_139 = vector.broadcast %shift_right_logical3A_138 : i32 to vector<4096x128xi32>
    %shift_right_logical3A_140 = arith.shrui %add3A_133, %shift_right_logical3A_139 : vector<4096x128xi32>
    %or3A_141 = arith.ori %shift_left3A_137, %shift_right_logical3A_140 : vector<4096x128xi32>
    %xor3A_142 = arith.xori %or3A_141, %add3A_134 : vector<4096x128xi32>
    %add3A_143 = arith.addi %add3A_134, %xor3A_142 : vector<4096x128xi32>
    %shift_left3A_144 = arith.constant 29 : i32
    %shift_left3A_145 = vector.broadcast %shift_left3A_144 : i32 to vector<4096x128xi32>
    %shift_left3A_146 = arith.shli %xor3A_142, %shift_left3A_145 : vector<4096x128xi32>
    %shift_right_logical3A_147 = arith.constant 3 : i32
    %shift_right_logical3A_148 = vector.broadcast %shift_right_logical3A_147 : i32 to vector<4096x128xi32>
    %shift_right_logical3A_149 = arith.shrui %xor3A_142, %shift_right_logical3A_148 : vector<4096x128xi32>
    %or3A_150 = arith.ori %shift_left3A_146, %shift_right_logical3A_149 : vector<4096x128xi32>
    %xor3A_151 = arith.xori %or3A_150, %add3A_143 : vector<4096x128xi32>
    %add3A_152 = arith.addi %add3A_143, %xor3A_151 : vector<4096x128xi32>
    %shift_left3A_153 = arith.constant 16 : i32
    %shift_left3A_154 = vector.broadcast %shift_left3A_153 : i32 to vector<4096x128xi32>
    %shift_left3A_155 = arith.shli %xor3A_151, %shift_left3A_154 : vector<4096x128xi32>
    %shift_right_logical3A_156 = arith.constant 16 : i32
    %shift_right_logical3A_157 = vector.broadcast %shift_right_logical3A_156 : i32 to vector<4096x128xi32>
    %shift_right_logical3A_158 = arith.shrui %xor3A_151, %shift_right_logical3A_157 : vector<4096x128xi32>
    %or3A_159 = arith.ori %shift_left3A_155, %shift_right_logical3A_158 : vector<4096x128xi32>
    %xor3A_160 = arith.xori %or3A_159, %add3A_152 : vector<4096x128xi32>
    %add3A_161 = arith.addi %add3A_152, %xor3A_160 : vector<4096x128xi32>
    %shift_left3A_162 = arith.constant 24 : i32
    %shift_left3A_163 = vector.broadcast %shift_left3A_162 : i32 to vector<4096x128xi32>
    %shift_left3A_164 = arith.shli %xor3A_160, %shift_left3A_163 : vector<4096x128xi32>
    %shift_right_logical3A_165 = arith.constant 8 : i32
    %shift_right_logical3A_166 = vector.broadcast %shift_right_logical3A_165 : i32 to vector<4096x128xi32>
    %shift_right_logical3A_167 = arith.shrui %xor3A_160, %shift_right_logical3A_166 : vector<4096x128xi32>
    %or3A_168 = arith.ori %shift_left3A_164, %shift_right_logical3A_167 : vector<4096x128xi32>
    %xor3A_169 = arith.xori %or3A_168, %add3A_161 : vector<4096x128xi32>
    %add3A_170 = arith.constant -841280227 : i32
    %add3A_171 = vector.broadcast %add3A_170 : i32 to vector<4096x128xi32>
    %add3A_172 = arith.addi %add3A_161, %add3A_171 : vector<4096x128xi32>
    %add3A_173 = arith.constant -514511540 : i32
    %add3A_174 = vector.broadcast %add3A_173 : i32 to vector<4096x128xi32>
    %add3A_175 = arith.addi %xor3A_169, %add3A_174 : vector<4096x128xi32>
    %add3A_176 = arith.addi %add3A_172, %add3A_175 : vector<4096x128xi32>
    %shift_left3A_177 = arith.constant 13 : i32
    %shift_left3A_178 = vector.broadcast %shift_left3A_177 : i32 to vector<4096x128xi32>
    %shift_left3A_179 = arith.shli %add3A_175, %shift_left3A_178 : vector<4096x128xi32>
    %shift_right_logical3A_180 = arith.constant 19 : i32
    %shift_right_logical3A_181 = vector.broadcast %shift_right_logical3A_180 : i32 to vector<4096x128xi32>
    %shift_right_logical3A_182 = arith.shrui %add3A_175, %shift_right_logical3A_181 : vector<4096x128xi32>
    %or3A_183 = arith.ori %shift_left3A_179, %shift_right_logical3A_182 : vector<4096x128xi32>
    %xor3A_184 = arith.xori %or3A_183, %add3A_176 : vector<4096x128xi32>
    %add3A_185 = arith.addi %add3A_176, %xor3A_184 : vector<4096x128xi32>
    %shift_left3A_186 = arith.constant 15 : i32
    %shift_left3A_187 = vector.broadcast %shift_left3A_186 : i32 to vector<4096x128xi32>
    %shift_left3A_188 = arith.shli %xor3A_184, %shift_left3A_187 : vector<4096x128xi32>
    %shift_right_logical3A_189 = arith.constant 17 : i32
    %shift_right_logical3A_190 = vector.broadcast %shift_right_logical3A_189 : i32 to vector<4096x128xi32>
    %shift_right_logical3A_191 = arith.shrui %xor3A_184, %shift_right_logical3A_190 : vector<4096x128xi32>
    %or3A_192 = arith.ori %shift_left3A_188, %shift_right_logical3A_191 : vector<4096x128xi32>
    %xor3A_193 = arith.xori %or3A_192, %add3A_185 : vector<4096x128xi32>
    %add3A_194 = arith.addi %add3A_185, %xor3A_193 : vector<4096x128xi32>
    %shift_left3A_195 = arith.constant 26 : i32
    %shift_left3A_196 = vector.broadcast %shift_left3A_195 : i32 to vector<4096x128xi32>
    %shift_left3A_197 = arith.shli %xor3A_193, %shift_left3A_196 : vector<4096x128xi32>
    %shift_right_logical3A_198 = arith.constant 6 : i32
    %shift_right_logical3A_199 = vector.broadcast %shift_right_logical3A_198 : i32 to vector<4096x128xi32>
    %shift_right_logical3A_200 = arith.shrui %xor3A_193, %shift_right_logical3A_199 : vector<4096x128xi32>
    %or3A_201 = arith.ori %shift_left3A_197, %shift_right_logical3A_200 : vector<4096x128xi32>
    %xor3A_202 = arith.xori %or3A_201, %add3A_194 : vector<4096x128xi32>
    %add3A_203 = arith.addi %add3A_194, %xor3A_202 : vector<4096x128xi32>
    %shift_left3A_204 = arith.constant 6 : i32
    %shift_left3A_205 = vector.broadcast %shift_left3A_204 : i32 to vector<4096x128xi32>
    %shift_left3A_206 = arith.shli %xor3A_202, %shift_left3A_205 : vector<4096x128xi32>
    %shift_right_logical3A_207 = arith.constant 26 : i32
    %shift_right_logical3A_208 = vector.broadcast %shift_right_logical3A_207 : i32 to vector<4096x128xi32>
    %shift_right_logical3A_209 = arith.shrui %xor3A_202, %shift_right_logical3A_208 : vector<4096x128xi32>
    %or3A_210 = arith.ori %shift_left3A_206, %shift_right_logical3A_209 : vector<4096x128xi32>
    %xor3A_211 = arith.xori %or3A_210, %add3A_203 : vector<4096x128xi32>
    %add3A_212 = arith.constant -514511544 : i32
    %add3A_213 = vector.broadcast %add3A_212 : i32 to vector<4096x128xi32>
    %add3A_214 = arith.addi %add3A_203, %add3A_213 : vector<4096x128xi32>
    %add3A_215 = arith.constant 928981908 : i32
    %add3A_216 = vector.broadcast %add3A_215 : i32 to vector<4096x128xi32>
    %add3A_217 = arith.addi %xor3A_211, %add3A_216 : vector<4096x128xi32>
    %xor3A_218 = arith.xori %add3A_214, %add3A_217 : vector<4096x128xi32>
    %ge3A = arith.constant 429496832 : i32
    %ge3A_219 = vector.broadcast %ge3A : i32 to vector<4096x128xi32>
    %ge3A_220 = arith.cmpi uge, %xor3A_218, %ge3A_219 : vector<4096x128xi32>
    %mul3A_221 = arith.constant 1.11111116 : f32
    %mul3A_222 = vector.broadcast %mul3A_221 : f32 to vector<4096x128xf32>
    %mul3A_223 = arith.mulf %reshape3A, %mul3A_222 : vector<4096x128xf32>
    %jit3A = arith.constant 0.000000e+00 : f32
    %broadcast_in_dim3A_224 = vector.broadcast %jit3A : f32 to vector<4096x128xf32>
    %select_n3A = arith.select %ge3A_220, %mul3A_223, %broadcast_in_dim3A_224 : vector<4096x128xi1>, vector<4096x128xf32>
    %reshape3A_225 = vector.shape_cast %select_n3A : vector<4096x128xf32> to vector<524288xf32>
    %swap3A = arith.constant 0 : index
    %swap3A_226 = vector.load %arg3[%swap3A] : memref<524288xf32, #tpu.memory_space<vmem>>, vector<524288xf32>
    tpu.vector_store %arg3[%swap3A], %reshape3A_225 {strides = array<i32>} : memref<524288xf32, #tpu.memory_space<vmem>>, vector<524288xf32>,
    %get3A_227 = arith.constant 0 : index
    %get3A_228 = arith.constant 0 : index
    %get3A_229 = vector.load %arg2[%get3A_227, %get3A_228] : memref<2x613632xi32, #tpu.memory_space<vmem>>, vector<2x613632xi32>
    %swap3A_230 = arith.constant 0 : index
    %swap3A_231 = arith.constant 0 : index
    %swap3A_232 = vector.load %arg4[%swap3A_230, %swap3A_231] : memref<2x613632xi32, #tpu.memory_space<vmem>>, vector<2x613632xi32>
    tpu.vector_store %arg4[%swap3A_230, %swap3A_231], %get3A_229 {strides = array<i32>} : memref<2x613632xi32, #tpu.memory_space<vmem>>, vector<2x613632xi32>,
    return
  }
  func.func @transform_0(%arg0: i32) -> i32 {
    %c0_i32 = arith.constant 0 : i32
    return %arg0 : i32
  }
  func.func @transform_1(%arg0: i32) -> (i32, i32) {
    %c0_i32 = arith.constant 0 : i32
    %c0_i32_0 = arith.constant 0 : i32
    return %c0_i32, %arg0 : i32, i32
  }
  func.func @transform_2(%arg0: i32) -> i32 {
    %c0_i32 = arith.constant 0 : i32
    return %arg0 : i32
  }
  func.func @transform_3(%arg0: i32) -> (i32, i32) {
    %c0_i32 = arith.constant 0 : i32
    %c0_i32_0 = arith.constant 0 : i32
    return %c0_i32, %arg0 : i32, i32
  }
}

</mosaic_0001>

<sc_bundles>
// kernel: kernel.4.cloned.1.call-start
scs
__scs_entry_jumppad:
0x0: {  	(pc) =	sbr.rel $0x88, $3  }
0x1: {  	(tag) =	ssettag $0x0;
	lr =	simm.s32 $0x1  }
0x2: {  	[smem:$0x3F9F] =	sst lr;
	_ =	strace $0xD0000000  }
0x3: {  	_ = 	snop  }
0x4: {  	_ = 	snop  }
0x5: {  	_ = 	snop  }
0x6: {  	_ = 	snop  }
0x7: {  	_ = 	snop  }
__scs_overlays_trampoline_lowered:
0x8: {  	[smem:$0x3FAE] =	sst s0  }
0x9: {  	[smem:$0x3FAF] =	sst s1  }
0xa: {  	[smem:$0x3FB0] =	sst s2  }
0xb: {  	[smem:$0x3FB1] =	sst s3  }
0xc: {  	[smem:$0x3FB2] =	sst s4  }
0xd: {  	[smem:$0x3FB3] =	sst s5  }
0xe: {  	[smem:$0x3FB4] =	sst s6  }
0xf: {  	[smem:$0x3FB5] =	sst s7  }
0x10: {  	[smem:$0x3FB6] =	sst s8  }
0x11: {  	[smem:$0x3FB7] =	sst s9;
	s0 =	simm.s32 @!p0 $0x0  }
0x12: {  	s1 =	sld [smem:$0x3F9D];
	s0 =	simm.s32 @p0 $0x1  }
0x13: {  	[smem:$0x3FB8] =	sst s0;
	s0 =	simm.s32 @!p1 $0x0  }
0x14: {  	s2 =	sld [smem:$0x3F9C];
	s0 =	simm.s32 @p1 $0x1  }
0x15: {  	[smem:$0x3FB9] =	sst s0;
	s0 =	simm.s32 @!p2 $0x0  }
0x16: {  	s3 =	sld [smem:$0x3FDB];
	s0 =	simm.s32 @p2 $0x1  }
0x17: {  	s4 =	simm.s32 $0x1BF5;
	[smem:$0x3FBB] =	sst s0  }
0x18: {  	s0 =	sld [smem:$0x3F9E];
	_ =	swait.ge [sflag:s4], $0x0  }
0x19: {  	s7 =	sld [smem:$0x3F9F]  }
0x1a: {  	s8 =	sadd.s32 $0xFFFFE003, lr  }
0x1b: {  	s9 =	sadd.s32 $0xFFFFFEF7, lr;
	s5 =	simm.s32 $0xFFFFFFFF;
	p2 =	slt.u32 s8, $0xFFFFF086  }
0x1c: {  	p1 =	slt.u32 s9, $0xF7A;
	s5 =	simm.s32 @!p2 $0x0  }
0x1d: {  	s5 =	simm.s32 @p1 $0x1;
	p0 =	seq.s32 s7, s2  }
0x1e: {  	s7 =	smul.u32 @!p0 $0xF7A, s2;
	p2 =	seq.s32 @!p0 s5, $0x0  }
0x1f: {  	s9 =	smul.u32 $0xF7A, s1;
	s8 =	simm.s32 @!p0 $0x1BF5;
	p2 =	por !p2, p0  }
0x20: {  	[sflag:s8] =	ssyncset.s32 @!p0 $0xFFFFF086;
	s6 =	sadd.s32 @!p0 s3, s7;
	s7 =	simm.s32 @!p0 $0x108  }
0x21: {  	s3 =	sadd.s32 s3, s9;
	s6 =	sadd.s32 @!p0 $0x88, s6;
	s7 =	simm.s32 @p2 $0x1082  }
0x22: {  	[simem:s7], [sflag:s8] =	dma.local @!p0 [hbm:s6], $0xF7A  }
0x23: {  	s9 =	sor.u32 $0xD0000000, s2;
	s6 =	simm.s32 $0x108;
	_ =	swait.ge @!p0 [sflag:s8], $0x0  }
0x24: {  	s3 =	sadd.s32 $0x88, s3;
	s6 =	simm.s32 @!p1 $0x1082;
	[sflag:s4] =	ssyncset.s32 $0xFFFFF086  }
0x25: {  	[simem:s6], [sflag:s4] =	dma.local [hbm:s3], $0xF7A  }
0x26: {  	[smem:$0x3F9F] =	sst s1;
	(tag) =	ssettag s2;
	_ =	strace s9  }
0x27: {  	s1 =	sld [smem:$0x3FAF]  }
0x28: {  	s2 =	sld [smem:$0x3FB0]  }
0x29: {  	s4 =	sld [smem:$0x3FB2]  }
0x2a: {  	p0 =	seq.s32 s5, $0x0;
	s5 =	sld [smem:$0x3FB3]  }
0x2b: {  	s6 =	sld [smem:$0x3FB4]  }
0x2c: {  	s7 =	sld [smem:$0x3FB5]  }
0x2d: {  	s3 =	simm.s32 $0x108;
	s8 =	sld [smem:$0x3FB6]  }
0x2e: {  	s3 =	simm.s32 @!p0 $0x1082;
	s9 =	sld [smem:$0x3FB7]  }
0x2f: {  	lr =	sadd.s32 s0, s3;
	s0 =	sld [smem:$0x3FAE]  }
0x30: {  	s3 =	sld [smem:$0x3FB1]  }
0x31: {  	[smem:$0x3FBA] =	sst s10  }
0x32: {  	s10 =	sld [smem:$0x3FB8];
	_ =	sdelay $0x3  }
0x33: {  	p0 =	seq.s32 s10, $0x1;
	s10 =	sld [smem:$0x3FBA];
	_ =	sdelay $0x3  }
0x34: {  	[smem:$0x3FBA] =	sst s10  }
0x35: {  	s10 =	sld [smem:$0x3FB9];
	_ =	sdelay $0x3  }
0x36: {  	p1 =	seq.s32 s10, $0x1;
	s10 =	sld [smem:$0x3FBA];
	_ =	sdelay $0x3  }
0x37: {  	[smem:$0x3FBA] =	sst s10  }
0x38: {  	s10 =	sld [smem:$0x3FBB]  }
0x39: {  	_ = 	snop;
	(pc) =	sbr.ind lr, $3  }
0x3a: {  	_ = 	snop  }
0x3b: {  	_ = 	snop  }
0x3c: {  	p2 =	seq.s32 s10, $0x1;
	s10 =	sld [smem:$0x3FBA]  }
0x3d: {  	_ =	shalt  }
0x3e: {  	_ =	shalt  }
0x3f: {  	_ =	shalt  }
0x40: {  	_ =	shalt  }
0x41: {  	_ =	shalt  }
0x42: {  	_ =	shalt  }
0x43: {  	_ =	shalt  }
0x44: {  	_ =	shalt  }
0x45: {  	_ =	shalt  }
0x46: {  	_ =	shalt  }
0x47: {  	_ =	shalt  }
0x48: {  	_ =	shalt  }
0x49: {  	_ =	shalt  }
0x4a: {  	_ =	shalt  }
0x4b: {  	_ =	shalt  }
0x4c: {  	_ =	shalt  }
0x4d: {  	_ =	shalt  }
0x4e: {  	_ =	shalt  }
0x4f: {  	_ =	shalt  }
0x50: {  	_ =	shalt  }
0x51: {  	_ =	shalt  }
0x52: {  	_ =	shalt  }
0x53: {  	_ =	shalt  }
0x54: {  	_ =	shalt  }
0x55: {  	_ =	shalt  }
0x56: {  	_ =	shalt  }
0x57: {  	_ =	shalt  }
0x58: {  	_ =	shalt  }
0x59: {  	_ =	shalt  }
0x5a: {  	_ =	shalt  }
0x5b: {  	_ =	shalt  }
0x5c: {  	_ =	shalt  }
0x5d: {  	_ =	shalt  }
0x5e: {  	_ =	shalt  }
0x5f: {  	_ =	shalt  }
0x60: {  	_ =	shalt  }
0x61: {  	_ =	shalt  }
0x62: {  	_ =	shalt  }
0x63: {  	_ =	shalt  }
0x64: {  	_ =	shalt  }
0x65: {  	_ =	shalt  }
0x66: {  	_ =	shalt  }
0x67: {  	_ =	shalt  }
0x68: {  	_ =	shalt  }
0x69: {  	_ =	shalt  }
0x6a: {  	_ =	shalt  }
0x6b: {  	_ =	shalt  }
0x6c: {  	_ =	shalt  }
0x6d: {  	_ =	shalt  }
0x6e: {  	_ =	shalt  }
0x6f: {  	_ =	shalt  }
0x70: {  	_ =	shalt  }
0x71: {  	_ =	shalt  }
0x72: {  	_ =	shalt  }
0x73: {  	_ =	shalt  }
0x74: {  	_ =	shalt  }
0x75: {  	_ =	shalt  }
0x76: {  	_ =	shalt  }
0x77: {  	_ =	shalt  }
0x78: {  	_ =	shalt  }
0x79: {  	_ =	shalt  }
0x7a: {  	_ =	shalt  }
0x7b: {  	_ =	shalt  }
0x7c: {  	_ =	shalt  }
0x7d: {  	_ =	shalt  }
0x7e: {  	_ =	shalt  }
0x7f: {  	_ =	shalt  }
0x80: {  	_ =	shalt  }
0x81: {  	_ =	shalt  }
0x82: {  	_ =	shalt  }
0x83: {  	_ =	shalt  }
0x84: {  	_ =	shalt  }
0x85: {  	_ =	shalt  }
0x86: {  	_ =	shalt  }
0x87: {  	_ =	shalt  }
.Lfunc_end0:
.L_simem_size_0:
called_computation_lowered:
.L_overlay_start_0:
0x88: {  	s2 =	sld [smem:$0x3FD9]  }
0x89: {  	s3 =	sld [smem:$0x3FFE];
	_ =	sdelay $0x1  }
0x8a: {  	s1 =	srdreg.scid  }
0x8b: {  	s0 =	sand.u32 $0x1, s1  }
0x8c: {  	s17 =	sshll.u32 s0, $0xA;
	s2 =	sadd.s32 s3, s2  }
0x8d: {  	s2 =	sadd.s32 s2, s17  }
0x8e: {  	[smem:$0x3FC6] =	sst s2  }
0x8f: {  	_ = 	snop  }
0x90: {  	s2 =	sld [smem:$0x3FC8];
	(tm) =	ssettm $0x1  }
0x91: {  	s18 =	sld [smem:$0x3FFB];
	_ =	sdelay $0x3  }
0x92: {  	_ =	strace s18  }
0x93: {  	s3 =	sld [smem:$0x3FFC];
	_ =	sdelay $0x3  }
0x94: {  	_ =	strace s3  }
0x95: {  	s3 =	sld [smem:$0x3FFD];
	_ =	sdelay $0x3  }
0x96: {  	_ =	strace s3  }
0x97: {  	_ =	strace $0x8FFFFFFF  }
0x98: {  	s19 =	sld [smem:$0x3FDB];
	_ =	sdelay $0x1  }
0x99: {  	s4 =	simm.s32 $_scs_section_size  }
0x9a: {  	s5 =	simm.s32 $_size__tile_overlayer_lowered;
	s6 =	simm.s32 $_tile_overlayer_lowered  }
0x9b: {  	s22 =	simm.s32 $0x1BFF;
	s21 =	sshll.u32 s6, $0x1;
	s3 =	sadd.s32 s4, s19  }
0x9c: {  	s7 =	simm.s32 $0x0;
	s20 =	sshll.u32 s5, $0x1;
	s5 =	sadd.s32 s21, s3  }
0x9d: {  	[timem:s7], [sflag:s22] =	dma.local [hbm:s5], s20  }
0x9e: {  	_ =	swait.ge [sflag:s22], s20  }
0x9f: {  	s4 =	ssub.s32 $0x0, s20;
	[sflag:s22] =	ssyncset.done $0x0  }
0xa0: {  	[sflag:s22] =	ssyncadd.s32 s4;
	_ =	sdelay $0x1  }
0xa1: {  	s23 =	simm.s32 $0x1B8B  }
0xa2: {  	_ =	swait.ge [sflag:s23], $0x1  }
0xa3: {  	[sflag:s23] =	ssyncset.done $0x0  }
0xa4: {  	s25 =	simm.s32 $0x1B8E;
	s24 =	sld [smem:$0x3FFE];
	[sflag:s23] =	ssyncadd.s32 $0xFFFFFFFF  }
0xa5: {  	s26 =	simm.s32 $execute0_lowered;
	[smem:$0x3FD2] =	sst s25  }
0xa6: {  	s5 =	sshll.u32 s26, $0x1;
	_ =	strace $0x80000046;
	[dreg:$0x1] =	wrdreg $0xFFFFFFFF  }
0xa7: {  	s28 =	simm.s32 $_size_execute0_lowered;
	s3 =	sadd.s32 s3, s5;
	[dreg:$0x0] =	wrdreg $0x0  }
0xa8: {  	s5 =	sshll.u32 s28, $0x1;
	[dreg:$0x2] =	wrdreg s3  }
0xa9: {  	[dreg:$0x3] =	wrdreg s5  }
0xaa: {  	[dreg:$0x4] =	wrdreg $0xC0  }
0xab: {  	_ =	task [dreg:s7], $0x5FFFF  }
0xac: {  	[dreg:$0x1] =	wrdreg $0xFFFFFFFF  }
0xad: {  	[dreg:$0x0] =	wrdreg $0x60  }
0xae: {  	[dreg:$0x2] =	wrdreg s2  }
0xaf: {  	[dreg:$0x3] =	wrdreg s24  }
0xb0: {  	[dreg:$0x4] =	wrdreg $0x9  }
0xb1: {  	_ =	task.clear_ibuf [dreg:s7], $0x5FFFF;
	_ =	strace $0x90000046  }
0xb2: {  	s29 =	simm.s32 $0x9;
	_ =	strace $0x80000048  }
0xb3: {  	_ =	swait.ge [sflag:s29], $0x1  }
0xb4: {  	[sflag:s29] =	ssyncadd.s32 $0xFFFFFFFF  }
0xb5: {  	_ =	strace $0x90000048  }
0xb6: {  	_ =	sfence  }
0xb7: {  	s30 =	sld [smem:$0x0];
	_ =	sdelay $0x2  }
0xb8: {  	s31 =	sshll.u32 s1, $0xD;
	s1 =	sshrl.u32 s1, $0x2  }
0xb9: {  	s3 =	sand.u32 $0x4000, s31;
	s1 =	sadd.s32 s1, s30  }
0xba: {  	s0 =	sor.u32 s3, s0;
	s1 =	sshll.u32 s1, $0x11  }
0xbb: {  	s0 =	sor.u32 s1, s0  }
0xbc: {  	s0 =	sadd.s32 $0x8F2B, s0  }
0xbd: {  	[sflag:s0] =	ssyncadd.remote.s32 $0x1  }
0xbe: {  	_ =	sfence.sel $0xFFFF  }
0xbf: {  	[dreg:$0x0] =	wrdreg $0xFFFFFFFF;
	(pc) =	sbr.abs _section_cstart, $3  }
0xc0: {  	[dreg:$0x1] =	wrdreg $0xFFFFFFFF  }
0xc1: {  	_ =	task.clear_ibuf [dreg:s7], $0x2FFFF;
	_ =	strace $0x9FFFFFFF  }
0xc2: {  	(tm) =	ssettm $0x7FFFFFFF  }
0xc3: {  	_ =	shalt  }
tec
execute0_lowered:
.L_overlay_start_1:
0x0: {  	(tag) =	ssettag $0x1  }
0x1: {  	s1 =	rddreg [dreg:$0x0]  }
0x2: {  	s9 =	rddreg [dreg:$0x1]  }
0x3: {  	s0 =	rddreg [dreg:$0x2];
	s3 =	simm.s32 $0x0;
	s4 =	srdreg.scid  }
0x4: {  	s2 =	stileid.u32;
	[smem:$0x7FF] =	sst s3;
	s10 =	sand.u32 $0x1, s4  }
0x5: {  	s5 =	sshll.u32 s2, $0x1;
	s4 =	sadd.s32 $0x800, s9;
	s12 =	sshll.u32 s2, $0xF  }
0x6: {  	s9 =	sadd.s32 $0x13800, s9;
	_ =	strace $0x80000047;
	s6 =	ssub.s32 $0x2, s10  }
.Ltmp0:
0x7: {  	s13 =	sor.u32 s10, s5;
	s14 =	sshll.u32 s10, $0xE;
	(pc) =	sbr.rel .LBB2_1-.Ltmp0, $4  }
0x8: {  	s7 =	sshrl.u32 s6, $0x1;
	s8 =	ssub.s32 $0x45, s13;
	s5 =	sshll.u32 s13, $0xE  }
0x9: {  	p0 =	sne.s32 s13, $0x6;
	s13 =	simm.s32 $0x0;
	s11 =	ssub.s32 s6, s7  }
0xa: {  	v1 =	vlaneseq.u32;
	s6 =	sshrl.u32 s8, $0x5;
	s7 =	sor.u32 $0x380000, s5;
	s8 =	sadd.s32 $0x83000, s1  }
0xb: {  	v0 =	vadd.s32 $0xCDDB151D, v1;
	v1 =	vadd.s32 $0x53A38AC, v1;
	s10 =	smax.u32 s11, $0x1;
	s11 =	sor.u32 s14, s12;
	s12 =	simm.s32 $0x1  }
.LBB2_9:
0xc: {  	s13 =	sadd.s32 $0x1, s13  }
0xd: {  	p1 =	sne.s32 s13, s10  }
.Ltmp1:
0xe: {  	_ = 	snop;
	(pc) =	sbr.rel @!p1 .LBB2_10-.Ltmp1, $1  }
0xf: {  	_ =	sdelay $0x3  }
.LBB2_1:
0x10: {  	s14 =	smov.u32 s11;
	s15 =	simm.s32 $0x0  }
.LBB2_2:
0x11: {  	s16 =	sadd.s32 $0xFFFFC000, s14  }
0x12: {  	s18 =	sadd.s32 $0xFFFFC020, s14;
	s17 =	sadd.s32 $0x384000, s16;
	s16 =	sadd.s32 $0x384010, s16  }
0x13: {  	s19 =	sadd.s32 $0x384000, s18;
	s18 =	sadd.s32 $0x384010, s18;
	v2 =	vadd.s32 s17, v0;
	v3 =	vadd.s32 s16, v0  }
0x14: {  	v6 =	vadd.s32 s16, v1;
	v33 =	vadd.s32 s18, v0;
	v11 =	vadd.s32 s18, v1  }
0x15: {  	v4 =	vshrl.u32 v2, $0x13;
	v5 =	vshrl.u32 v3, $0x13;
	v3 =	vshll.u32 v3, $0xD  }
0x16: {  	v2 =	vshll.u32 v2, $0xD;
	v10 =	vshrl.u32 v33, $0x13;
	v3 =	vor.u32 v5, v3  }
0x17: {  	v5 =	vadd.s32 s17, v1;
	v2 =	vor.u32 v4, v2;
	v3 =	vxor.u32 v6, v3  }
0x18: {  	v2 =	vxor.u32 v5, v2;
	v4 =	vshrl.u32 v3, $0x11;
	v7 =	vshll.u32 v3, $0xF  }
0x19: {  	v8 =	vshrl.u32 v2, $0x11;
	v3 =	vadd.s32 v6, v3;
	v4 =	vor.u32 v4, v7  }
0x1a: {  	v5 =	vadd.s32 v5, v2;
	v2 =	vshll.u32 v2, $0xF;
	v4 =	vxor.u32 v3, v4  }
0x1b: {  	v2 =	vor.u32 v8, v2;
	v6 =	vshrl.u32 v4, $0x6;
	v7 =	vshll.u32 v4, $0x1A  }
0x1c: {  	v2 =	vxor.u32 v5, v2;
	v3 =	vadd.s32 v3, v4;
	v4 =	vor.u32 v6, v7  }
0x1d: {  	v6 =	vshrl.u32 v2, $0x6;
	v7 =	vshll.u32 v2, $0x1A;
	v4 =	vxor.u32 v3, v4  }
0x1e: {  	v6 =	vor.u32 v6, v7;
	v7 =	vshrl.u32 v4, $0x1A;
	v19 =	vshll.u32 v4, $0x6  }
0x1f: {  	v8 =	vshll.u32 v33, $0xD;
	v3 =	vadd.s32 v3, v4;
	v4 =	vor.u32 v7, v19  }
0x20: {  	v8 =	vor.u32 v10, v8;
	v2 =	vadd.s32 v5, v2;
	v4 =	vxor.u32 v3, v4  }
0x21: {  	v8 =	vxor.u32 v11, v8;
	v5 =	vxor.u32 v2, v6;
	v4 =	vadd.s32 $0xE1552D49, v4  }
0x22: {  	v3 =	vadd.s32 v4, v3;
	v7 =	vshrl.u32 v4, $0xF;
	v4 =	vshll.u32 v4, $0x11  }
0x23: {  	v6 =	vshrl.u32 v5, $0x1A;
	v3 =	vadd.s32 $0xCDDB151D, v3;
	v4 =	vor.u32 v7, v4  }
0x24: {  	v20 =	vshll.u32 v5, $0x6;
	v2 =	vadd.s32 v2, v5;
	v4 =	vxor.u32 v3, v4  }
0x25: {  	v6 =	vor.u32 v6, v20;
	v5 =	vshrl.u32 v4, $0x3;
	v7 =	vshll.u32 v4, $0x1D  }
0x26: {  	v6 =	vxor.u32 v2, v6;
	v3 =	vadd.s32 v3, v4;
	v4 =	vor.u32 v5, v7  }
0x27: {  	v36 =	vshrl.u32 v8, $0x11;
	v5 =	vadd.s32 $0xE1552D49, v6;
	v4 =	vxor.u32 v3, v4  }
0x28: {  	v2 =	vadd.s32 v5, v2;
	v21 =	vshrl.u32 v5, $0xF;
	v5 =	vshll.u32 v5, $0x11  }
0x29: {  	v6 =	vshrl.u32 v4, $0x10;
	v7 =	vshll.u32 v4, $0x10;
	v3 =	vadd.s32 v3, v4  }
0x2a: {  	v2 =	vadd.s32 $0xCDDB151D, v2;
	v5 =	vor.u32 v21, v5;
	v4 =	vor.u32 v6, v7  }
0x2b: {  	v12 =	vshll.u32 v8, $0xF;
	v5 =	vxor.u32 v2, v5;
	v4 =	vxor.u32 v3, v4  }
0x2c: {  	v6 =	vshrl.u32 v4, $0x8;
	v7 =	vshll.u32 v4, $0x18;
	v3 =	vadd.s32 v3, v4  }
0x2d: {  	v4 =	vor.u32 v6, v7;
	v6 =	vshrl.u32 v5, $0x3;
	v7 =	vshll.u32 v5, $0x1D  }
0x2e: {  	v2 =	vadd.s32 v2, v5;
	v4 =	vxor.u32 v3, v4;
	v5 =	vor.u32 v6, v7  }
0x2f: {  	v8 =	vadd.s32 v11, v8;
	v4 =	vadd.s32 $0x375F2391, v4;
	v5 =	vxor.u32 v2, v5  }
0x30: {  	v3 =	vadd.s32 v4, v3;
	v6 =	vshrl.u32 v4, $0x13;
	v4 =	vshll.u32 v4, $0xD  }
0x31: {  	v7 =	vshll.u32 v5, $0x10;
	v3 =	vadd.s32 $0xE1552D48, v3;
	v4 =	vor.u32 v6, v4  }
0x32: {  	v2 =	vadd.s32 v2, v5;
	v6 =	vshrl.u32 v5, $0x10;
	v4 =	vxor.u32 v3, v4  }
0x33: {  	v6 =	vor.u32 v6, v7;
	v7 =	vshrl.u32 v4, $0x11;
	v22 =	vshll.u32 v4, $0xF  }
0x34: {  	v3 =	vadd.s32 v3, v4;
	v5 =	vxor.u32 v2, v6;
	v4 =	vor.u32 v7, v22  }
0x35: {  	v6 =	vshrl.u32 v5, $0x8;
	v9 =	vshll.u32 v5, $0x18;
	v2 =	vadd.s32 v2, v5  }
0x36: {  	v4 =	vxor.u32 v3, v4;
	v5 =	vor.u32 v6, v9;
	v9 =	vor.u32 v36, v12  }
0x37: {  	v7 =	vshrl.u32 v4, $0x6;
	v23 =	vshll.u32 v4, $0x1A;
	v3 =	vadd.s32 v3, v4  }
0x38: {  	v5 =	vxor.u32 v2, v5;
	v9 =	vxor.u32 v8, v9;
	v4 =	vor.u32 v7, v23  }
0x39: {  	v5 =	vadd.s32 $0x375F2391, v5;
	v37 =	vshrl.u32 v9, $0x6;
	v38 =	vshll.u32 v9, $0x1A  }
0x3a: {  	v8 =	vadd.s32 v8, v9;
	v4 =	vxor.u32 v3, v4;
	v2 =	vadd.s32 v5, v2  }
0x3b: {  	v39 =	vor.u32 v37, v38;
	v6 =	vshrl.u32 v4, $0x1A;
	v7 =	vshll.u32 v4, $0x6  }
0x3c: {  	v3 =	vadd.s32 v3, v4;
	v2 =	vadd.s32 $0xE1552D48, v2;
	v9 =	vxor.u32 v8, v39  }
0x3d: {  	v4 =	vor.u32 v6, v7;
	v6 =	vshrl.u32 v5, $0x13;
	v5 =	vshll.u32 v5, $0xD  }
0x3e: {  	v42 =	vshrl.u32 v9, $0x1A;
	v43 =	vshll.u32 v9, $0x6;
	v8 =	vadd.s32 v8, v9  }
0x3f: {  	v4 =	vxor.u32 v3, v4;
	v5 =	vor.u32 v6, v5;
	v44 =	vor.u32 v42, v43  }
0x40: {  	v4 =	vadd.s32 $0xCDDB1520, v4;
	v5 =	vxor.u32 v2, v5;
	v9 =	vxor.u32 v8, v44  }
0x41: {  	v3 =	vadd.s32 v4, v3;
	v7 =	vshrl.u32 v4, $0xF;
	v4 =	vshll.u32 v4, $0x11  }
0x42: {  	v6 =	vshrl.u32 v5, $0x11;
	v25 =	vshll.u32 v5, $0xF;
	v2 =	vadd.s32 v2, v5  }
0x43: {  	v9 =	vadd.s32 $0xE1552D49, v9;
	v3 =	vadd.s32 $0x375F238F, v3;
	v4 =	vor.u32 v7, v4  }
0x44: {  	v5 =	vor.u32 v6, v25;
	v8 =	vadd.s32 v9, v8;
	v45 =	vshrl.u32 v9, $0xF  }
0x45: {  	v9 =	vshll.u32 v9, $0x11;
	v4 =	vxor.u32 v3, v4;
	v5 =	vxor.u32 v2, v5  }
0x46: {  	v8 =	vadd.s32 $0xCDDB151D, v8;
	v9 =	vor.u32 v45, v9;
	v7 =	vshrl.u32 v4, $0x3  }
0x47: {  	v24 =	vshll.u32 v4, $0x1D;
	v3 =	vadd.s32 v3, v4;
	v26 =	vshrl.u32 v5, $0x6  }
0x48: {  	v2 =	vadd.s32 v2, v5;
	v5 =	vshll.u32 v5, $0x1A;
	v4 =	vor.u32 v7, v24  }
0x49: {  	v9 =	vxor.u32 v8, v9;
	v5 =	vor.u32 v26, v5;
	v4 =	vxor.u32 v3, v4  }
0x4a: {  	v47 =	vshrl.u32 v9, $0x3;
	v6 =	vshrl.u32 v4, $0x10;
	v7 =	vshll.u32 v4, $0x10  }
0x4b: {  	v48 =	vshll.u32 v9, $0x1D;
	v3 =	vadd.s32 v3, v4;
	v4 =	vor.u32 v6, v7  }
0x4c: {  	v8 =	vadd.s32 v8, v9;
	v5 =	vxor.u32 v2, v5;
	v4 =	vxor.u32 v3, v4  }
0x4d: {  	v49 =	vor.u32 v47, v48;
	v6 =	vshrl.u32 v4, $0x8;
	v7 =	vshll.u32 v4, $0x18  }
0x4e: {  	v2 =	vadd.s32 v2, v5;
	v3 =	vadd.s32 v3, v4;
	v4 =	vor.u32 v6, v7  }
0x4f: {  	v6 =	vshrl.u32 v5, $0x1A;
	v7 =	vshll.u32 v5, $0x6;
	v4 =	vxor.u32 v3, v4  }
0x50: {  	v9 =	vxor.u32 v8, v49;
	v5 =	vor.u32 v6, v7;
	v4 =	vadd.s32 $0xE1552D4C, v4  }
0x51: {  	v3 =	vadd.s32 v4, v3;
	v6 =	vshrl.u32 v4, $0x13;
	v4 =	vshll.u32 v4, $0xD  }
0x52: {  	v5 =	vxor.u32 v2, v5;
	v3 =	vadd.s32 $0xCDDB151D, v3;
	v4 =	vor.u32 v6, v4  }
0x53: {  	v51 =	vshrl.u32 v9, $0x10;
	v5 =	vadd.s32 $0xCDDB1520, v5;
	v4 =	vxor.u32 v3, v4  }
0x54: {  	v2 =	vadd.s32 v5, v2;
	v27 =	vshrl.u32 v5, $0xF;
	v6 =	vshrl.u32 v4, $0x11  }
0x55: {  	v7 =	vshll.u32 v4, $0xF;
	v3 =	vadd.s32 v3, v4;
	v4 =	vshll.u32 v5, $0x11  }
0x56: {  	v2 =	vadd.s32 $0x375F238F, v2;
	v5 =	vor.u32 v6, v7;
	v4 =	vor.u32 v27, v4  }
0x57: {  	s16 =	sshll.u32 s15, $0x13;
	v52 =	vshll.u32 v9, $0x10;
	v5 =	vxor.u32 v3, v5;
	v4 =	vxor.u32 v2, v4  }
0x58: {  	s31 =	sadd.s32 s7, s16;
	v6 =	vshrl.u32 v5, $0x6;
	v7 =	vshrl.u32 v4, $0x3;
	v28 =	vshll.u32 v4, $0x1D  }
0x59: {  	s17 =	sshrl.u32 s31, $0x3;
	v29 =	vshll.u32 v5, $0x1A;
	v2 =	vadd.s32 v2, v4;
	v7 =	vor.u32 v7, v28  }
0x5a: {  	s17 =	sadd.s32 s1, s17;
	v3 =	vadd.s32 v3, v5;
	v4 =	vor.u32 v6, v29;
	v5 =	vxor.u32 v2, v7  }
0x5b: {  	[tilespmem:s3], [sflag:$0x1] =	stream.linear.gather [hbm4b:s17+s3], $0x4000, $0x38;
	v4 =	vxor.u32 v3, v4;
	v6 =	vshrl.u32 v5, $0x10;
	v7 =	vshll.u32 v5, $0x10;
	[tilespmem:$0x4000] =	vst v63  }
0x5c: {  	_ =	swait.ge [sflag:s12], $0x4000;
	v30 =	vshrl.u32 v4, $0x1A;
	v2 =	vadd.s32 v2, v5;
	v5 =	vor.u32 v6, v7  }
0x5d: {  	[sflag:s12] =	ssyncset.done $0x0;
	v3 =	vadd.s32 v3, v4;
	v6 =	vshll.u32 v4, $0x6;
	v4 =	vxor.u32 v2, v5  }
0x5e: {  	s17 =	simm.s32 $0x10;
	[sflag:s12] =	ssyncadd.s32 $0xFFFFC000;
	v6 =	vor.u32 v30, v6;
	v7 =	vshrl.u32 v4, $0x8;
	v31 =	vshll.u32 v4, $0x18  }
0x5f: {  	v6 =	vxor.u32 v3, v6;
	v2 =	vadd.s32 v2, v4;
	v4 =	vor.u32 v7, v31;
	v7 =	vld [tilespmem:s17+$0xFFFFFFF0]  }
0x60: {  	v3 =	vadd.s32 $0xE1552D48, v3;
	v6 =	vadd.s32 $0x375F2394, v6;
	v4 =	vxor.u32 v2, v4  }
0x61: {  	v8 =	vadd.s32 v8, v9;
	v3 =	vxor.u32 v3, v6;
	v4 =	vadd.s32 $0xE1552D4C, v4  }
0x62: {  	v2 =	vadd.s32 v4, v2;
	v6 =	vshrl.u32 v4, $0x13;
	v4 =	vshll.u32 v4, $0xD  }
0x63: {  	v54 =	vor.u32 v51, v52;
	v32 =	vadd.s32 $0xCDDB151D, v2;
	v2 =	vor.u32 v6, v4  }
0x64: {  	v5 =	vld [tilespmem:s17+$0x0];
	v6 =	vxor.u32 v32, v2;
	v2 =	vmul.f32 $1.111111160e+00, v7;
	v7 =	vadd.s32 s19, v0  }
0x65: {  	v9 =	vxor.u32 v8, v54;
	v34 =	vshrl.u32 v7, $0x13;
	v7 =	vshll.u32 v7, $0xD  }
0x66: {  	v35 =	vadd.s32 s19, v1;
	v55 =	vshrl.u32 v9, $0x8;
	v7 =	vor.u32 v34, v7  }
0x67: {  	v56 =	vshll.u32 v9, $0x18;
	v8 =	vadd.s32 v8, v9;
	v7 =	vxor.u32 v35, v7  }
0x68: {  	v13 =	vshrl.u32 v7, $0x11;
	v10 =	vadd.s32 v35, v7;
	v7 =	vshll.u32 v7, $0xF  }
0x69: {  	v57 =	vor.u32 v55, v56;
	v5 =	vmul.f32 $1.111111160e+00, v5;
	v7 =	vor.u32 v13, v7  }
0x6a: {  	v9 =	vxor.u32 v8, v57;
	vm0 =	vgt.u32 v3, $0x199999FF;
	v7 =	vxor.u32 v10, v7  }
0x6b: {  	v3 =	vnsel vm0, $0x0, v5;
	v40 =	vshrl.u32 v7, $0x6;
	v41 =	vshll.u32 v7, $0x1A  }
0x6c: {  	v4 =	vadd.s32 v32, v6;
	v7 =	vadd.s32 v10, v7;
	v11 =	vor.u32 v40, v41  }
0x6d: {  	v5 =	vshrl.u32 v6, $0x11;
	v6 =	vshll.u32 v6, $0xF;
	v10 =	vxor.u32 v7, v11  }
0x6e: {  	v5 =	vor.u32 v5, v6;
	v6 =	vshrl.u32 v10, $0x1A;
	v46 =	vshll.u32 v10, $0x6  }
0x6f: {  	v9 =	vadd.s32 $0x375F2391, v9;
	v7 =	vadd.s32 v7, v10;
	v6 =	vor.u32 v6, v46  }
0x70: {  	v8 =	vadd.s32 v9, v8;
	v60 =	vshrl.u32 v9, $0x13;
	v6 =	vxor.u32 v7, v6  }
0x71: {  	v9 =	vshll.u32 v9, $0xD;
	v8 =	vadd.s32 $0xE1552D48, v8;
	v6 =	vadd.s32 $0xE1552D49, v6  }
0x72: {  	v7 =	vadd.s32 v6, v7;
	v53 =	vshrl.u32 v6, $0xF;
	v6 =	vshll.u32 v6, $0x11  }
0x73: {  	v9 =	vor.u32 v60, v9;
	v7 =	vadd.s32 $0xCDDB151D, v7;
	v6 =	vor.u32 v53, v6  }
0x74: {  	v9 =	vxor.u32 v8, v9;
	v6 =	vxor.u32 v7, v6  }
0x75: {  	v63 =	vshrl.u32 v9, $0x11;
	v58 =	vshrl.u32 v6, $0x3;
	v59 =	vshll.u32 v6, $0x1D  }
0x76: {  	v16 =	vshll.u32 v9, $0xF;
	v6 =	vadd.s32 v7, v6;
	v7 =	vor.u32 v58, v59  }
0x77: {  	v17 =	vor.u32 v63, v16;
	v5 =	vxor.u32 v4, v5;
	v7 =	vxor.u32 v6, v7  }
0x78: {  	v50 =	vshrl.u32 v5, $0x6;
	v61 =	vshrl.u32 v7, $0x10;
	v62 =	vshll.u32 v7, $0x10  }
0x79: {  	v6 =	vadd.s32 v6, v7;
	v7 =	vadd.s32 v8, v9;
	v11 =	vor.u32 v61, v62  }
0x7a: {  	v18 =	vshll.u32 v5, $0x1A;
	v8 =	vxor.u32 v7, v17;
	v11 =	vxor.u32 v6, v11  }
0x7b: {  	v20 =	vshrl.u32 v8, $0x6;
	v14 =	vshll.u32 v8, $0x1A;
	v7 =	vadd.s32 v7, v8  }
0x7c: {  	v19 =	vshrl.u32 v11, $0x8;
	v21 =	vshll.u32 v11, $0x18;
	v13 =	vor.u32 v20, v14  }
0x7d: {  	v6 =	vadd.s32 v6, v11;
	v8 =	vor.u32 v19, v21;
	v22 =	vxor.u32 v7, v13  }
0x7e: {  	v8 =	vxor.u32 v6, v8;
	v23 =	vshrl.u32 v22, $0x1A;
	v13 =	vshll.u32 v22, $0x6  }
0x7f: {  	v7 =	vadd.s32 v7, v22;
	v8 =	vadd.s32 $0x375F2391, v8;
	v24 =	vor.u32 v23, v13  }
0x80: {  	v4 =	vadd.s32 v4, v5;
	v6 =	vadd.s32 v8, v6;
	v11 =	vxor.u32 v7, v24  }
0x81: {  	v25 =	vshrl.u32 v8, $0x13;
	v8 =	vshll.u32 v8, $0xD;
	v11 =	vadd.s32 $0xCDDB1520, v11  }
0x82: {  	v6 =	vadd.s32 $0xE1552D48, v6;
	v8 =	vor.u32 v25, v8;
	v7 =	vadd.s32 v11, v7  }
0x83: {  	v26 =	vshrl.u32 v11, $0xF;
	v11 =	vshll.u32 v11, $0x11;
	v8 =	vxor.u32 v6, v8  }
0x84: {  	v7 =	vadd.s32 $0x375F238F, v7;
	v11 =	vor.u32 v26, v11;
	v28 =	vshrl.u32 v8, $0x11  }
0x85: {  	s19 =	simm.s32 $0x30;
	[tilespmem:s17+$0x0] =	vst v3;
	v31 =	vshll.u32 v8, $0xF;
	v6 =	vadd.s32 v6, v8;
	v27 =	vxor.u32 v7, v11  }
0x86: {  	v52 =	vld [tilespmem:s19+$0x0];
	v33 =	vor.u32 v28, v31;
	v29 =	vshrl.u32 v27, $0x3;
	v30 =	vshll.u32 v27, $0x1D  }
0x87: {  	v7 =	vadd.s32 v7, v27;
	v8 =	vxor.u32 v6, v33;
	v32 =	vor.u32 v29, v30  }
0x88: {  	v36 =	vshrl.u32 v8, $0x6;
	v6 =	vadd.s32 v6, v8;
	v10 =	vxor.u32 v7, v32  }
0x89: {  	v8 =	vshll.u32 v8, $0x1A;
	v34 =	vshrl.u32 v10, $0x10;
	v35 =	vshll.u32 v10, $0x10  }
0x8a: {  	v8 =	vor.u32 v36, v8;
	v7 =	vadd.s32 v7, v10;
	v37 =	vor.u32 v34, v35  }
0x8b: {  	v59 =	vmul.f32 $1.111111160e+00, v52;
	v8 =	vxor.u32 v6, v8;
	v10 =	vxor.u32 v7, v37  }
0x8c: {  	v5 =	vshrl.u32 v8, $0x1A;
	v38 =	vshrl.u32 v10, $0x8;
	v39 =	vshll.u32 v10, $0x18  }
0x8d: {  	v41 =	vshll.u32 v8, $0x6;
	v7 =	vadd.s32 v7, v10;
	v40 =	vor.u32 v38, v39  }
0x8e: {  	v6 =	vadd.s32 v6, v8;
	v5 =	vor.u32 v5, v41;
	v10 =	vxor.u32 v7, v40  }
0x8f: {  	v9 =	vor.u32 v50, v18;
	v5 =	vxor.u32 v6, v5;
	v42 =	vadd.s32 $0xE1552D4C, v10  }
0x90: {  	v7 =	vadd.s32 v42, v7;
	v10 =	vshrl.u32 v42, $0x13;
	v8 =	vshll.u32 v42, $0xD  }
0x91: {  	v5 =	vadd.s32 $0xCDDB1520, v5;
	v7 =	vadd.s32 $0xCDDB151D, v7;
	v8 =	vor.u32 v10, v8  }
0x92: {  	v9 =	vxor.u32 v4, v9;
	v6 =	vadd.s32 v5, v6;
	v8 =	vxor.u32 v7, v8  }
0x93: {  	v46 =	vshrl.u32 v5, $0xF;
	v43 =	vshrl.u32 v8, $0x11;
	v44 =	vshll.u32 v8, $0xF  }
0x94: {  	v5 =	vshll.u32 v5, $0x11;
	v7 =	vadd.s32 v7, v8;
	v45 =	vor.u32 v43, v44  }
0x95: {  	v6 =	vadd.s32 $0x375F238F, v6;
	v5 =	vor.u32 v46, v5;
	v8 =	vxor.u32 v7, v45  }
0x96: {  	v5 =	vxor.u32 v6, v5;
	v47 =	vshrl.u32 v8, $0x6;
	v48 =	vshll.u32 v8, $0x1A  }
0x97: {  	v50 =	vshrl.u32 v5, $0x3;
	v7 =	vadd.s32 v7, v8;
	v49 =	vor.u32 v47, v48  }
0x98: {  	v51 =	vshll.u32 v5, $0x1D;
	v5 =	vadd.s32 v6, v5;
	v8 =	vxor.u32 v7, v49  }
0x99: {  	v10 =	vor.u32 v50, v51;
	v53 =	vshrl.u32 v8, $0x1A;
	v54 =	vshll.u32 v8, $0x6  }
0x9a: {  	v55 =	vxor.u32 v5, v10;
	v6 =	vadd.s32 v7, v8;
	v7 =	vor.u32 v53, v54  }
0x9b: {  	v3 =	vshrl.u32 v9, $0x1A;
	v57 =	vshrl.u32 v55, $0x10;
	v7 =	vxor.u32 v6, v7  }
0x9c: {  	v58 =	vshll.u32 v55, $0x10;
	v6 =	vadd.s32 $0xE1552D48, v6;
	v7 =	vadd.s32 $0x375F2394, v7  }
0x9d: {  	v5 =	vadd.s32 v5, v55;
	v6 =	vxor.u32 v6, v7;
	v7 =	vor.u32 v57, v58  }
0x9e: {  	v56 =	vshll.u32 v9, $0x6;
	vm0 =	vgt.u32 v6, $0x199999FF;
	v6 =	vxor.u32 v5, v7  }
0x9f: {  	v4 =	vadd.s32 v4, v9;
	v7 =	vshrl.u32 v6, $0x8;
	v60 =	vshll.u32 v6, $0x18  }
0xa0: {  	v61 =	vld [tilespmem:s19+$0xFFFFFFF0];
	v3 =	vor.u32 v3, v56;
	v5 =	vadd.s32 v5, v6;
	v6 =	vor.u32 v7, v60  }
0xa1: {  	v62 =	vadd.s32 $0xE1552D48, v4;
	v3 =	vxor.u32 v4, v3;
	v6 =	vxor.u32 v5, v6  }
0xa2: {  	v3 =	vadd.s32 $0x375F2394, v3;
	v7 =	vnsel vm0, $0x0, v59;
	v4 =	vadd.s32 $0xE1552D4C, v6  }
0xa3: {  	v5 =	vadd.s32 v4, v5;
	v6 =	vshrl.u32 v4, $0x13;
	v63 =	vshll.u32 v4, $0xD  }
0xa4: {  	v4 =	vadd.s32 $0xCDDB151D, v5;
	v5 =	vor.u32 v6, v63;
	v6 =	vxor.u32 v62, v3  }
0xa5: {  	s21 =	sadd.s32 $0xFFFFC040, s14;
	s20 =	simm.s32 $0xFFFFC060;
	s18 =	simm.s32 $0x30;
	[tilespmem:s19+$0x0] =	vst v7;
	v3 =	vmul.f32 $1.111111160e+00, v61;
	v5 =	vxor.u32 v4, v5;
	vm0 =	vgt.u32 v6, $0x199999FF  }
.LBB2_3:
0xa6: {  	p1 =	sne.s32 s20, $0xFFFFFFE0;
	s22 =	sadd.s32 $0x384000, s21;
	s21 =	sadd.s32 $0x384010, s21;
	v4 =	vadd.s32 v4, v5;
	v6 =	vshrl.u32 v5, $0x11;
	v5 =	vshll.u32 v5, $0xF  }
0xa7: {  	v7 =	vadd.s32 s22, v0;
	v8 =	vadd.s32 s22, v1;
	v9 =	vadd.s32 s21, v0  }
0xa8: {  	v10 =	vshrl.u32 v7, $0x13;
	v11 =	vshrl.u32 v9, $0x13;
	v9 =	vshll.u32 v9, $0xD  }
0xa9: {  	v12 =	vadd.s32 s21, v1;
	v7 =	vshll.u32 v7, $0xD;
	v9 =	vor.u32 v11, v9  }
0xaa: {  	v5 =	vor.u32 v6, v5;
	v7 =	vor.u32 v10, v7;
	v9 =	vxor.u32 v12, v9  }
0xab: {  	v6 =	vxor.u32 v8, v7;
	v7 =	vshrl.u32 v9, $0x11;
	v10 =	vshll.u32 v9, $0xF  }
0xac: {  	v11 =	vshrl.u32 v6, $0x11;
	v9 =	vadd.s32 v12, v9;
	v7 =	vor.u32 v7, v10  }
0xad: {  	v8 =	vadd.s32 v8, v6;
	v6 =	vshll.u32 v6, $0xF;
	v7 =	vxor.u32 v9, v7  }
0xae: {  	v6 =	vor.u32 v11, v6;
	v10 =	vshrl.u32 v7, $0x6;
	v11 =	vshll.u32 v7, $0x1A  }
0xaf: {  	v6 =	vxor.u32 v8, v6;
	v7 =	vadd.s32 v9, v7;
	v9 =	vor.u32 v10, v11  }
0xb0: {  	v10 =	vshrl.u32 v6, $0x6;
	v11 =	vshll.u32 v6, $0x1A;
	v9 =	vxor.u32 v7, v9  }
0xb1: {  	v10 =	vor.u32 v10, v11;
	v11 =	vshrl.u32 v9, $0x1A;
	v12 =	vshll.u32 v9, $0x6  }
0xb2: {  	v6 =	vadd.s32 v8, v6;
	v7 =	vadd.s32 v7, v9;
	v8 =	vor.u32 v11, v12  }
0xb3: {  	v5 =	vxor.u32 v4, v5;
	v9 =	vxor.u32 v6, v10;
	v8 =	vxor.u32 v7, v8  }
0xb4: {  	v10 =	vshrl.u32 v9, $0x1A;
	v11 =	vshll.u32 v9, $0x6;
	v8 =	vadd.s32 $0xE1552D49, v8  }
0xb5: {  	v7 =	vadd.s32 v8, v7;
	v12 =	vshrl.u32 v8, $0xF;
	v8 =	vshll.u32 v8, $0x11  }
0xb6: {  	v10 =	vor.u32 v10, v11;
	v7 =	vadd.s32 $0xCDDB151D, v7;
	v8 =	vor.u32 v12, v8  }
0xb7: {  	v6 =	vadd.s32 v6, v9;
	v9 =	vshrl.u32 v5, $0x6;
	v8 =	vxor.u32 v7, v8  }
0xb8: {  	v10 =	vxor.u32 v6, v10;
	v11 =	vshrl.u32 v8, $0x3;
	v12 =	vshll.u32 v8, $0x1D  }
0xb9: {  	v10 =	vadd.s32 $0xE1552D49, v10;
	v7 =	vadd.s32 v7, v8;
	v8 =	vor.u32 v11, v12  }
0xba: {  	v6 =	vadd.s32 v10, v6;
	v11 =	vshrl.u32 v10, $0xF;
	v8 =	vxor.u32 v7, v8  }
0xbb: {  	v10 =	vshll.u32 v10, $0x11;
	v12 =	vshrl.u32 v8, $0x10;
	v13 =	vshll.u32 v8, $0x10  }
0xbc: {  	v6 =	vadd.s32 $0xCDDB151D, v6;
	v7 =	vadd.s32 v7, v8;
	v8 =	vor.u32 v12, v13  }
0xbd: {  	v10 =	vor.u32 v11, v10;
	v11 =	vshll.u32 v5, $0x1A;
	v8 =	vxor.u32 v7, v8  }
0xbe: {  	v10 =	vxor.u32 v6, v10;
	v12 =	vshrl.u32 v8, $0x8;
	v13 =	vshll.u32 v8, $0x18  }
0xbf: {  	v14 =	vshrl.u32 v10, $0x3;
	v7 =	vadd.s32 v7, v8;
	v8 =	vor.u32 v12, v13  }
0xc0: {  	v6 =	vadd.s32 v6, v10;
	v10 =	vshll.u32 v10, $0x1D;
	v8 =	vxor.u32 v7, v8  }
0xc1: {  	v9 =	vor.u32 v9, v11;
	v10 =	vor.u32 v14, v10;
	v8 =	vadd.s32 $0x375F2391, v8  }
0xc2: {  	v7 =	vadd.s32 v8, v7;
	v11 =	vshrl.u32 v8, $0x13;
	v8 =	vshll.u32 v8, $0xD  }
0xc3: {  	v10 =	vxor.u32 v6, v10;
	v7 =	vadd.s32 $0xE1552D48, v7;
	v8 =	vor.u32 v11, v8  }
0xc4: {  	v12 =	vshll.u32 v10, $0x10;
	v11 =	vshrl.u32 v10, $0x10;
	v8 =	vxor.u32 v7, v8  }
0xc5: {  	v11 =	vor.u32 v11, v12;
	v12 =	vshrl.u32 v8, $0x11;
	v13 =	vshll.u32 v8, $0xF  }
0xc6: {  	v6 =	vadd.s32 v6, v10;
	v7 =	vadd.s32 v7, v8;
	v8 =	vor.u32 v12, v13  }
0xc7: {  	v4 =	vadd.s32 v4, v5;
	v10 =	vxor.u32 v6, v11;
	v8 =	vxor.u32 v7, v8  }
0xc8: {  	v5 =	vshrl.u32 v10, $0x8;
	v11 =	vshrl.u32 v8, $0x6;
	v12 =	vshll.u32 v8, $0x1A  }
0xc9: {  	v13 =	vshll.u32 v10, $0x18;
	v7 =	vadd.s32 v7, v8;
	v8 =	vor.u32 v11, v12  }
0xca: {  	v6 =	vadd.s32 v6, v10;
	v5 =	vor.u32 v5, v13;
	v8 =	vxor.u32 v7, v8  }
0xcb: {  	v5 =	vxor.u32 v6, v5;
	v10 =	vshrl.u32 v8, $0x1A;
	v11 =	vshll.u32 v8, $0x6  }
0xcc: {  	v5 =	vadd.s32 $0x375F2391, v5;
	v7 =	vadd.s32 v7, v8;
	v8 =	vor.u32 v10, v11  }
0xcd: {  	v6 =	vadd.s32 v5, v6;
	v10 =	vshrl.u32 v5, $0x13;
	v8 =	vxor.u32 v7, v8  }
0xce: {  	v6 =	vadd.s32 $0xE1552D48, v6;
	v5 =	vshll.u32 v5, $0xD;
	v8 =	vadd.s32 $0xCDDB1520, v8  }
0xcf: {  	v7 =	vadd.s32 v8, v7;
	v11 =	vshrl.u32 v8, $0xF;
	v8 =	vshll.u32 v8, $0x11  }
0xd0: {  	v5 =	vor.u32 v10, v5;
	v7 =	vadd.s32 $0x375F238F, v7;
	v8 =	vor.u32 v11, v8  }
0xd1: {  	v9 =	vxor.u32 v4, v9;
	v5 =	vxor.u32 v6, v5;
	v8 =	vxor.u32 v7, v8  }
0xd2: {  	v10 =	vshrl.u32 v5, $0x11;
	v11 =	vshrl.u32 v8, $0x3;
	v12 =	vshll.u32 v8, $0x1D  }
0xd3: {  	v13 =	vshll.u32 v5, $0xF;
	v7 =	vadd.s32 v7, v8;
	v8 =	vor.u32 v11, v12  }
0xd4: {  	v5 =	vadd.s32 v6, v5;
	v6 =	vor.u32 v10, v13;
	v8 =	vxor.u32 v7, v8  }
0xd5: {  	v6 =	vxor.u32 v5, v6;
	v10 =	vshrl.u32 v8, $0x10;
	v11 =	vshll.u32 v8, $0x10  }
0xd6: {  	v12 =	vshrl.u32 v6, $0x6;
	v7 =	vadd.s32 v7, v8;
	v8 =	vor.u32 v10, v11  }
0xd7: {  	v5 =	vadd.s32 v5, v6;
	v6 =	vshll.u32 v6, $0x1A;
	v8 =	vxor.u32 v7, v8  }
0xd8: {  	v6 =	vor.u32 v12, v6;
	v10 =	vshrl.u32 v8, $0x8;
	v11 =	vshll.u32 v8, $0x18  }
0xd9: {  	v6 =	vxor.u32 v5, v6;
	v7 =	vadd.s32 v7, v8;
	v8 =	vor.u32 v10, v11  }
0xda: {  	v10 =	vshrl.u32 v6, $0x1A;
	v11 =	vshll.u32 v6, $0x6;
	v8 =	vxor.u32 v7, v8  }
0xdb: {  	v5 =	vadd.s32 v5, v6;
	v6 =	vor.u32 v10, v11;
	v8 =	vadd.s32 $0xE1552D4C, v8  }
0xdc: {  	v7 =	vadd.s32 v8, v7;
	v10 =	vshrl.u32 v8, $0x13;
	v8 =	vshll.u32 v8, $0xD  }
0xdd: {  	v6 =	vxor.u32 v5, v6;
	v7 =	vadd.s32 $0xCDDB151D, v7;
	v8 =	vor.u32 v10, v8  }
0xde: {  	v6 =	vadd.s32 $0xCDDB1520, v6;
	v10 =	vshrl.u32 v9, $0x1A;
	v8 =	vxor.u32 v7, v8  }
0xdf: {  	v5 =	vadd.s32 v6, v5;
	v11 =	vshrl.u32 v8, $0x11;
	v12 =	vshll.u32 v8, $0xF  }
0xe0: {  	v13 =	vshrl.u32 v6, $0xF;
	v7 =	vadd.s32 v7, v8;
	v8 =	vor.u32 v11, v12  }
0xe1: {  	v6 =	vshll.u32 v6, $0x11;
	v5 =	vadd.s32 $0x375F238F, v5;
	v8 =	vxor.u32 v7, v8  }
0xe2: {  	v6 =	vor.u32 v13, v6;
	v11 =	vshrl.u32 v8, $0x6;
	v12 =	vshll.u32 v8, $0x1A  }
0xe3: {  	s19 =	sadd.s32 $0x20, s19;
	v6 =	vxor.u32 v5, v6;
	v7 =	vadd.s32 v7, v8;
	v8 =	vor.u32 v11, v12  }
0xe4: {  	v11 =	vshrl.u32 v6, $0x3;
	v12 =	vshll.u32 v6, $0x1D;
	v8 =	vxor.u32 v7, v8;
	v13 =	vld [tilespmem:s19+$0x0]  }
0xe5: {  	v11 =	vor.u32 v11, v12;
	v12 =	vld [tilespmem:s19+$0xFFFFFFF0];
	v14 =	vshrl.u32 v8, $0x1A;
	v15 =	vshll.u32 v8, $0x6  }
0xe6: {  	v5 =	vadd.s32 v5, v6;
	v6 =	vadd.s32 v7, v8;
	v7 =	vor.u32 v14, v15  }
0xe7: {  	v8 =	vxor.u32 v5, v11;
	v11 =	vshll.u32 v9, $0x6;
	v7 =	vxor.u32 v6, v7  }
0xe8: {  	v14 =	vshrl.u32 v8, $0x10;
	v6 =	vadd.s32 $0xE1552D48, v6;
	v7 =	vadd.s32 $0x375F2394, v7  }
0xe9: {  	v15 =	vshll.u32 v8, $0x10;
	v6 =	vxor.u32 v6, v7;
	v7 =	vmul.f32 $1.111111160e+00, v13  }
0xea: {  	v5 =	vadd.s32 v5, v8;
	v8 =	vor.u32 v14, v15;
	vm1 =	vgt.u32 v6, $0x199999FF  }
0xeb: {  	v6 =	vxor.u32 v5, v8;
	v8 =	vor.u32 v10, v11;
	v7 =	vnsel vm1, $0x0, v7  }
0xec: {  	v5 =	vadd.s32 v5, v6;
	v10 =	vshrl.u32 v6, $0x8;
	v6 =	vshll.u32 v6, $0x18;
	[tilespmem:s19+$0x0] =	vst v7  }
0xed: {  	v4 =	vadd.s32 v4, v9;
	v6 =	vor.u32 v10, v6;
	v7 =	vmul.f32 $1.111111160e+00, v12  }
.Ltmp2:
0xee: {  	v9 =	vadd.s32 $0xE1552D48, v4;
	v8 =	vxor.u32 v4, v8;
	v6 =	vxor.u32 v5, v6;
	(pc) =	sbr.rel @p1 .LBB2_3-.Ltmp2, $4  }
0xef: {  	v4 =	vadd.s32 $0xE1552D4C, v6;
	v6 =	vadd.s32 $0x375F2394, v8;
	v8 =	vnsel vm0, $0x0, v2;
	v2 =	vmovc v3;
	v3 =	vmovc v7  }
0xf0: {  	v5 =	vadd.s32 v4, v5;
	v7 =	vshrl.u32 v4, $0x13;
	v10 =	vshll.u32 v4, $0xD;
	[tilespmem:s17+$0xFFFFFFF0] =	vst v8;
	s17 =	smov.u32 s18;
	s18 =	smov.u32 s19  }
0xf1: {  	v6 =	vxor.u32 v9, v6;
	v4 =	vadd.s32 $0xCDDB151D, v5;
	v5 =	vor.u32 v7, v10  }
0xf2: {  	s21 =	sadd.s32 s20, s14;
	s20 =	sadd.s32 $0x20, s20;
	vm0 =	vgt.u32 v6, $0x199999FF;
	v5 =	vxor.u32 v4, v5  }
0xf3: {  	s20 =	sadd.s32 $0x384000, s21;
	s31 =	sadd.s32 $0x384010, s21;
	v4 =	vadd.s32 v4, v5  }
0xf4: {  	v6 =	vshrl.u32 v5, $0x11;
	v7 =	vadd.s32 s20, v0;
	v8 =	vadd.s32 s31, v0  }
0xf5: {  	v11 =	vadd.s32 s31, v1;
	v10 =	vshrl.u32 v8, $0x13;
	v8 =	vshll.u32 v8, $0xD  }
0xf6: {  	v9 =	vshrl.u32 v7, $0x13;
	v7 =	vshll.u32 v7, $0xD;
	v8 =	vor.u32 v10, v8  }
0xf7: {  	v59 =	vadd.s32 s20, v1;
	v7 =	vor.u32 v9, v7;
	v8 =	vxor.u32 v11, v8  }
0xf8: {  	v58 =	vshll.u32 v5, $0xF;
	v7 =	vxor.u32 v59, v7;
	v60 =	vshrl.u32 v8, $0x11  }
0xf9: {  	v12 =	vshll.u32 v8, $0xF;
	v13 =	vshrl.u32 v7, $0x11;
	v8 =	vadd.s32 v11, v8  }
0xfa: {  	v10 =	vadd.s32 v59, v7;
	v7 =	vshll.u32 v7, $0xF;
	v9 =	vor.u32 v60, v12  }
0xfb: {  	v5 =	vor.u32 v6, v58;
	v7 =	vor.u32 v13, v7;
	v9 =	vxor.u32 v8, v9  }
0xfc: {  	v7 =	vxor.u32 v10, v7;
	v61 =	vshrl.u32 v9, $0x6;
	v62 =	vshll.u32 v9, $0x1A  }
0xfd: {  	v8 =	vadd.s32 v8, v9;
	v16 =	vshrl.u32 v7, $0x6;
	v63 =	vor.u32 v61, v62  }
0xfe: {  	v17 =	vshll.u32 v7, $0x1A;
	v7 =	vadd.s32 v10, v7;
	v9 =	vxor.u32 v8, v63  }
0xff: {  	v11 =	vor.u32 v16, v17;
	v18 =	vshrl.u32 v9, $0x1A;
	v19 =	vshll.u32 v9, $0x6  }
0x100: {  	v21 =	vxor.u32 v7, v11;
	v8 =	vadd.s32 v8, v9;
	v20 =	vor.u32 v18, v19  }
0x101: {  	v22 =	vshrl.u32 v21, $0x1A;
	v24 =	vshll.u32 v21, $0x6;
	v9 =	vxor.u32 v8, v20  }
0x102: {  	v6 =	vadd.s32 v7, v21;
	v10 =	vor.u32 v22, v24;
	v9 =	vadd.s32 $0xE1552D49, v9  }
0x103: {  	v8 =	vadd.s32 v9, v8;
	v23 =	vshrl.u32 v9, $0xF;
	v9 =	vshll.u32 v9, $0x11  }
0x104: {  	v26 =	vxor.u32 v6, v10;
	v8 =	vadd.s32 $0xCDDB151D, v8;
	v9 =	vor.u32 v23, v9  }
0x105: {  	v25 =	vxor.u32 v8, v9;
	v9 =	vadd.s32 $0xE1552D49, v26  }
0x106: {  	v27 =	vshrl.u32 v25, $0x3;
	v28 =	vshll.u32 v25, $0x1D;
	v7 =	vadd.s32 v8, v25  }
0x107: {  	v6 =	vadd.s32 v9, v6;
	v31 =	vshrl.u32 v9, $0xF;
	v9 =	vshll.u32 v9, $0x11  }
0x108: {  	v29 =	vor.u32 v27, v28;
	v6 =	vadd.s32 $0xCDDB151D, v6;
	v9 =	vor.u32 v31, v9  }
0x109: {  	v8 =	vxor.u32 v7, v29;
	v9 =	vxor.u32 v6, v9  }
0x10a: {  	v32 =	vshrl.u32 v8, $0x10;
	v33 =	vshll.u32 v8, $0x10;
	v7 =	vadd.s32 v7, v8  }
0x10b: {  	v39 =	vshrl.u32 v9, $0x3;
	v40 =	vshll.u32 v9, $0x1D;
	v34 =	vor.u32 v32, v33  }
0x10c: {  	v6 =	vadd.s32 v6, v9;
	v41 =	vor.u32 v39, v40;
	v8 =	vxor.u32 v7, v34  }
0x10d: {  	v9 =	vxor.u32 v6, v41;
	v36 =	vshrl.u32 v8, $0x8;
	v37 =	vshll.u32 v8, $0x18  }
0x10e: {  	v7 =	vadd.s32 v7, v8;
	v43 =	vshrl.u32 v9, $0x10;
	v44 =	vshll.u32 v9, $0x10  }
0x10f: {  	v6 =	vadd.s32 v6, v9;
	v38 =	vor.u32 v36, v37;
	v12 =	vor.u32 v43, v44  }
0x110: {  	v5 =	vxor.u32 v4, v5;
	v8 =	vxor.u32 v7, v38;
	v48 =	vxor.u32 v6, v12  }
0x111: {  	v30 =	vshrl.u32 v5, $0x6;
	v8 =	vadd.s32 $0x375F2391, v8;
	v49 =	vshrl.u32 v48, $0x8  }
0x112: {  	v52 =	vshll.u32 v48, $0x18;
	v6 =	vadd.s32 v6, v48;
	v7 =	vadd.s32 v8, v7  }
0x113: {  	v42 =	vshrl.u32 v8, $0x13;
	v8 =	vshll.u32 v8, $0xD;
	v54 =	vor.u32 v49, v52  }
0x114: {  	v7 =	vadd.s32 $0xE1552D48, v7;
	v8 =	vor.u32 v42, v8;
	v10 =	vxor.u32 v6, v54  }
0x115: {  	v35 =	vshll.u32 v5, $0x1A;
	v8 =	vxor.u32 v7, v8;
	v10 =	vadd.s32 $0x375F2391, v10  }
0x116: {  	v45 =	vshrl.u32 v8, $0x11;
	v14 =	vshll.u32 v8, $0xF;
	v7 =	vadd.s32 v7, v8  }
0x117: {  	v6 =	vadd.s32 v10, v6;
	v58 =	vshrl.u32 v10, $0x13;
	v10 =	vshll.u32 v10, $0xD  }
0x118: {  	v46 =	vor.u32 v45, v14;
	v6 =	vadd.s32 $0xE1552D48, v6;
	v10 =	vor.u32 v58, v10  }
0x119: {  	v4 =	vadd.s32 v4, v5;
	v8 =	vxor.u32 v7, v46;
	v60 =	vxor.u32 v6, v10  }
0x11a: {  	v50 =	vshrl.u32 v8, $0x6;
	v51 =	vshll.u32 v8, $0x1A;
	v7 =	vadd.s32 v7, v8  }
0x11b: {  	v10 =	vshrl.u32 v60, $0x11;
	v63 =	vshll.u32 v60, $0xF;
	v53 =	vor.u32 v50, v51  }
0x11c: {  	v5 =	vadd.s32 v6, v60;
	v16 =	vor.u32 v10, v63;
	v8 =	vxor.u32 v7, v53  }
0x11d: {  	v6 =	vxor.u32 v5, v16;
	v55 =	vshrl.u32 v8, $0x1A;
	v56 =	vshll.u32 v8, $0x6  }
0x11e: {  	v19 =	vshrl.u32 v6, $0x6;
	v5 =	vadd.s32 v5, v6;
	v6 =	vshll.u32 v6, $0x1A  }
0x11f: {  	v7 =	vadd.s32 v7, v8;
	v57 =	vor.u32 v55, v56;
	v6 =	vor.u32 v19, v6  }
0x120: {  	v2 =	vnsel vm0, $0x0, v2;
	v8 =	vxor.u32 v7, v57;
	v6 =	vxor.u32 v5, v6  }
0x121: {  	v47 =	vor.u32 v30, v35;
	v8 =	vadd.s32 $0xCDDB1520, v8;
	v24 =	vshrl.u32 v6, $0x1A  }
0x122: {  	v25 =	vshll.u32 v6, $0x6;
	v5 =	vadd.s32 v5, v6;
	v7 =	vadd.s32 v8, v7  }
0x123: {  	v59 =	vshrl.u32 v8, $0xF;
	v8 =	vshll.u32 v8, $0x11;
	v26 =	vor.u32 v24, v25  }
0x124: {  	v7 =	vadd.s32 $0x375F238F, v7;
	v8 =	vor.u32 v59, v8;
	v6 =	vxor.u32 v5, v26  }
0x125: {  	v9 =	vxor.u32 v4, v47;
	v8 =	vxor.u32 v7, v8;
	v6 =	vadd.s32 $0xCDDB1520, v6  }
0x126: {  	v61 =	vshrl.u32 v8, $0x3;
	v62 =	vshll.u32 v8, $0x1D;
	v7 =	vadd.s32 v7, v8  }
0x127: {  	v5 =	vadd.s32 v6, v5;
	v28 =	vshrl.u32 v6, $0xF;
	v15 =	vor.u32 v61, v62  }
0x128: {  	v6 =	vshll.u32 v6, $0x11;
	v5 =	vadd.s32 $0x375F238F, v5;
	v8 =	vxor.u32 v7, v15  }
0x129: {  	v6 =	vor.u32 v28, v6;
	v17 =	vshrl.u32 v8, $0x10;
	v18 =	vshll.u32 v8, $0x10  }
0x12a: {  	v6 =	vxor.u32 v5, v6;
	v7 =	vadd.s32 v7, v8;
	v20 =	vor.u32 v17, v18  }
0x12b: {  	v30 =	vshrl.u32 v6, $0x3;
	v31 =	vshll.u32 v6, $0x1D;
	v8 =	vxor.u32 v7, v20  }
0x12c: {  	v5 =	vadd.s32 v5, v6;
	v21 =	vshrl.u32 v8, $0x8;
	v22 =	vshll.u32 v8, $0x18  }
0x12d: {  	v11 =	vor.u32 v30, v31;
	v7 =	vadd.s32 v7, v8;
	v23 =	vor.u32 v21, v22  }
0x12e: {  	v4 =	vadd.s32 v4, v9;
	v35 =	vxor.u32 v5, v11;
	v8 =	vxor.u32 v7, v23  }
0x12f: {  	v45 =	vshrl.u32 v9, $0x1A;
	v36 =	vshrl.u32 v35, $0x10;
	v8 =	vadd.s32 $0xE1552D4C, v8  }
0x130: {  	v7 =	vadd.s32 v8, v7;
	v27 =	vshrl.u32 v8, $0x13;
	v8 =	vshll.u32 v8, $0xD  }
0x131: {  	v11 =	vshll.u32 v35, $0x10;
	v7 =	vadd.s32 $0xCDDB151D, v7;
	v8 =	vor.u32 v27, v8  }
0x132: {  	v5 =	vadd.s32 v5, v35;
	v38 =	vor.u32 v36, v11;
	v8 =	vxor.u32 v7, v8  }
0x133: {  	v40 =	vxor.u32 v5, v38;
	v29 =	vshrl.u32 v8, $0x11;
	v32 =	vshll.u32 v8, $0xF  }
0x134: {  	v42 =	vshrl.u32 v40, $0x8;
	v33 =	vadd.s32 v7, v8;
	v34 =	vor.u32 v29, v32  }
0x135: {  	v43 =	vshll.u32 v40, $0x18;
	v5 =	vadd.s32 v5, v40;
	v7 =	vxor.u32 v33, v34  }
0x136: {  	v44 =	vor.u32 v42, v43;
	v37 =	vshrl.u32 v7, $0x6;
	v39 =	vshll.u32 v7, $0x1A  }
0x137: {  	v6 =	vadd.s32 v33, v7;
	v7 =	vxor.u32 v5, v44;
	v41 =	vor.u32 v37, v39  }
0x138: {  	v50 =	vshll.u32 v9, $0x6;
	v7 =	vadd.s32 $0xE1552D4C, v7;
	v8 =	vxor.u32 v6, v41  }
0x139: {  	v5 =	vadd.s32 v7, v5;
	v49 =	vshrl.u32 v7, $0x13;
	v7 =	vshll.u32 v7, $0xD  }
0x13a: {  	v46 =	vshrl.u32 v8, $0x1A;
	v5 =	vadd.s32 $0xCDDB151D, v5;
	v7 =	vor.u32 v49, v7  }
0x13b: {  	s19 =	sadd.s32 $0x20, s19;
	v47 =	vshll.u32 v8, $0x6;
	v6 =	vadd.s32 v6, v8;
	v7 =	vxor.u32 v5, v7  }
0x13c: {  	v48 =	vld [tilespmem:s19+$0x0];
	v11 =	vor.u32 v46, v47;
	v52 =	vshrl.u32 v7, $0x11;
	v15 =	vshll.u32 v7, $0xF  }
0x13d: {  	v11 =	vxor.u32 v6, v11;
	v5 =	vadd.s32 v5, v7;
	v53 =	vor.u32 v52, v15  }
0x13e: {  	v6 =	vadd.s32 $0xE1552D48, v6;
	v11 =	vadd.s32 $0x375F2394, v11;
	v7 =	vxor.u32 v5, v53  }
0x13f: {  	v6 =	vxor.u32 v6, v11;
	v54 =	vshrl.u32 v7, $0x6;
	v55 =	vshll.u32 v7, $0x1A  }
0x140: {  	vm1 =	vgt.u32 v6, $0x199999FF;
	v5 =	vadd.s32 v5, v7;
	v6 =	vor.u32 v54, v55  }
0x141: {  	v51 =	vld [tilespmem:s19+$0xFFFFFFF0];
	v56 =	vor.u32 v45, v50;
	v8 =	vmul.f32 $1.111111160e+00, v48;
	v6 =	vxor.u32 v5, v6  }
0x142: {  	v7 =	vxor.u32 v4, v56;
	v58 =	vshrl.u32 v6, $0x1A;
	v59 =	vshll.u32 v6, $0x6  }
0x143: {  	v4 =	vadd.s32 $0xE1552D48, v4;
	v5 =	vadd.s32 v5, v6;
	v9 =	vor.u32 v58, v59  }
0x144: {  	v8 =	vnsel vm1, $0x0, v8;
	v60 =	vadd.s32 $0x375F2394, v7;
	v61 =	vxor.u32 v5, v9  }
0x145: {  	v4 =	vxor.u32 v4, v60;
	v5 =	vadd.s32 $0xE1552D48, v5;
	v62 =	vadd.s32 $0x375F2394, v61  }
0x146: {  	v57 =	vmul.f32 $1.111111160e+00, v51;
	[tilespmem:s19+$0x0] =	vst v8;
	vm14 =	vgt.u32 v4, $0x199999FF;
	v63 =	vxor.u32 v5, v62  }
0x147: {  	s16 =	sor.u32 s5, s16;
	s15 =	sadd.s32 $0x1, s15;
	[tilespmem:s17+$0xFFFFFFF0] =	vst v2;
	v2 =	vnsel vm14, $0x0, v3;
	vm15 =	vgt.u32 v63, $0x199999FF  }
0x148: {  	s16 =	sshrl.u32 s16, $0x3;
	p1 =	sne.s32 s15, s6;
	[tilespmem:s18+$0xFFFFFFF0] =	vst v2;
	v2 =	vnsel vm15, $0x0, v57  }
.Ltmp3:
0x149: {  	s16 =	sadd.s32 s4, s16;
	[tilespmem:s19+$0xFFFFFFF0] =	vst v2;
	(pc) =	sbr.rel @p1 .LBB2_2-.Ltmp3, $4  }
0x14a: {  	[hbm4b:s16+s3] =	stream.linear.scatter [tilespmem:s3], [sflag:$0x1], $0x4000, $0x38;
	[tilespmem:$0x4000] =	vst v63  }
0x14b: {  	_ =	swait.ge [sflag:s12], $0x4000  }
0x14c: {  	[sflag:s12] =	ssyncset.done $0x0  }
0x14d: {  	s14 =	sadd.s32 $0x80000, s14;
	[sflag:s12] =	ssyncadd.s32 $0xFFFFC000  }
.Ltmp4:
0x14e: {  	(pc) =	sbr.rel @p0 .LBB2_9-.Ltmp4, $1  }
0x14f: {  	_ =	sdelay $0x3  }
0x150: {  	s14 =	simm.s32 $0x418010  }
0x151: {  	v2 =	vadd.s32 s14, v0  }
0x152: {  	v2 =	vshll.u32 v2, $0xD  }
0x153: {  	v3 =	vadd.s32 s14, v1;
	v2 =	vor.u32 $0x19C3, v2  }
0x154: {  	v2 =	vxor.u32 v3, v2  }
0x155: {  	s29 =	simm.s32 $0x418000;
	v4 =	vshrl.u32 v2, $0x11;
	v5 =	vshll.u32 v2, $0xF  }
0x156: {  	v2 =	vadd.s32 v3, v2;
	v3 =	vor.u32 v4, v5;
	v4 =	vadd.s32 s29, v0  }
0x157: {  	v3 =	vxor.u32 v2, v3;
	v4 =	vshll.u32 v4, $0xD  }
0x158: {  	v5 =	vadd.s32 s29, v1;
	v6 =	vshrl.u32 v3, $0x6;
	v4 =	vor.u32 $0x19C3, v4  }
0x159: {  	v7 =	vshll.u32 v3, $0x1A;
	v2 =	vadd.s32 v2, v3;
	v3 =	vxor.u32 v5, v4  }
0x15a: {  	v4 =	vor.u32 v6, v7;
	v6 =	vshll.u32 v3, $0xF;
	v7 =	vshrl.u32 v3, $0x11  }
0x15b: {  	v4 =	vxor.u32 v2, v4;
	v3 =	vadd.s32 v5, v3;
	v5 =	vor.u32 v7, v6  }
0x15c: {  	v6 =	vshrl.u32 v4, $0x1A;
	v7 =	vshll.u32 v4, $0x6;
	v5 =	vxor.u32 v3, v5  }
0x15d: {  	v2 =	vadd.s32 v2, v4;
	v6 =	vor.u32 v6, v7;
	v7 =	vshrl.u32 v5, $0x6  }
0x15e: {  	v8 =	vshll.u32 v5, $0x1A;
	v3 =	vadd.s32 v3, v5;
	v5 =	vxor.u32 v2, v6  }
0x15f: {  	v4 =	vor.u32 v7, v8;
	v5 =	vadd.s32 $0xE1552D49, v5  }
0x160: {  	v4 =	vxor.u32 v3, v4;
	v2 =	vadd.s32 v5, v2  }
0x161: {  	v6 =	vshrl.u32 v4, $0x1A;
	v7 =	vshll.u32 v4, $0x6;
	v3 =	vadd.s32 v3, v4  }
0x162: {  	v4 =	vor.u32 v6, v7;
	v6 =	vshrl.u32 v5, $0xF;
	v5 =	vshll.u32 v5, $0x11  }
0x163: {  	v2 =	vadd.s32 $0xCDDB151D, v2;
	v4 =	vxor.u32 v3, v4;
	v5 =	vor.u32 v6, v5  }
0x164: {  	v4 =	vadd.s32 $0xE1552D49, v4;
	v5 =	vxor.u32 v2, v5  }
0x165: {  	v3 =	vadd.s32 v4, v3;
	v6 =	vshrl.u32 v4, $0xF;
	v4 =	vshll.u32 v4, $0x11  }
0x166: {  	v7 =	vshll.u32 v5, $0x1D;
	v3 =	vadd.s32 $0xCDDB151D, v3;
	v4 =	vor.u32 v6, v4  }
0x167: {  	v2 =	vadd.s32 v2, v5;
	v6 =	vshrl.u32 v5, $0x3;
	v4 =	vxor.u32 v3, v4  }
0x168: {  	v6 =	vor.u32 v6, v7;
	v7 =	vshrl.u32 v4, $0x3;
	v8 =	vshll.u32 v4, $0x1D  }
0x169: {  	v3 =	vadd.s32 v3, v4;
	v5 =	vxor.u32 v2, v6;
	v4 =	vor.u32 v7, v8  }
0x16a: {  	v6 =	vshrl.u32 v5, $0x10;
	v7 =	vshll.u32 v5, $0x10;
	v4 =	vxor.u32 v3, v4  }
0x16b: {  	v2 =	vadd.s32 v2, v5;
	v5 =	vor.u32 v6, v7;
	v8 =	vshrl.u32 v4, $0x10  }
0x16c: {  	v9 =	vshll.u32 v4, $0x10;
	v5 =	vxor.u32 v2, v5;
	v3 =	vadd.s32 v3, v4  }
0x16d: {  	v6 =	vor.u32 v8, v9;
	v4 =	vshrl.u32 v5, $0x8;
	v7 =	vshll.u32 v5, $0x18  }
0x16e: {  	v2 =	vadd.s32 v2, v5;
	v6 =	vxor.u32 v3, v6;
	v4 =	vor.u32 v4, v7  }
0x16f: {  	v5 =	vshrl.u32 v6, $0x8;
	v4 =	vxor.u32 v2, v4  }
0x170: {  	v7 =	vshll.u32 v6, $0x18;
	v3 =	vadd.s32 v3, v6;
	v4 =	vadd.s32 $0x375F2391, v4  }
0x171: {  	v2 =	vadd.s32 v4, v2;
	v6 =	vshrl.u32 v4, $0x13;
	v4 =	vshll.u32 v4, $0xD  }
0x172: {  	v5 =	vor.u32 v5, v7;
	v2 =	vadd.s32 $0xE1552D48, v2;
	v4 =	vor.u32 v6, v4  }
0x173: {  	v5 =	vxor.u32 v3, v5;
	v4 =	vxor.u32 v2, v4  }
0x174: {  	v5 =	vadd.s32 $0x375F2391, v5;
	v6 =	vshrl.u32 v4, $0x11;
	v7 =	vshll.u32 v4, $0xF  }
0x175: {  	v3 =	vadd.s32 v5, v3;
	v2 =	vadd.s32 v2, v4;
	v4 =	vor.u32 v6, v7  }
0x176: {  	v3 =	vadd.s32 $0xE1552D48, v3;
	v6 =	vshrl.u32 v5, $0x13;
	v4 =	vxor.u32 v2, v4  }
0x177: {  	v5 =	vshll.u32 v5, $0xD;
	v7 =	vshrl.u32 v4, $0x6;
	v8 =	vshll.u32 v4, $0x1A  }
0x178: {  	v5 =	vor.u32 v6, v5;
	v2 =	vadd.s32 v2, v4;
	v6 =	vor.u32 v7, v8  }
0x179: {  	v4 =	vxor.u32 v3, v5;
	v5 =	vxor.u32 v2, v6  }
0x17a: {  	v9 =	vshll.u32 v4, $0xF;
	v7 =	vshrl.u32 v5, $0x1A;
	v8 =	vshll.u32 v5, $0x6  }
0x17b: {  	v6 =	vshrl.u32 v4, $0x11;
	v2 =	vadd.s32 v2, v5;
	v5 =	vor.u32 v7, v8  }
0x17c: {  	v3 =	vadd.s32 v3, v4;
	v6 =	vor.u32 v6, v9;
	v4 =	vxor.u32 v2, v5  }
0x17d: {  	v5 =	vxor.u32 v3, v6;
	v4 =	vadd.s32 $0xCDDB1520, v4  }
0x17e: {  	v2 =	vadd.s32 v4, v2;
	v6 =	vshrl.u32 v4, $0xF;
	v4 =	vshll.u32 v4, $0x11  }
0x17f: {  	v3 =	vadd.s32 v3, v5;
	v2 =	vadd.s32 $0x375F238F, v2;
	v4 =	vor.u32 v6, v4  }
0x180: {  	s31 =	simm.s32 $0x418020;
	v6 =	vshll.u32 v5, $0x1A;
	v5 =	vshrl.u32 v5, $0x6;
	v4 =	vxor.u32 v2, v4  }
0x181: {  	v12 =	vadd.s32 s31, v0;
	v5 =	vor.u32 v5, v6;
	v6 =	vshrl.u32 v4, $0x3  }
0x182: {  	v7 =	vshll.u32 v4, $0x1D;
	v5 =	vxor.u32 v3, v5;
	v2 =	vadd.s32 v2, v4  }
0x183: {  	v4 =	vor.u32 v6, v7;
	v6 =	vshrl.u32 v5, $0x1A;
	v7 =	vshll.u32 v5, $0x6  }
0x184: {  	v3 =	vadd.s32 v3, v5;
	v4 =	vxor.u32 v2, v4;
	v6 =	vor.u32 v6, v7  }
0x185: {  	s30 =	simm.s32 $0x418030;
	v7 =	vshrl.u32 v4, $0x10;
	v8 =	vshll.u32 v4, $0x10;
	v2 =	vadd.s32 v2, v4  }
0x186: {  	v6 =	vxor.u32 v3, v6;
	v4 =	vor.u32 v7, v8;
	v7 =	vadd.s32 s30, v0  }
0x187: {  	v8 =	vadd.s32 s30, v1;
	v6 =	vadd.s32 $0xCDDB1520, v6;
	v5 =	vshll.u32 v7, $0xD  }
0x188: {  	v4 =	vxor.u32 v2, v4;
	v3 =	vadd.s32 v6, v3;
	v5 =	vor.u32 $0x19C3, v5  }
0x189: {  	v7 =	vshrl.u32 v4, $0x8;
	v9 =	vshll.u32 v4, $0x18;
	v5 =	vxor.u32 v8, v5  }
0x18a: {  	v2 =	vadd.s32 v2, v4;
	v10 =	vshrl.u32 v5, $0x11;
	v11 =	vshll.u32 v5, $0xF  }
0x18b: {  	v5 =	vadd.s32 v8, v5;
	v8 =	vor.u32 v10, v11;
	v10 =	vshll.u32 v12, $0xD  }
0x18c: {  	v11 =	vadd.s32 s31, v1;
	v8 =	vxor.u32 v5, v8;
	v10 =	vor.u32 $0x19C3, v10  }
0x18d: {  	v12 =	vshrl.u32 v8, $0x6;
	v13 =	vshll.u32 v8, $0x1A;
	v10 =	vxor.u32 v11, v10  }
0x18e: {  	v5 =	vadd.s32 v5, v8;
	v8 =	vshll.u32 v10, $0xF;
	v14 =	vshrl.u32 v10, $0x11  }
0x18f: {  	v12 =	vor.u32 v12, v13;
	v10 =	vadd.s32 v11, v10;
	v8 =	vor.u32 v14, v8  }
0x190: {  	v3 =	vadd.s32 $0x375F238F, v3;
	v4 =	vxor.u32 v5, v12;
	v8 =	vxor.u32 v10, v8  }
0x191: {  	v11 =	vshrl.u32 v4, $0x1A;
	v12 =	vshrl.u32 v8, $0x6;
	v13 =	vshll.u32 v8, $0x1A  }
0x192: {  	v14 =	vshll.u32 v4, $0x6;
	v8 =	vadd.s32 v10, v8;
	v10 =	vor.u32 v12, v13  }
0x193: {  	v4 =	vadd.s32 v5, v4;
	v11 =	vor.u32 v11, v14;
	v5 =	vxor.u32 v8, v10  }
0x194: {  	v10 =	vxor.u32 v4, v11;
	v11 =	vshrl.u32 v5, $0x1A;
	v12 =	vshll.u32 v5, $0x6  }
0x195: {  	v10 =	vadd.s32 $0xE1552D49, v10;
	v5 =	vadd.s32 v8, v5;
	v8 =	vor.u32 v11, v12  }
0x196: {  	v4 =	vadd.s32 v10, v4;
	v11 =	vshrl.u32 v10, $0xF;
	v10 =	vshll.u32 v10, $0x11  }
0x197: {  	v8 =	vxor.u32 v5, v8;
	v4 =	vadd.s32 $0xCDDB151D, v4;
	v10 =	vor.u32 v11, v10  }
0x198: {  	v7 =	vor.u32 v7, v9;
	v8 =	vadd.s32 $0xE1552D49, v8;
	v9 =	vxor.u32 v4, v10  }
0x199: {  	v5 =	vadd.s32 v8, v5;
	v12 =	vshrl.u32 v8, $0xF;
	v8 =	vshll.u32 v8, $0x11  }
0x19a: {  	v10 =	vshrl.u32 v9, $0x3;
	v5 =	vadd.s32 $0xCDDB151D, v5;
	v8 =	vor.u32 v12, v8  }
0x19b: {  	v13 =	vshll.u32 v9, $0x1D;
	v4 =	vadd.s32 v4, v9;
	v8 =	vxor.u32 v5, v8  }
0x19c: {  	v10 =	vor.u32 v10, v13;
	v11 =	vshrl.u32 v8, $0x3;
	v12 =	vshll.u32 v8, $0x1D  }
0x19d: {  	v9 =	vxor.u32 v4, v10;
	v5 =	vadd.s32 v5, v8;
	v8 =	vor.u32 v11, v12  }
0x19e: {  	v13 =	vshll.u32 v9, $0x10;
	v12 =	vshrl.u32 v9, $0x10;
	v8 =	vxor.u32 v5, v8  }
0x19f: {  	v4 =	vadd.s32 v4, v9;
	v9 =	vor.u32 v12, v13;
	v10 =	vshrl.u32 v8, $0x10  }
0x1a0: {  	v11 =	vshll.u32 v8, $0x10;
	v5 =	vadd.s32 v5, v8;
	v8 =	vxor.u32 v4, v9  }
0x1a1: {  	v7 =	vxor.u32 v2, v7;
	v10 =	vor.u32 v10, v11;
	v11 =	vshll.u32 v8, $0x18  }
0x1a2: {  	v4 =	vadd.s32 v4, v8;
	v9 =	vxor.u32 v5, v10;
	v10 =	vshrl.u32 v8, $0x8  }
0x1a3: {  	v12 =	vshrl.u32 v9, $0x8;
	v13 =	vshll.u32 v9, $0x18;
	v10 =	vor.u32 v10, v11  }
0x1a4: {  	v5 =	vadd.s32 v5, v9;
	v8 =	vor.u32 v12, v13;
	v9 =	vxor.u32 v4, v10  }
0x1a5: {  	v7 =	vadd.s32 $0xE1552D4C, v7;
	v8 =	vxor.u32 v5, v8;
	v9 =	vadd.s32 $0x375F2391, v9  }
0x1a6: {  	v4 =	vadd.s32 v9, v4;
	v10 =	vshrl.u32 v9, $0x13;
	v9 =	vshll.u32 v9, $0xD  }
0x1a7: {  	v8 =	vadd.s32 $0x375F2391, v8;
	v4 =	vadd.s32 $0xE1552D48, v4;
	v9 =	vor.u32 v10, v9  }
0x1a8: {  	[tilespmem:s3], [sflag:$0x1] =	stream.linear.gather [hbm4b:s8+s3], $0x937, $0x38;
	v10 =	vshll.u32 v7, $0xD;
	v5 =	vadd.s32 v8, v5;
	v11 =	vshrl.u32 v8, $0x13;
	[tilespmem:$0x4000] =	vst v63  }
0x1a9: {  	_ =	swait.ge [sflag:s12], $0x937;
	v8 =	vshll.u32 v8, $0xD;
	v9 =	vxor.u32 v4, v9;
	v5 =	vadd.s32 $0xE1552D48, v5  }
0x1aa: {  	[sflag:s12] =	ssyncset.done $0x0;
	v8 =	vor.u32 v11, v8;
	v12 =	vshrl.u32 v9, $0x11;
	v13 =	vshll.u32 v9, $0xF  }
0x1ab: {  	s14 =	simm.s32 $0x10;
	[sflag:s12] =	ssyncadd.s32 $0xFFFFF6C9;
	v4 =	vadd.s32 v4, v9;
	v9 =	vor.u32 v12, v13;
	v12 =	vadd.s32 v7, v2  }
0x1ac: {  	v11 =	vld [tilespmem:s14+$0xFFFFFFF0];
	v2 =	vxor.u32 v5, v8;
	v7 =	vshrl.u32 v7, $0x13;
	v9 =	vxor.u32 v4, v9  }
0x1ad: {  	v14 =	vshrl.u32 v2, $0x11;
	v15 =	vshll.u32 v2, $0xF;
	v5 =	vadd.s32 v5, v2  }
0x1ae: {  	v2 =	vshrl.u32 v6, $0xF;
	v7 =	vor.u32 v7, v10;
	v8 =	vshrl.u32 v9, $0x6  }
0x1af: {  	v13 =	vshll.u32 v9, $0x1A;
	v14 =	vor.u32 v14, v15;
	v4 =	vadd.s32 v4, v9  }
0x1b0: {  	v8 =	vor.u32 v8, v13;
	v13 =	vshll.u32 v6, $0x11;
	v14 =	vxor.u32 v5, v14  }
0x1b1: {  	v6 =	vadd.s32 $0xCDDB151D, v12;
	v13 =	vor.u32 v2, v13;
	v2 =	vmul.f32 $1.111111160e+00, v11  }
0x1b2: {  	v11 =	vadd.s32 v5, v14;
	v5 =	vshll.u32 v14, $0x1A;
	v7 =	vxor.u32 v6, v7  }
0x1b3: {  	v10 =	vshrl.u32 v14, $0x6;
	v8 =	vxor.u32 v4, v8;
	v9 =	vshrl.u32 v7, $0x11  }
0x1b4: {  	v12 =	vshll.u32 v7, $0xF;
	v7 =	vadd.s32 v6, v7;
	v5 =	vor.u32 v10, v5  }
0x1b5: {  	v10 =	vshll.u32 v8, $0x6;
	v6 =	vor.u32 v9, v12;
	v9 =	vshrl.u32 v8, $0x1A  }
0x1b6: {  	v4 =	vadd.s32 v4, v8;
	v8 =	vor.u32 v9, v10;
	v10 =	vxor.u32 v7, v6  }
0x1b7: {  	v12 =	vxor.u32 v11, v5;
	v6 =	vxor.u32 v4, v8;
	v8 =	vshrl.u32 v10, $0x6  }
0x1b8: {  	v9 =	vshll.u32 v10, $0x1A;
	v10 =	vadd.s32 v7, v10;
	v5 =	vadd.s32 $0xCDDB1520, v6  }
0x1b9: {  	v6 =	vxor.u32 v3, v13;
	v13 =	vshrl.u32 v12, $0x1A;
	v9 =	vor.u32 v8, v9  }
0x1ba: {  	v4 =	vadd.s32 v5, v4;
	v14 =	vshll.u32 v6, $0x1D;
	v15 =	vshrl.u32 v5, $0xF  }
0x1bb: {  	v5 =	vshll.u32 v5, $0x11;
	v16 =	vshrl.u32 v6, $0x3;
	v3 =	vadd.s32 v3, v6  }
0x1bc: {  	v4 =	vadd.s32 $0x375F238F, v4;
	v5 =	vor.u32 v15, v5;
	v15 =	vshll.u32 v12, $0x6  }
0x1bd: {  	v14 =	vor.u32 v16, v14;
	v5 =	vxor.u32 v4, v5;
	v15 =	vor.u32 v13, v15  }
0x1be: {  	v13 =	vxor.u32 v3, v14;
	v6 =	vshrl.u32 v5, $0x3;
	v14 =	vshll.u32 v5, $0x1D  }
0x1bf: {  	v62 =	vshrl.u32 v13, $0x10;
	v4 =	vadd.s32 v4, v5;
	v5 =	vor.u32 v6, v14  }
0x1c0: {  	v6 =	vshll.u32 v13, $0x10;
	v8 =	vxor.u32 v4, v5;
	v5 =	vadd.s32 v3, v13  }
0x1c1: {  	v3 =	vor.u32 v62, v6;
	v13 =	vshrl.u32 v8, $0x10;
	v14 =	vshll.u32 v8, $0x10  }
0x1c2: {  	v7 =	vld [tilespmem:s14+$0x0];
	v6 =	vxor.u32 v5, v3;
	v8 =	vadd.s32 v4, v8;
	v3 =	vor.u32 v13, v14  }
0x1c3: {  	v14 =	vshrl.u32 v6, $0x8;
	v17 =	vshll.u32 v6, $0x18;
	v63 =	vxor.u32 v8, v3  }
0x1c4: {  	v3 =	vadd.s32 v11, v12;
	v11 =	vor.u32 v14, v17;
	v12 =	vshrl.u32 v63, $0x8  }
0x1c5: {  	s18 =	simm.s32 $0x418040;
	s16 =	simm.s32 $0x30;
	s15 =	simm.s32 $0x30;
	v13 =	vshll.u32 v63, $0x18;
	v4 =	vxor.u32 v3, v15;
	v8 =	vadd.s32 v8, v63  }
.LBB2_7:
0x1c6: {  	s19 =	sadd.s32 $0x10, s18  }
0x1c7: {  	v12 =	vor.u32 v12, v13;
	s16 =	sadd.s32 $0x20, s16;
	v13 =	vadd.s32 v5, v6;
	v7 =	vmul.f32 $1.111111160e+00, v7;
	s20 =	smov.u32 s18;
	s17 =	sadd.s32 $0x20, s18  }
0x1c8: {  	p1 =	sne.s32 s18, $0x418920;
	v5 =	vadd.s32 s19, v0;
	v6 =	vxor.u32 v8, v12;
	v11 =	vxor.u32 v13, v11  }
0x1c9: {  	v12 =	vshll.u32 v5, $0xD;
	v5 =	vadd.s32 $0xE1552D4C, v6;
	v11 =	vadd.s32 $0xE1552D4C, v11  }
0x1ca: {  	v14 =	vadd.s32 s19, v1;
	v12 =	vor.u32 $0x19C3, v12;
	v6 =	vshll.u32 v5, $0xD  }
0x1cb: {  	v9 =	vxor.u32 v10, v9;
	v15 =	vadd.s32 s20, v1;
	v12 =	vxor.u32 v14, v12  }
0x1cc: {  	v10 =	vadd.s32 v10, v9;
	v16 =	vshrl.u32 v12, $0x11;
	v17 =	vshll.u32 v12, $0xF  }
0x1cd: {  	v12 =	vadd.s32 v14, v12;
	v14 =	vor.u32 v16, v17;
	v16 =	vadd.s32 $0xE1552D48, v10  }
0x1ce: {  	v13 =	vadd.s32 v11, v13;
	v17 =	vshrl.u32 v11, $0x13;
	v14 =	vxor.u32 v12, v14  }
0x1cf: {  	v11 =	vshll.u32 v11, $0xD;
	v18 =	vshrl.u32 v14, $0x6;
	v19 =	vshll.u32 v14, $0x1A  }
0x1d0: {  	v13 =	vadd.s32 $0xCDDB151D, v13;
	v12 =	vadd.s32 v12, v14;
	v14 =	vor.u32 v18, v19  }
0x1d1: {  	v11 =	vor.u32 v17, v11;
	v18 =	vadd.s32 s20, v0;
	v14 =	vxor.u32 v12, v14  }
0x1d2: {  	v11 =	vxor.u32 v13, v11;
	v17 =	vshrl.u32 v14, $0x1A;
	v19 =	vshll.u32 v14, $0x6  }
0x1d3: {  	v13 =	vadd.s32 v13, v11;
	v18 =	vshll.u32 v18, $0xD;
	v17 =	vor.u32 v17, v19  }
0x1d4: {  	v18 =	vor.u32 $0x19C3, v18;
	v12 =	vadd.s32 v12, v14;
	v14 =	vshll.u32 v11, $0xF  }
0x1d5: {  	v11 =	vshrl.u32 v11, $0x11;
	v18 =	vxor.u32 v15, v18;
	v17 =	vxor.u32 v12, v17  }
0x1d6: {  	v8 =	vadd.s32 v5, v8;
	v11 =	vor.u32 v11, v14;
	v17 =	vadd.s32 $0xE1552D49, v17  }
0x1d7: {  	v19 =	vshrl.u32 v9, $0x1A;
	v12 =	vadd.s32 v17, v12;
	v14 =	vshrl.u32 v17, $0xF  }
0x1d8: {  	v9 =	vshll.u32 v9, $0x6;
	v20 =	vshll.u32 v18, $0xF;
	v12 =	vadd.s32 $0xCDDB151D, v12  }
0x1d9: {  	v21 =	vshrl.u32 v18, $0x11;
	v11 =	vxor.u32 v13, v11;
	v9 =	vor.u32 v19, v9  }
0x1da: {  	v15 =	vadd.s32 v15, v18;
	v18 =	vor.u32 v21, v20;
	v13 =	vadd.s32 v13, v11  }
0x1db: {  	v9 =	vxor.u32 v10, v9;
	v18 =	vxor.u32 v15, v18;
	v17 =	vshll.u32 v17, $0x11  }
0x1dc: {  	v10 =	vshrl.u32 v18, $0x6;
	v14 =	vor.u32 v14, v17;
	v17 =	vshrl.u32 v11, $0x6  }
0x1dd: {  	v19 =	vshll.u32 v18, $0x1A;
	v11 =	vshll.u32 v11, $0x1A;
	v14 =	vxor.u32 v12, v14  }
0x1de: {  	v9 =	vadd.s32 $0x375F2394, v9;
	v15 =	vadd.s32 v15, v18;
	v10 =	vor.u32 v10, v19  }
0x1df: {  	v9 =	vxor.u32 v16, v9;
	v10 =	vxor.u32 v15, v10;
	v18 =	vshrl.u32 v14, $0x3  }
0x1e0: {  	v11 =	vor.u32 v17, v11;
	v19 =	vshll.u32 v14, $0x1D;
	v16 =	vshrl.u32 v10, $0x1A  }
0x1e1: {  	v11 =	vxor.u32 v13, v11;
	v17 =	vshll.u32 v10, $0x6;
	v18 =	vor.u32 v18, v19  }
0x1e2: {  	v10 =	vadd.s32 v15, v10;
	v13 =	vadd.s32 v13, v11;
	v15 =	vor.u32 v16, v17  }
0x1e3: {  	vm0 =	vgt.u32 v9, $0x199999FF;
	v12 =	vadd.s32 v12, v14;
	v15 =	vxor.u32 v10, v15  }
0x1e4: {  	v7 =	vnsel vm0, $0x0, v7;
	v14 =	vxor.u32 v12, v18;
	v9 =	vadd.s32 $0xE1552D49, v15  }
0x1e5: {  	v16 =	vshll.u32 v11, $0x6;
	v10 =	vadd.s32 v9, v10;
	v15 =	vshrl.u32 v9, $0xF;
	[tilespmem:s14+$0x0] =	vst v7  }
0x1e6: {  	v10 =	vadd.s32 $0xCDDB151D, v10;
	v7 =	vshll.u32 v9, $0x11;
	v9 =	vshrl.u32 v11, $0x1A  }
0x1e7: {  	v11 =	vor.u32 v15, v7;
	v15 =	vshrl.u32 v14, $0x10;
	v9 =	vor.u32 v9, v16;
	v7 =	vld [tilespmem:s15+$0x0]  }
0x1e8: {  	v11 =	vxor.u32 v10, v11;
	v9 =	vxor.u32 v13, v9;
	v13 =	vadd.s32 $0xE1552D48, v13  }
0x1e9: {  	v16 =	vshrl.u32 v11, $0x3;
	v17 =	vshll.u32 v11, $0x1D;
	v9 =	vadd.s32 $0x375F2394, v9  }
0x1ea: {  	v10 =	vadd.s32 v10, v11;
	v11 =	vor.u32 v16, v17;
	v9 =	vxor.u32 v13, v9  }
0x1eb: {  	v13 =	vshll.u32 v14, $0x10;
	v11 =	vxor.u32 v10, v11;
	vm0 =	vgt.u32 v9, $0x199999FF  }
0x1ec: {  	v9 =	vshrl.u32 v11, $0x10;
	v16 =	vshll.u32 v11, $0x10;
	v2 =	vnsel vm0, $0x0, v2  }
0x1ed: {  	v12 =	vadd.s32 v12, v14;
	v13 =	vor.u32 v15, v13;
	v9 =	vor.u32 v9, v16;
	[tilespmem:s14+$0xFFFFFFF0] =	vst v2;
	s14 =	smov.u32 s15;
	s15 =	smov.u32 s16  }
0x1ee: {  	v2 =	vadd.s32 v10, v11;
	v10 =	vxor.u32 v12, v13  }
0x1ef: {  	v9 =	vxor.u32 v2, v9;
	v11 =	vshrl.u32 v10, $0x8;
	v13 =	vshll.u32 v10, $0x18  }
0x1f0: {  	v14 =	vshrl.u32 v9, $0x8;
	v15 =	vshll.u32 v9, $0x18;
	v11 =	vor.u32 v11, v13  }
0x1f1: {  	v10 =	vadd.s32 v12, v10;
	v2 =	vadd.s32 v2, v9;
	v9 =	vor.u32 v14, v15  }
0x1f2: {  	v11 =	vxor.u32 v10, v11;
	v9 =	vxor.u32 v2, v9  }
0x1f3: {  	v11 =	vadd.s32 $0x375F2391, v11;
	v9 =	vadd.s32 $0x375F2391, v9  }
0x1f4: {  	v10 =	vadd.s32 v11, v10;
	v2 =	vadd.s32 v9, v2;
	v12 =	vshrl.u32 v9, $0x13  }
0x1f5: {  	v13 =	vshrl.u32 v11, $0x13;
	v11 =	vshll.u32 v11, $0xD;
	v2 =	vadd.s32 $0xE1552D48, v2  }
0x1f6: {  	v10 =	vadd.s32 $0xE1552D48, v10;
	v11 =	vor.u32 v13, v11  }
0x1f7: {  	v11 =	vxor.u32 v10, v11  }
0x1f8: {  	v10 =	vadd.s32 v10, v11;
	v13 =	vshrl.u32 v11, $0x11;
	v11 =	vshll.u32 v11, $0xF  }
0x1f9: {  	v9 =	vshll.u32 v9, $0xD;
	v11 =	vor.u32 v13, v11  }
0x1fa: {  	v9 =	vor.u32 v12, v9;
	v11 =	vxor.u32 v10, v11;
	v12 =	vld [tilespmem:s14+$0xFFFFFFF0]  }
0x1fb: {  	v9 =	vxor.u32 v2, v9;
	v13 =	vshrl.u32 v11, $0x6;
	v14 =	vshll.u32 v11, $0x1A  }
0x1fc: {  	v4 =	vadd.s32 $0xCDDB1520, v4;
	v15 =	vshrl.u32 v9, $0x11;
	v16 =	vshll.u32 v9, $0xF  }
0x1fd: {  	v15 =	vor.u32 v15, v16;
	v13 =	vor.u32 v13, v14;
	v14 =	vshll.u32 v4, $0x11  }
0x1fe: {  	v9 =	vadd.s32 v2, v9;
	v2 =	vshrl.u32 v4, $0xF  }
0x1ff: {  	v15 =	vxor.u32 v9, v15;
	v14 =	vor.u32 v2, v14;
	v2 =	vmul.f32 $1.111111160e+00, v12  }
0x200: {  	v3 =	vadd.s32 v4, v3;
	v5 =	vshrl.u32 v5, $0x13;
	v4 =	vadd.s32 $0xCDDB151D, v8  }
0x201: {  	v5 =	vor.u32 v5, v6;
	v8 =	vadd.s32 v9, v15;
	v9 =	vshll.u32 v15, $0x1A  }
0x202: {  	v3 =	vadd.s32 $0x375F238F, v3;
	v6 =	vshrl.u32 v15, $0x6;
	v5 =	vxor.u32 v4, v5  }
0x203: {  	v10 =	vadd.s32 v10, v11;
	v11 =	vshrl.u32 v5, $0x11;
	v12 =	vshll.u32 v5, $0xF  }
0x204: {  	v13 =	vxor.u32 v10, v13;
	v4 =	vadd.s32 v4, v5;
	v5 =	vor.u32 v11, v12  }
0x205: {  	v6 =	vor.u32 v6, v9;
	v9 =	vshrl.u32 v13, $0x1A;
	v11 =	vshll.u32 v13, $0x6  }
0x206: {  	v10 =	vadd.s32 v10, v13;
	v9 =	vor.u32 v9, v11;
	v11 =	vxor.u32 v4, v5  }
0x207: {  	v5 =	vxor.u32 v10, v9;
	v9 =	vshrl.u32 v11, $0x6;
	v12 =	vshll.u32 v11, $0x1A  }
0x208: {  	v13 =	vxor.u32 v8, v6;
	v6 =	vxor.u32 v3, v14;
	v5 =	vadd.s32 $0xCDDB1520, v5  }
0x209: {  	v14 =	vshrl.u32 v13, $0x1A;
	v15 =	vshll.u32 v6, $0x1D;
	v10 =	vadd.s32 v5, v10  }
0x20a: {  	v17 =	vshrl.u32 v6, $0x3;
	v16 =	vshrl.u32 v5, $0xF;
	v5 =	vshll.u32 v5, $0x11  }
0x20b: {  	v15 =	vor.u32 v17, v15;
	v10 =	vadd.s32 $0x375F238F, v10;
	v5 =	vor.u32 v16, v5  }
0x20c: {  	v3 =	vadd.s32 v3, v6;
	v16 =	vshll.u32 v13, $0x6;
	v5 =	vxor.u32 v10, v5  }
0x20d: {  	v15 =	vxor.u32 v3, v15;
	v14 =	vor.u32 v14, v16;
	v6 =	vshrl.u32 v5, $0x3  }
0x20e: {  	v9 =	vor.u32 v9, v12;
	v17 =	vshrl.u32 v15, $0x10;
	v16 =	vshll.u32 v5, $0x1D  }
0x20f: {  	v10 =	vadd.s32 v10, v5;
	v5 =	vor.u32 v6, v16;
	v6 =	vshll.u32 v15, $0x10  }
0x210: {  	v12 =	vxor.u32 v10, v5;
	v5 =	vadd.s32 v3, v15;
	v3 =	vor.u32 v17, v6  }
.Ltmp5:
0x211: {  	v15 =	vshrl.u32 v12, $0x10;
	v16 =	vshll.u32 v12, $0x10;
	v6 =	vxor.u32 v5, v3;
	(pc) =	sbr.rel @p1 .LBB2_7-.Ltmp5, $4  }
0x212: {  	v17 =	vadd.s32 v10, v12;
	v3 =	vor.u32 v15, v16;
	v15 =	vshrl.u32 v6, $0x8  }
0x213: {  	v10 =	vadd.s32 v4, v11;
	v18 =	vshll.u32 v6, $0x18;
	v16 =	vxor.u32 v17, v3  }
0x214: {  	v3 =	vadd.s32 v8, v13;
	v12 =	vshrl.u32 v16, $0x8;
	v13 =	vshll.u32 v16, $0x18  }
0x215: {  	s18 =	smov.u32 s17;
	v11 =	vor.u32 v15, v18;
	v4 =	vxor.u32 v3, v14;
	v8 =	vadd.s32 v17, v16  }
0x216: {  	v12 =	vor.u32 v12, v13  }
0x217: {  	v5 =	vadd.s32 v5, v6;
	v7 =	vmul.f32 $1.111111160e+00, v7;
	v9 =	vxor.u32 v10, v9  }
0x218: {  	v4 =	vadd.s32 $0xCDDB1520, v4;
	v22 =	vxor.u32 v8, v12;
	v11 =	vxor.u32 v5, v11  }
0x219: {  	v10 =	vadd.s32 v10, v9;
	v26 =	vshrl.u32 v9, $0x1A;
	v9 =	vshll.u32 v9, $0x6  }
0x21a: {  	v30 =	vshll.u32 v4, $0x11;
	v31 =	vshrl.u32 v4, $0xF;
	v3 =	vadd.s32 v4, v3  }
0x21b: {  	v6 =	vadd.s32 $0xE1552D4C, v22;
	v11 =	vadd.s32 $0xE1552D4C, v11;
	v14 =	vadd.s32 $0xE1552D48, v10  }
0x21c: {  	v9 =	vor.u32 v26, v9;
	v33 =	vor.u32 v31, v30;
	v3 =	vadd.s32 $0x375F238F, v3  }
0x21d: {  	v5 =	vadd.s32 v11, v5;
	v23 =	vshrl.u32 v11, $0x13;
	v11 =	vshll.u32 v11, $0xD  }
0x21e: {  	v9 =	vxor.u32 v10, v9;
	v5 =	vadd.s32 $0xCDDB151D, v5;
	v11 =	vor.u32 v23, v11  }
0x21f: {  	v24 =	vshll.u32 v6, $0xD;
	v9 =	vadd.s32 $0x375F2394, v9;
	v11 =	vxor.u32 v5, v11  }
0x220: {  	v5 =	vadd.s32 v5, v11;
	v25 =	vshll.u32 v11, $0xF;
	v11 =	vshrl.u32 v11, $0x11  }
0x221: {  	v29 =	vadd.s32 v6, v8;
	v9 =	vxor.u32 v14, v9;
	v11 =	vor.u32 v11, v25  }
0x222: {  	v6 =	vshrl.u32 v6, $0x13;
	vm0 =	vgt.u32 v9, $0x199999FF;
	v11 =	vxor.u32 v5, v11  }
0x223: {  	v32 =	vnsel vm0, $0x0, v7;
	v27 =	vshrl.u32 v11, $0x6;
	v28 =	vshll.u32 v11, $0x1A  }
0x224: {  	v7 =	vxor.u32 v3, v33;
	v5 =	vadd.s32 v5, v11;
	v10 =	vor.u32 v27, v28  }
0x225: {  	v35 =	vshll.u32 v7, $0x1D;
	v36 =	vshrl.u32 v7, $0x3;
	v10 =	vxor.u32 v5, v10  }
0x226: {  	v5 =	vadd.s32 v5, v10;
	v34 =	vshll.u32 v10, $0x6;
	v10 =	vshrl.u32 v10, $0x1A  }
0x227: {  	v3 =	vadd.s32 v3, v7;
	v9 =	vor.u32 v10, v34;
	v10 =	vor.u32 v36, v35  }
0x228: {  	v9 =	vxor.u32 v5, v9;
	v5 =	vadd.s32 $0xE1552D48, v5;
	v38 =	vxor.u32 v3, v10  }
0x229: {  	[tilespmem:s14+$0x0] =	vst v32;
	v37 =	vadd.s32 $0x375F2394, v9;
	v39 =	vshrl.u32 v38, $0x10;
	v10 =	vshll.u32 v38, $0x10  }
0x22a: {  	v48 =	vld [tilespmem:s15+$0x0];
	v3 =	vadd.s32 v3, v38;
	v5 =	vxor.u32 v5, v37;
	v40 =	vor.u32 v39, v10  }
0x22b: {  	v41 =	vadd.s32 $0xCDDB151D, v29;
	vm13 =	vgt.u32 v5, $0x199999FF;
	v5 =	vxor.u32 v3, v40  }
0x22c: {  	v6 =	vor.u32 v6, v24;
	v42 =	vshrl.u32 v5, $0x8;
	v43 =	vshll.u32 v5, $0x18  }
0x22d: {  	v6 =	vxor.u32 v41, v6;
	v3 =	vadd.s32 v3, v5;
	v8 =	vor.u32 v42, v43  }
0x22e: {  	v44 =	vshrl.u32 v6, $0x11;
	v45 =	vshll.u32 v6, $0xF;
	v8 =	vxor.u32 v3, v8  }
0x22f: {  	v46 =	vadd.s32 v41, v6;
	v54 =	vmul.f32 $1.111111160e+00, v48;
	v47 =	vadd.s32 $0xE1552D4C, v8  }
0x230: {  	v3 =	vadd.s32 v47, v3;
	v8 =	vshrl.u32 v47, $0x13;
	v6 =	vshll.u32 v47, $0xD  }
0x231: {  	v5 =	vor.u32 v44, v45;
	v3 =	vadd.s32 $0xCDDB151D, v3;
	v6 =	vor.u32 v8, v6  }
0x232: {  	v2 =	vnsel vm13, $0x0, v2;
	v5 =	vxor.u32 v46, v5;
	v6 =	vxor.u32 v3, v6  }
0x233: {  	v49 =	vshrl.u32 v5, $0x6;
	v51 =	vshll.u32 v6, $0xF;
	v52 =	vshrl.u32 v6, $0x11  }
0x234: {  	v50 =	vshll.u32 v5, $0x1A;
	v3 =	vadd.s32 v3, v6;
	v53 =	vor.u32 v52, v51  }
0x235: {  	v4 =	vadd.s32 v46, v5;
	v8 =	vor.u32 v49, v50;
	v6 =	vxor.u32 v3, v53  }
0x236: {  	v55 =	vxor.u32 v4, v8;
	v56 =	vshrl.u32 v6, $0x6;
	v57 =	vshll.u32 v6, $0x1A  }
0x237: {  	[tilespmem:s14+$0xFFFFFFF0] =	vst v2;
	v2 =	vadd.s32 v4, v55;
	v3 =	vadd.s32 v3, v6;
	v58 =	vor.u32 v56, v57  }
0x238: {  	v59 =	vld [tilespmem:s15+$0xFFFFFFF0];
	v60 =	vshrl.u32 v55, $0x1A;
	v7 =	vshll.u32 v55, $0x6;
	v4 =	vxor.u32 v3, v58  }
0x239: {  	v7 =	vor.u32 v60, v7;
	v61 =	vshll.u32 v4, $0x6;
	v62 =	vshrl.u32 v4, $0x1A  }
0x23a: {  	v7 =	vxor.u32 v2, v7;
	v3 =	vadd.s32 v3, v4;
	v63 =	vor.u32 v62, v61  }
0x23b: {  	v2 =	vadd.s32 $0xE1552D48, v2;
	v7 =	vadd.s32 $0x375F2394, v7;
	v4 =	vxor.u32 v3, v63  }
0x23c: {  	v2 =	vxor.u32 v2, v7;
	v3 =	vadd.s32 $0xE1552D48, v3;
	v4 =	vadd.s32 $0x375F2394, v4  }
0x23d: {  	v6 =	vmul.f32 $1.111111160e+00, v59;
	vm14 =	vgt.u32 v2, $0x199999FF;
	v2 =	vxor.u32 v3, v4  }
0x23e: {  	v3 =	vnsel vm14, $0x0, v54;
	vm15 =	vgt.u32 v2, $0x199999FF  }
0x23f: {  	[tilespmem:s15+$0x0] =	vst v3;
	v2 =	vnsel vm15, $0x0, v6  }
.Ltmp6:
0x240: {  	[tilespmem:s15+$0xFFFFFFF0] =	vst v2;
	(pc) =	sbr.rel .LBB2_9-.Ltmp6, $4  }
0x241: {  	[hbm4b:s9+s3] =	stream.linear.scatter [tilespmem:s3], [sflag:$0x1], $0x937, $0x38;
	[tilespmem:$0x4000] =	vst v63  }
0x242: {  	_ =	swait.ge [sflag:s12], $0x937  }
0x243: {  	[sflag:s12] =	ssyncset.done $0x0  }
0x244: {  	[sflag:s12] =	ssyncadd.s32 $0xFFFFF6C9  }
.LBB2_10:
0x245: {  	_ =	sfence.sel $0x180000  }
0x246: {  	[bflag:$0x0] =	sbarrier.arrive $0xFFFF  }
0x247: {  	p0 =	sne.s32 s2, $0x0;
	_ =	strace $0x90000047  }
0x248: {  	s0 =	sadd.s32 @!p0 $0x100000, s0;
	[bflag:$0x2] =	sbarrier.arrive $0xFFFF  }
0x249: {  	[sflag:s0] =	ssyncadd.tile.s32 @!p0 $0x1;
	_ =	shalt  }
.Lfunc_end2:
_tile_overlayer_lowered:
.L_overlay_start_2:
0x24a: {  	(tag) =	ssettag $0x2  }
0x24b: {  	s0 =	rddreg [dreg:$0x0];
	s2 =	stileid.u32  }
0x24c: {  	s1 =	rddreg [dreg:$0x1];
	p0 =	sne.s32 s2, $0x0  }
0x24d: {  	s3 =	rddreg [dreg:$0x2];
	[bflag:$0x3] =	sbarrier.arrive $0xFFFF;
	s2 =	simm.s32 @!p0 $0x1C01  }
0x24e: {  	[timem:s3], [sflag:s2] =	dma.local @!p0 [hbm:s0], s1  }
0x24f: {  	s0 =	simm.s32 @!p0 $0x1  }
0x250: {  	_ =	swait.ge @!p0 [sflag:s0], s1  }
0x251: {  	s1 =	ssub.s32 @!p0 $0x0, s1;
	[sflag:s0] =	ssyncset.done @!p0 $0x0  }
0x252: {  	[sflag:s0] =	ssyncadd.s32 @!p0 s1  }
0x253: {  	[bflag:$0x3] =	sbarrier.arrive $0xFFFF  }
0x254: {  	_ =	shalt  }

</sc_bundles>
